<compile_context>
chip_gen: v7x
topology: tpu7x:2x2x1
jax: 0.10.2.dev20260603
libtpu: 0.0.44.dev20260713+nightly
codegen_flags: <defaults>
</compile_context>

<pallas_src>
import functools

import jax
import jax.numpy as jnp
from jax import lax
from jax.experimental import pallas as pl
from jax.experimental.pallas import tpu as pltpu
from jax.experimental.pallas import tpu_sc as plsc

_N = 10000
_E = 320000
_D = 128
_NC = 2
_NS = 16
_NW = _NC * _NS
_EPW = _E // _NW
_K = 80
_NCHUNK = _EPW // _K
_NP = 10240
_RPT = _NP // _NS


def _sc_kernel_body(x_hbm, src_hbm, dst_hbm, acc_hbm, cnt_hbm,
                    sidx0, didx0, sidx1, didx1, sidx2, didx2, sidx3, didx3,
                    xs0, xd0, xs1, xd1, ones_v, zrow,
                    acc_sh, cnt_sh,
                    gsem0, gsem1, isem0, isem1, isem2, isem3, ssem0, ssem1):
    c = lax.axis_index("c")
    s = lax.axis_index("s")
    sidx = (sidx0, sidx1, sidx2, sidx3)
    didx = (didx0, didx1, didx2, didx3)
    xs = (xs0, xs1)
    xd = (xd0, xd1)
    gsem = (gsem0, gsem1)
    isem = (isem0, isem1, isem2, isem3)
    ssem = (ssem0, ssem1)

    zf = jnp.zeros((16,), jnp.float32)
    of = jnp.ones((16,), jnp.float32)

    def _zrow(i, carry):
        for j in range(_D // 16):
            xs0[i, pl.ds(j * 16, 16)] = zf
        return carry
    lax.fori_loop(0, _K, _zrow, 0)
    for r in range(_RPT // _K):
        pltpu.sync_copy(xs0, acc_sh.at[pl.ds(s * _RPT + r * _K, _K)])

    def _zcnt(i, carry):
        ones_v[pl.ds(i * 16, 16)] = of
        return carry
    lax.fori_loop(0, _K // 16, _zcnt, 0)

    def _zrest(i, carry):
        zrow[pl.ds(i * 16, 16)] = zf
        return carry
    lax.fori_loop(0, _RPT // 16, _zrest, 0)
    pltpu.sync_copy(zrow, cnt_sh.at[pl.ds(s * _RPT, _RPT)])

    plsc.subcore_barrier()

    ebase = c * (_E // _NC) + s * _EPW

    def _idx_copies(t, im):
        eb = ebase + t * _K
        return (pltpu.make_async_copy(src_hbm.at[pl.ds(eb, _K)], sidx[im], isem[im]),
                pltpu.make_async_copy(dst_hbm.at[pl.ds(eb, _K)], didx[im], isem[im]))

    def _gather_copies(m, im):
        return (pltpu.make_async_copy(x_hbm.at[sidx[im]], xs[m], gsem[m]),
                pltpu.make_async_copy(x_hbm.at[didx[im]], xd[m], gsem[m]))

    def _scatter_copies(m, im):
        return (pltpu.make_async_copy(xs[m], acc_sh.at[didx[im]], ssem[m]),
                pltpu.make_async_copy(ones_v, cnt_sh.at[didx[im]], ssem[m]))

    def _process(t, m, im):
        q = 1 - m
        for cp in _gather_copies(m, im):
            cp.wait()

        @pl.when(t >= 1)
        def _():
            for cp in _scatter_copies(q, (im + 3) % 4):
                cp.wait()

        @pl.when(t + 1 < _NCHUNK)
        def _():
            for cp in _idx_copies(t + 1, (im + 1) % 4):
                cp.wait()
            for cp in _gather_copies(q, (im + 1) % 4):
                cp.start()

        @pl.when(t + 2 < _NCHUNK)
        def _():
            for cp in _idx_copies(t + 2, (im + 2) % 4):
                cp.start()

        xsm = xs[m]
        xdm = xd[m]

        @plsc.parallel_loop(0, _K, 1, unroll=2)
        def _edge(e):
            diffs = []
            for j in range(_D // 16):
                sl = pl.ds(j * 16, 16)
                diffs.append(xsm[e, sl] - xdm[e, sl])
            sq = diffs[0] * diffs[0]
            for j in range(1, _D // 16):
                sq = sq + diffs[j] * diffs[j]
            tot = jnp.sum(sq)
            inv = jnp.full((16,), -1.0, jnp.float32) / jnp.broadcast_to(tot, (16,))
            for j in range(_D // 16):
                xsm[e, pl.ds(j * 16, 16)] = diffs[j] * inv

        pltpu.async_copy(xsm, acc_sh.at[didx[im]], ssem[m], add=True)
        pltpu.async_copy(ones_v, cnt_sh.at[didx[im]], ssem[m], add=True)

    for cp in _idx_copies(0, 0):
        cp.start()
    for cp in _idx_copies(0, 0):
        cp.wait()
    for cp in _gather_copies(0, 0):
        cp.start()
    for cp in _idx_copies(1, 1):
        cp.start()

    def _quad(b, carry):
        _process(4 * b, 0, 0)
        _process(4 * b + 1, 1, 1)
        _process(4 * b + 2, 0, 2)
        _process(4 * b + 3, 1, 3)
        return carry
    lax.fori_loop(0, _NCHUNK // 4, _quad, 0)
    _process(_NCHUNK - 1, 0, (_NCHUNK - 1) % 4)

    for cp in _scatter_copies(0, (_NCHUNK - 1) % 4):
        cp.wait()

    plsc.subcore_barrier()
    pltpu.sync_copy(acc_sh.at[pl.ds(s * _RPT, _RPT)],
                    acc_hbm.at[c, pl.ds(s * _RPT, _RPT)])
    pltpu.sync_copy(cnt_sh.at[pl.ds(s * _RPT, _RPT)],
                    cnt_hbm.at[pl.ds(c * _NP + s * _RPT, _RPT)])


_sc_kernel = functools.partial(
    pl.kernel,
    out_type=(
        jax.ShapeDtypeStruct((_NC, _NP, _D), jnp.float32),
        jax.ShapeDtypeStruct((_NC * _NP,), jnp.float32),
    ),
    mesh=plsc.VectorSubcoreMesh(core_axis_name="c", subcore_axis_name="s"),
    compiler_params=pltpu.CompilerParams(needs_layout_passes=False),
    scratch_types=[
        pltpu.VMEM((_K,), jnp.int32),
        pltpu.VMEM((_K,), jnp.int32),
        pltpu.VMEM((_K,), jnp.int32),
        pltpu.VMEM((_K,), jnp.int32),
        pltpu.VMEM((_K,), jnp.int32),
        pltpu.VMEM((_K,), jnp.int32),
        pltpu.VMEM((_K,), jnp.int32),
        pltpu.VMEM((_K,), jnp.int32),
        pltpu.VMEM((_K, _D), jnp.float32),
        pltpu.VMEM((_K, _D), jnp.float32),
        pltpu.VMEM((_K, _D), jnp.float32),
        pltpu.VMEM((_K, _D), jnp.float32),
        pltpu.VMEM((_K,), jnp.float32),
        pltpu.VMEM((_RPT,), jnp.float32),
        pltpu.VMEM_SHARED((_NP, _D), jnp.float32),
        pltpu.VMEM_SHARED((_NP,), jnp.float32),
        pltpu.SemaphoreType.DMA,
        pltpu.SemaphoreType.DMA,
        pltpu.SemaphoreType.DMA,
        pltpu.SemaphoreType.DMA,
        pltpu.SemaphoreType.DMA,
        pltpu.SemaphoreType.DMA,
        pltpu.SemaphoreType.DMA,
        pltpu.SemaphoreType.DMA,
    ],
)(_sc_kernel_body)


_RB = 1024


def _fin_body(acc_ref, cnt_ref, ratio_ref, out_ref):
    p = acc_ref[0] + acc_ref[1]
    c = jnp.maximum(cnt_ref[0] + cnt_ref[1], 1.0)
    cnt = jnp.transpose(c.reshape(1, _RB))
    out_ref[...] = ratio_ref[0, 0] * p / cnt


def kernel(x, edge_index, batch, ratio):
    src = edge_index[0]
    dst = edge_index[1]
    acc, cnt = _sc_kernel(x, src, dst)
    cnt2 = cnt.reshape(_NC, _NP)
    out = pl.pallas_call(
        _fin_body,
        grid=(_NP // _RB,),
        in_specs=[
            pl.BlockSpec((_NC, _RB, _D), lambda i: (0, i, 0)),
            pl.BlockSpec((_NC, _RB), lambda i: (0, i)),
            pl.BlockSpec((1, 1), lambda i: (0, 0)),
        ],
        out_specs=pl.BlockSpec((_RB, _D), lambda i: (i, 0)),
        out_shape=jax.ShapeDtypeStruct((_N, _D), jnp.float32),
    )(acc, cnt2, ratio.reshape(1, 1))
    return out

# --- scband reference (transcript-rebuilt; emitter-appended) ---
"""Pipeline reference for scband-p-update-40647570489989 (READ-ONLY COPY).

The authoritative reference and input builder live on the scoring server;
editing this copy changes nothing except your own understanding.
"""

import jax, jax.numpy as jnp
import numpy as np

P = 2.0
N = 10000
E = 320000
D = 128


def setup_inputs(seed: int = 0) -> dict:
    key = jax.random.key(seed)
    k1, k2, k3 = jax.random.split(key, 3)
    x = jax.random.normal(k1, (N, D), dtype=jnp.float32)
    src = jax.random.randint(k2, (E,), 0, N, dtype=jnp.int32)
    # avoid self-loops (which would give 0/0 in the message norm)
    offset = jax.random.randint(k3, (E,), 1, N, dtype=jnp.int32)
    dst = (src + offset) % N
    edge_index = jnp.stack([src, dst], axis=0)
    batch = jnp.zeros((N,), dtype=jnp.int32)
    ratio = jnp.ones((1,), dtype=jnp.float32)
    return {"x": x, "edge_index": edge_index, "batch": batch, "ratio": ratio}


def reference(x, edge_index, batch, ratio):
    # EdgeConv_norm with aggr='mean':
    #   message: -(x_j - x_i) / sum((x_j - x_i)^2, axis=1, keepdims=True)**(p/2)
    #   x_i = x[dst], x_j = x[src]; aggregate mean over incoming edges at dst.
    src = edge_index[0]
    dst = edge_index[1]
    x_i = jnp.take(x, dst, axis=0)
    x_j = jnp.take(x, src, axis=0)
    diff = x_j - x_i
    denom = jnp.sum(diff ** 2, axis=1, keepdims=True) ** (P / 2.0)
    msg = -diff / denom
    summed = jax.ops.segment_sum(msg, dst, num_segments=N)
    count = jax.ops.segment_sum(jnp.ones((E, 1), dtype=jnp.float32), dst, num_segments=N)
    mean = summed / jnp.maximum(count, 1.0)
    # P_update.forward: out = ratio * conv_spatial(x, edge_index)
    return ratio * mean

if __name__ == "__main__":
    import jax
    _d = setup_inputs()
    print(jax.jit(kernel)(*tuple(_d.values())))

</pallas_src>

<mosaic_0001>
#map = affine_map<(d0, d1) -> (0, 0)>
#map1 = affine_map<(d0, d1) -> (0)>
#map2 = affine_map<(d0, d1) -> (0, 0, 0)>
module attributes {stable_mosaic.version = 14 : i64} {
  func.func @_sc_kernel_body(%arg0: i32, %arg1: i32, %arg2: memref<10000x128xf32, #tpu.memory_space<hbm>>, %arg3: memref<320000xi32, #tpu.memory_space<hbm>>, %arg4: memref<320000xi32, #tpu.memory_space<hbm>>, %arg5: memref<2x10240x128xf32, #tpu.memory_space<hbm>>, %arg6: memref<20480xf32, #tpu.memory_space<hbm>>, %arg7: memref<80xi32, #tpu.memory_space<vmem>>, %arg8: memref<80xi32, #tpu.memory_space<vmem>>, %arg9: memref<80xi32, #tpu.memory_space<vmem>>, %arg10: memref<80xi32, #tpu.memory_space<vmem>>, %arg11: memref<80xi32, #tpu.memory_space<vmem>>, %arg12: memref<80xi32, #tpu.memory_space<vmem>>, %arg13: memref<80xi32, #tpu.memory_space<vmem>>, %arg14: memref<80xi32, #tpu.memory_space<vmem>>, %arg15: memref<80x128xf32, #tpu.memory_space<vmem>>, %arg16: memref<80x128xf32, #tpu.memory_space<vmem>>, %arg17: memref<80x128xf32, #tpu.memory_space<vmem>>, %arg18: memref<80x128xf32, #tpu.memory_space<vmem>>, %arg19: memref<80xf32, #tpu.memory_space<vmem>>, %arg20: memref<640xf32, #tpu.memory_space<vmem>>, %arg21: memref<10240x128xf32, #tpu.memory_space<vmem_shared>>, %arg22: memref<10240xf32, #tpu.memory_space<vmem_shared>>, %arg23: memref<!tpu.dma_semaphore, #tpu.memory_space<semaphore_mem>>, %arg24: memref<!tpu.dma_semaphore, #tpu.memory_space<semaphore_mem>>, %arg25: memref<!tpu.dma_semaphore, #tpu.memory_space<semaphore_mem>>, %arg26: memref<!tpu.dma_semaphore, #tpu.memory_space<semaphore_mem>>, %arg27: memref<!tpu.dma_semaphore, #tpu.memory_space<semaphore_mem>>, %arg28: memref<!tpu.dma_semaphore, #tpu.memory_space<semaphore_mem>>, %arg29: memref<!tpu.dma_semaphore, #tpu.memory_space<semaphore_mem>>, %arg30: memref<!tpu.dma_semaphore, #tpu.memory_space<semaphore_mem>>) attributes {dimension_semantics = [#tpu.dimension_semantics<core_parallel>, #tpu.dimension_semantics<subcore_parallel>], iteration_bounds = array<i64: 2, 16>, scalar_prefetch = 0 : i64, scratch_operands = 24 : i64, tpu.core_type = #tpu.core_type<sc_vector_subcore>, window_params = [{transform_indices = #map}, {transform_indices = #map1}, {transform_indices = #map1}, {transform_indices = #map2}, {transform_indices = #map1}]} {
    %broadcast_in_dim3A = arith.constant 0.000000e+00 : f32
    %broadcast_in_dim3A_0 = vector.broadcast %broadcast_in_dim3A : f32 to vector<16xf32>
    %broadcast_in_dim3A_1 = arith.constant 1.000000e+00 : f32
    %broadcast_in_dim3A_2 = vector.broadcast %broadcast_in_dim3A_1 : f32 to vector<16xf32>
    %scan3A = arith.constant 0 : i32
    %scan3A_3 = arith.constant 0 : i32
    %scan3A_4 = arith.constant 80 : i32
    %scan3A_5 = arith.addi %scan3A_3, %scan3A_4 : i32
    %scan3A_6 = arith.constant 1 : i32
    scf.for %scan3A_120 = %scan3A_3 to %scan3A_5 step %scan3A_6  : i32 {
      %swap3A = arith.index_cast %scan3A_120 : i32 to index
      %swap3A_121 = arith.constant 0 : index
      %swap3A_122 = tpu.vector_load %arg15[%swap3A, %swap3A_121] {strides = array<i32>} : memref<80x128xf32, #tpu.memory_space<vmem>>, vector<16xf32>,
      tpu.vector_store %arg15[%swap3A, %swap3A_121], %broadcast_in_dim3A_0 {strides = array<i32>} : memref<80x128xf32, #tpu.memory_space<vmem>>, vector<16xf32>,
      %swap3A_123 = arith.index_cast %scan3A_120 : i32 to index
      %swap3A_124 = arith.constant 16 : index
      %swap3A_125 = tpu.vector_load %arg15[%swap3A_123, %swap3A_124] {strides = array<i32>} : memref<80x128xf32, #tpu.memory_space<vmem>>, vector<16xf32>,
      tpu.vector_store %arg15[%swap3A_123, %swap3A_124], %broadcast_in_dim3A_0 {strides = array<i32>} : memref<80x128xf32, #tpu.memory_space<vmem>>, vector<16xf32>,
      %swap3A_126 = arith.index_cast %scan3A_120 : i32 to index
      %swap3A_127 = arith.constant 32 : index
      %swap3A_128 = tpu.vector_load %arg15[%swap3A_126, %swap3A_127] {strides = array<i32>} : memref<80x128xf32, #tpu.memory_space<vmem>>, vector<16xf32>,
      tpu.vector_store %arg15[%swap3A_126, %swap3A_127], %broadcast_in_dim3A_0 {strides = array<i32>} : memref<80x128xf32, #tpu.memory_space<vmem>>, vector<16xf32>,
      %swap3A_129 = arith.index_cast %scan3A_120 : i32 to index
      %swap3A_130 = arith.constant 48 : index
      %swap3A_131 = tpu.vector_load %arg15[%swap3A_129, %swap3A_130] {strides = array<i32>} : memref<80x128xf32, #tpu.memory_space<vmem>>, vector<16xf32>,
      tpu.vector_store %arg15[%swap3A_129, %swap3A_130], %broadcast_in_dim3A_0 {strides = array<i32>} : memref<80x128xf32, #tpu.memory_space<vmem>>, vector<16xf32>,
      %swap3A_132 = arith.index_cast %scan3A_120 : i32 to index
      %swap3A_133 = arith.constant 64 : index
      %swap3A_134 = tpu.vector_load %arg15[%swap3A_132, %swap3A_133] {strides = array<i32>} : memref<80x128xf32, #tpu.memory_space<vmem>>, vector<16xf32>,
      tpu.vector_store %arg15[%swap3A_132, %swap3A_133], %broadcast_in_dim3A_0 {strides = array<i32>} : memref<80x128xf32, #tpu.memory_space<vmem>>, vector<16xf32>,
      %swap3A_135 = arith.index_cast %scan3A_120 : i32 to index
      %swap3A_136 = arith.constant 80 : index
      %swap3A_137 = tpu.vector_load %arg15[%swap3A_135, %swap3A_136] {strides = array<i32>} : memref<80x128xf32, #tpu.memory_space<vmem>>, vector<16xf32>,
      tpu.vector_store %arg15[%swap3A_135, %swap3A_136], %broadcast_in_dim3A_0 {strides = array<i32>} : memref<80x128xf32, #tpu.memory_space<vmem>>, vector<16xf32>,
      %swap3A_138 = arith.index_cast %scan3A_120 : i32 to index
      %swap3A_139 = arith.constant 96 : index
      %swap3A_140 = tpu.vector_load %arg15[%swap3A_138, %swap3A_139] {strides = array<i32>} : memref<80x128xf32, #tpu.memory_space<vmem>>, vector<16xf32>,
      tpu.vector_store %arg15[%swap3A_138, %swap3A_139], %broadcast_in_dim3A_0 {strides = array<i32>} : memref<80x128xf32, #tpu.memory_space<vmem>>, vector<16xf32>,
      %swap3A_141 = arith.index_cast %scan3A_120 : i32 to index
      %swap3A_142 = arith.constant 112 : index
      %swap3A_143 = tpu.vector_load %arg15[%swap3A_141, %swap3A_142] {strides = array<i32>} : memref<80x128xf32, #tpu.memory_space<vmem>>, vector<16xf32>,
      tpu.vector_store %arg15[%swap3A_141, %swap3A_142], %broadcast_in_dim3A_0 {strides = array<i32>} : memref<80x128xf32, #tpu.memory_space<vmem>>, vector<16xf32>,
    }
    %scan3A_7 = arith.constant 80 : i32
    %mul3A = arith.constant 640 : i32
    %mul3A_8 = arith.muli %arg1, %mul3A : i32
    %add3A = arith.constant 0 : i32
    %add3A_9 = arith.addi %mul3A_8, %add3A : i32
    "tpu.region"() ({
      %run_scoped3A = tpu.sem_alloc : memref<!tpu.dma_semaphore, #tpu.memory_space<semaphore_mem>>
      %dma_start3A_120 = arith.constant 0 : i32
      %dma_start3A_121 = tpu.memref_slice %arg21[%add3A_9, %dma_start3A_120] : memref<10240x128xf32, #tpu.memory_space<vmem_shared>> -> memref<80x128xf32, #tpu.memory_space<vmem_shared>>
      %dma_start3A_122 = arith.constant 0 : i32
      %dma_start3A_123 = tpu.memref_slice %arg21[%add3A_9, %dma_start3A_122] : memref<10240x128xf32, #tpu.memory_space<vmem_shared>> -> memref<80x128xf32, #tpu.memory_space<vmem_shared>>
      tpu.enqueue_dma source(%arg15 : memref<80x128xf32, #tpu.memory_space<vmem>>) target(%dma_start3A_123 : memref<80x128xf32, #tpu.memory_space<vmem_shared>>) target_semaphore(%run_scoped3A : memref<!tpu.dma_semaphore, #tpu.memory_space<semaphore_mem>>)
      %dma_wait3A_124 = arith.constant 0 : i32
      %dma_wait3A_125 = tpu.memref_slice %arg21[%add3A_9, %dma_wait3A_124] : memref<10240x128xf32, #tpu.memory_space<vmem_shared>> -> memref<80x128xf32, #tpu.memory_space<vmem_shared>>
      %dma_wait3A_126 = arith.constant 0 : i32
      %dma_wait3A_127 = tpu.memref_slice %arg21[%add3A_9, %dma_wait3A_126] : memref<10240x128xf32, #tpu.memory_space<vmem_shared>> -> memref<80x128xf32, #tpu.memory_space<vmem_shared>>
      tpu.wait_dma2 semaphore(%run_scoped3A : memref<!tpu.dma_semaphore, #tpu.memory_space<semaphore_mem>>) src(%arg15 : memref<80x128xf32, #tpu.memory_space<vmem>>) dst(%dma_wait3A_127 : memref<80x128xf32, #tpu.memory_space<vmem_shared>>)
      tpu.yield
    }) : () -> ()
    %mul3A_10 = arith.constant 640 : i32
    %mul3A_11 = arith.muli %arg1, %mul3A_10 : i32
    %add3A_12 = arith.constant 80 : i32
    %add3A_13 = arith.addi %mul3A_11, %add3A_12 : i32
    "tpu.region"() ({
      %run_scoped3A = tpu.sem_alloc : memref<!tpu.dma_semaphore, #tpu.memory_space<semaphore_mem>>
      %dma_start3A_120 = arith.constant 0 : i32
      %dma_start3A_121 = tpu.memref_slice %arg21[%add3A_13, %dma_start3A_120] : memref<10240x128xf32, #tpu.memory_space<vmem_shared>> -> memref<80x128xf32, #tpu.memory_space<vmem_shared>>
      %dma_start3A_122 = arith.constant 0 : i32
      %dma_start3A_123 = tpu.memref_slice %arg21[%add3A_13, %dma_start3A_122] : memref<10240x128xf32, #tpu.memory_space<vmem_shared>> -> memref<80x128xf32, #tpu.memory_space<vmem_shared>>
      tpu.enqueue_dma source(%arg15 : memref<80x128xf32, #tpu.memory_space<vmem>>) target(%dma_start3A_123 : memref<80x128xf32, #tpu.memory_space<vmem_shared>>) target_semaphore(%run_scoped3A : memref<!tpu.dma_semaphore, #tpu.memory_space<semaphore_mem>>)
      %dma_wait3A_124 = arith.constant 0 : i32
      %dma_wait3A_125 = tpu.memref_slice %arg21[%add3A_13, %dma_wait3A_124] : memref<10240x128xf32, #tpu.memory_space<vmem_shared>> -> memref<80x128xf32, #tpu.memory_space<vmem_shared>>
      %dma_wait3A_126 = arith.constant 0 : i32
      %dma_wait3A_127 = tpu.memref_slice %arg21[%add3A_13, %dma_wait3A_126] : memref<10240x128xf32, #tpu.memory_space<vmem_shared>> -> memref<80x128xf32, #tpu.memory_space<vmem_shared>>
      tpu.wait_dma2 semaphore(%run_scoped3A : memref<!tpu.dma_semaphore, #tpu.memory_space<semaphore_mem>>) src(%arg15 : memref<80x128xf32, #tpu.memory_space<vmem>>) dst(%dma_wait3A_127 : memref<80x128xf32, #tpu.memory_space<vmem_shared>>)
      tpu.yield
    }) : () -> ()
    %mul3A_14 = arith.constant 640 : i32
    %mul3A_15 = arith.muli %arg1, %mul3A_14 : i32
    %add3A_16 = arith.constant 160 : i32
    %add3A_17 = arith.addi %mul3A_15, %add3A_16 : i32
    "tpu.region"() ({
      %run_scoped3A = tpu.sem_alloc : memref<!tpu.dma_semaphore, #tpu.memory_space<semaphore_mem>>
      %dma_start3A_120 = arith.constant 0 : i32
      %dma_start3A_121 = tpu.memref_slice %arg21[%add3A_17, %dma_start3A_120] : memref<10240x128xf32, #tpu.memory_space<vmem_shared>> -> memref<80x128xf32, #tpu.memory_space<vmem_shared>>
      %dma_start3A_122 = arith.constant 0 : i32
      %dma_start3A_123 = tpu.memref_slice %arg21[%add3A_17, %dma_start3A_122] : memref<10240x128xf32, #tpu.memory_space<vmem_shared>> -> memref<80x128xf32, #tpu.memory_space<vmem_shared>>
      tpu.enqueue_dma source(%arg15 : memref<80x128xf32, #tpu.memory_space<vmem>>) target(%dma_start3A_123 : memref<80x128xf32, #tpu.memory_space<vmem_shared>>) target_semaphore(%run_scoped3A : memref<!tpu.dma_semaphore, #tpu.memory_space<semaphore_mem>>)
      %dma_wait3A_124 = arith.constant 0 : i32
      %dma_wait3A_125 = tpu.memref_slice %arg21[%add3A_17, %dma_wait3A_124] : memref<10240x128xf32, #tpu.memory_space<vmem_shared>> -> memref<80x128xf32, #tpu.memory_space<vmem_shared>>
      %dma_wait3A_126 = arith.constant 0 : i32
      %dma_wait3A_127 = tpu.memref_slice %arg21[%add3A_17, %dma_wait3A_126] : memref<10240x128xf32, #tpu.memory_space<vmem_shared>> -> memref<80x128xf32, #tpu.memory_space<vmem_shared>>
      tpu.wait_dma2 semaphore(%run_scoped3A : memref<!tpu.dma_semaphore, #tpu.memory_space<semaphore_mem>>) src(%arg15 : memref<80x128xf32, #tpu.memory_space<vmem>>) dst(%dma_wait3A_127 : memref<80x128xf32, #tpu.memory_space<vmem_shared>>)
      tpu.yield
    }) : () -> ()
    %mul3A_18 = arith.constant 640 : i32
    %mul3A_19 = arith.muli %arg1, %mul3A_18 : i32
    %add3A_20 = arith.constant 240 : i32
    %add3A_21 = arith.addi %mul3A_19, %add3A_20 : i32
    "tpu.region"() ({
      %run_scoped3A = tpu.sem_alloc : memref<!tpu.dma_semaphore, #tpu.memory_space<semaphore_mem>>
      %dma_start3A_120 = arith.constant 0 : i32
      %dma_start3A_121 = tpu.memref_slice %arg21[%add3A_21, %dma_start3A_120] : memref<10240x128xf32, #tpu.memory_space<vmem_shared>> -> memref<80x128xf32, #tpu.memory_space<vmem_shared>>
      %dma_start3A_122 = arith.constant 0 : i32
      %dma_start3A_123 = tpu.memref_slice %arg21[%add3A_21, %dma_start3A_122] : memref<10240x128xf32, #tpu.memory_space<vmem_shared>> -> memref<80x128xf32, #tpu.memory_space<vmem_shared>>
      tpu.enqueue_dma source(%arg15 : memref<80x128xf32, #tpu.memory_space<vmem>>) target(%dma_start3A_123 : memref<80x128xf32, #tpu.memory_space<vmem_shared>>) target_semaphore(%run_scoped3A : memref<!tpu.dma_semaphore, #tpu.memory_space<semaphore_mem>>)
      %dma_wait3A_124 = arith.constant 0 : i32
      %dma_wait3A_125 = tpu.memref_slice %arg21[%add3A_21, %dma_wait3A_124] : memref<10240x128xf32, #tpu.memory_space<vmem_shared>> -> memref<80x128xf32, #tpu.memory_space<vmem_shared>>
      %dma_wait3A_126 = arith.constant 0 : i32
      %dma_wait3A_127 = tpu.memref_slice %arg21[%add3A_21, %dma_wait3A_126] : memref<10240x128xf32, #tpu.memory_space<vmem_shared>> -> memref<80x128xf32, #tpu.memory_space<vmem_shared>>
      tpu.wait_dma2 semaphore(%run_scoped3A : memref<!tpu.dma_semaphore, #tpu.memory_space<semaphore_mem>>) src(%arg15 : memref<80x128xf32, #tpu.memory_space<vmem>>) dst(%dma_wait3A_127 : memref<80x128xf32, #tpu.memory_space<vmem_shared>>)
      tpu.yield
    }) : () -> ()
    %mul3A_22 = arith.constant 640 : i32
    %mul3A_23 = arith.muli %arg1, %mul3A_22 : i32
    %add3A_24 = arith.constant 320 : i32
    %add3A_25 = arith.addi %mul3A_23, %add3A_24 : i32
    "tpu.region"() ({
      %run_scoped3A = tpu.sem_alloc : memref<!tpu.dma_semaphore, #tpu.memory_space<semaphore_mem>>
      %dma_start3A_120 = arith.constant 0 : i32
      %dma_start3A_121 = tpu.memref_slice %arg21[%add3A_25, %dma_start3A_120] : memref<10240x128xf32, #tpu.memory_space<vmem_shared>> -> memref<80x128xf32, #tpu.memory_space<vmem_shared>>
      %dma_start3A_122 = arith.constant 0 : i32
      %dma_start3A_123 = tpu.memref_slice %arg21[%add3A_25, %dma_start3A_122] : memref<10240x128xf32, #tpu.memory_space<vmem_shared>> -> memref<80x128xf32, #tpu.memory_space<vmem_shared>>
      tpu.enqueue_dma source(%arg15 : memref<80x128xf32, #tpu.memory_space<vmem>>) target(%dma_start3A_123 : memref<80x128xf32, #tpu.memory_space<vmem_shared>>) target_semaphore(%run_scoped3A : memref<!tpu.dma_semaphore, #tpu.memory_space<semaphore_mem>>)
      %dma_wait3A_124 = arith.constant 0 : i32
      %dma_wait3A_125 = tpu.memref_slice %arg21[%add3A_25, %dma_wait3A_124] : memref<10240x128xf32, #tpu.memory_space<vmem_shared>> -> memref<80x128xf32, #tpu.memory_space<vmem_shared>>
      %dma_wait3A_126 = arith.constant 0 : i32
      %dma_wait3A_127 = tpu.memref_slice %arg21[%add3A_25, %dma_wait3A_126] : memref<10240x128xf32, #tpu.memory_space<vmem_shared>> -> memref<80x128xf32, #tpu.memory_space<vmem_shared>>
      tpu.wait_dma2 semaphore(%run_scoped3A : memref<!tpu.dma_semaphore, #tpu.memory_space<semaphore_mem>>) src(%arg15 : memref<80x128xf32, #tpu.memory_space<vmem>>) dst(%dma_wait3A_127 : memref<80x128xf32, #tpu.memory_space<vmem_shared>>)
      tpu.yield
    }) : () -> ()
    %mul3A_26 = arith.constant 640 : i32
    %mul3A_27 = arith.muli %arg1, %mul3A_26 : i32
    %add3A_28 = arith.constant 400 : i32
    %add3A_29 = arith.addi %mul3A_27, %add3A_28 : i32
    "tpu.region"() ({
      %run_scoped3A = tpu.sem_alloc : memref<!tpu.dma_semaphore, #tpu.memory_space<semaphore_mem>>
      %dma_start3A_120 = arith.constant 0 : i32
      %dma_start3A_121 = tpu.memref_slice %arg21[%add3A_29, %dma_start3A_120] : memref<10240x128xf32, #tpu.memory_space<vmem_shared>> -> memref<80x128xf32, #tpu.memory_space<vmem_shared>>
      %dma_start3A_122 = arith.constant 0 : i32
      %dma_start3A_123 = tpu.memref_slice %arg21[%add3A_29, %dma_start3A_122] : memref<10240x128xf32, #tpu.memory_space<vmem_shared>> -> memref<80x128xf32, #tpu.memory_space<vmem_shared>>
      tpu.enqueue_dma source(%arg15 : memref<80x128xf32, #tpu.memory_space<vmem>>) target(%dma_start3A_123 : memref<80x128xf32, #tpu.memory_space<vmem_shared>>) target_semaphore(%run_scoped3A : memref<!tpu.dma_semaphore, #tpu.memory_space<semaphore_mem>>)
      %dma_wait3A_124 = arith.constant 0 : i32
      %dma_wait3A_125 = tpu.memref_slice %arg21[%add3A_29, %dma_wait3A_124] : memref<10240x128xf32, #tpu.memory_space<vmem_shared>> -> memref<80x128xf32, #tpu.memory_space<vmem_shared>>
      %dma_wait3A_126 = arith.constant 0 : i32
      %dma_wait3A_127 = tpu.memref_slice %arg21[%add3A_29, %dma_wait3A_126] : memref<10240x128xf32, #tpu.memory_space<vmem_shared>> -> memref<80x128xf32, #tpu.memory_space<vmem_shared>>
      tpu.wait_dma2 semaphore(%run_scoped3A : memref<!tpu.dma_semaphore, #tpu.memory_space<semaphore_mem>>) src(%arg15 : memref<80x128xf32, #tpu.memory_space<vmem>>) dst(%dma_wait3A_127 : memref<80x128xf32, #tpu.memory_space<vmem_shared>>)
      tpu.yield
    }) : () -> ()
    %mul3A_30 = arith.constant 640 : i32
    %mul3A_31 = arith.muli %arg1, %mul3A_30 : i32
    %add3A_32 = arith.constant 480 : i32
    %add3A_33 = arith.addi %mul3A_31, %add3A_32 : i32
    "tpu.region"() ({
      %run_scoped3A = tpu.sem_alloc : memref<!tpu.dma_semaphore, #tpu.memory_space<semaphore_mem>>
      %dma_start3A_120 = arith.constant 0 : i32
      %dma_start3A_121 = tpu.memref_slice %arg21[%add3A_33, %dma_start3A_120] : memref<10240x128xf32, #tpu.memory_space<vmem_shared>> -> memref<80x128xf32, #tpu.memory_space<vmem_shared>>
      %dma_start3A_122 = arith.constant 0 : i32
      %dma_start3A_123 = tpu.memref_slice %arg21[%add3A_33, %dma_start3A_122] : memref<10240x128xf32, #tpu.memory_space<vmem_shared>> -> memref<80x128xf32, #tpu.memory_space<vmem_shared>>
      tpu.enqueue_dma source(%arg15 : memref<80x128xf32, #tpu.memory_space<vmem>>) target(%dma_start3A_123 : memref<80x128xf32, #tpu.memory_space<vmem_shared>>) target_semaphore(%run_scoped3A : memref<!tpu.dma_semaphore, #tpu.memory_space<semaphore_mem>>)
      %dma_wait3A_124 = arith.constant 0 : i32
      %dma_wait3A_125 = tpu.memref_slice %arg21[%add3A_33, %dma_wait3A_124] : memref<10240x128xf32, #tpu.memory_space<vmem_shared>> -> memref<80x128xf32, #tpu.memory_space<vmem_shared>>
      %dma_wait3A_126 = arith.constant 0 : i32
      %dma_wait3A_127 = tpu.memref_slice %arg21[%add3A_33, %dma_wait3A_126] : memref<10240x128xf32, #tpu.memory_space<vmem_shared>> -> memref<80x128xf32, #tpu.memory_space<vmem_shared>>
      tpu.wait_dma2 semaphore(%run_scoped3A : memref<!tpu.dma_semaphore, #tpu.memory_space<semaphore_mem>>) src(%arg15 : memref<80x128xf32, #tpu.memory_space<vmem>>) dst(%dma_wait3A_127 : memref<80x128xf32, #tpu.memory_space<vmem_shared>>)
      tpu.yield
    }) : () -> ()
    %mul3A_34 = arith.constant 640 : i32
    %mul3A_35 = arith.muli %arg1, %mul3A_34 : i32
    %add3A_36 = arith.constant 560 : i32
    %add3A_37 = arith.addi %mul3A_35, %add3A_36 : i32
    "tpu.region"() ({
      %run_scoped3A = tpu.sem_alloc : memref<!tpu.dma_semaphore, #tpu.memory_space<semaphore_mem>>
      %dma_start3A_120 = arith.constant 0 : i32
      %dma_start3A_121 = tpu.memref_slice %arg21[%add3A_37, %dma_start3A_120] : memref<10240x128xf32, #tpu.memory_space<vmem_shared>> -> memref<80x128xf32, #tpu.memory_space<vmem_shared>>
      %dma_start3A_122 = arith.constant 0 : i32
      %dma_start3A_123 = tpu.memref_slice %arg21[%add3A_37, %dma_start3A_122] : memref<10240x128xf32, #tpu.memory_space<vmem_shared>> -> memref<80x128xf32, #tpu.memory_space<vmem_shared>>
      tpu.enqueue_dma source(%arg15 : memref<80x128xf32, #tpu.memory_space<vmem>>) target(%dma_start3A_123 : memref<80x128xf32, #tpu.memory_space<vmem_shared>>) target_semaphore(%run_scoped3A : memref<!tpu.dma_semaphore, #tpu.memory_space<semaphore_mem>>)
      %dma_wait3A_124 = arith.constant 0 : i32
      %dma_wait3A_125 = tpu.memref_slice %arg21[%add3A_37, %dma_wait3A_124] : memref<10240x128xf32, #tpu.memory_space<vmem_shared>> -> memref<80x128xf32, #tpu.memory_space<vmem_shared>>
      %dma_wait3A_126 = arith.constant 0 : i32
      %dma_wait3A_127 = tpu.memref_slice %arg21[%add3A_37, %dma_wait3A_126] : memref<10240x128xf32, #tpu.memory_space<vmem_shared>> -> memref<80x128xf32, #tpu.memory_space<vmem_shared>>
      tpu.wait_dma2 semaphore(%run_scoped3A : memref<!tpu.dma_semaphore, #tpu.memory_space<semaphore_mem>>) src(%arg15 : memref<80x128xf32, #tpu.memory_space<vmem>>) dst(%dma_wait3A_127 : memref<80x128xf32, #tpu.memory_space<vmem_shared>>)
      tpu.yield
    }) : () -> ()
    %scan3A_38 = arith.constant 0 : i32
    %scan3A_39 = arith.constant 0 : i32
    %scan3A_40 = arith.constant 5 : i32
    %scan3A_41 = arith.addi %scan3A_39, %scan3A_40 : i32
    %scan3A_42 = arith.constant 1 : i32
    scf.for %scan3A_120 = %scan3A_39 to %scan3A_41 step %scan3A_42  : i32 {
      %mul3A_121 = arith.constant 16 : i32
      %mul3A_122 = arith.muli %scan3A_120, %mul3A_121 : i32
      %swap3A = arith.index_cast %mul3A_122 : i32 to index
      %swap3A_123 = tpu.vector_load %arg19[%swap3A] {strides = array<i32>} : memref<80xf32, #tpu.memory_space<vmem>>, vector<16xf32>,
      tpu.vector_store %arg19[%swap3A], %broadcast_in_dim3A_2 {strides = array<i32>} : memref<80xf32, #tpu.memory_space<vmem>>, vector<16xf32>,
    }
    %scan3A_43 = arith.constant 5 : i32
    %scan3A_44 = arith.constant 0 : i32
    %scan3A_45 = arith.constant 0 : i32
    %scan3A_46 = arith.constant 40 : i32
    %scan3A_47 = arith.addi %scan3A_45, %scan3A_46 : i32
    %scan3A_48 = arith.constant 1 : i32
    scf.for %scan3A_120 = %scan3A_45 to %scan3A_47 step %scan3A_48  : i32 {
      %mul3A_121 = arith.constant 16 : i32
      %mul3A_122 = arith.muli %scan3A_120, %mul3A_121 : i32
      %swap3A = arith.index_cast %mul3A_122 : i32 to index
      %swap3A_123 = tpu.vector_load %arg20[%swap3A] {strides = array<i32>} : memref<640xf32, #tpu.memory_space<vmem>>, vector<16xf32>,
      tpu.vector_store %arg20[%swap3A], %broadcast_in_dim3A_0 {strides = array<i32>} : memref<640xf32, #tpu.memory_space<vmem>>, vector<16xf32>,
    }
    %scan3A_49 = arith.constant 40 : i32
    %mul3A_50 = arith.constant 640 : i32
    %mul3A_51 = arith.muli %arg1, %mul3A_50 : i32
    "tpu.region"() ({
      %run_scoped3A = tpu.sem_alloc : memref<!tpu.dma_semaphore, #tpu.memory_space<semaphore_mem>>
      %dma_start3A_120 = tpu.memref_slice %arg22[%mul3A_51] : memref<10240xf32, #tpu.memory_space<vmem_shared>> -> memref<640xf32, #tpu.memory_space<vmem_shared>>
      %dma_start3A_121 = tpu.memref_slice %arg22[%mul3A_51] : memref<10240xf32, #tpu.memory_space<vmem_shared>> -> memref<640xf32, #tpu.memory_space<vmem_shared>>
      tpu.enqueue_dma source(%arg20 : memref<640xf32, #tpu.memory_space<vmem>>) target(%dma_start3A_121 : memref<640xf32, #tpu.memory_space<vmem_shared>>) target_semaphore(%run_scoped3A : memref<!tpu.dma_semaphore, #tpu.memory_space<semaphore_mem>>)
      %dma_wait3A_122 = tpu.memref_slice %arg22[%mul3A_51] : memref<10240xf32, #tpu.memory_space<vmem_shared>> -> memref<640xf32, #tpu.memory_space<vmem_shared>>
      %dma_wait3A_123 = tpu.memref_slice %arg22[%mul3A_51] : memref<10240xf32, #tpu.memory_space<vmem_shared>> -> memref<640xf32, #tpu.memory_space<vmem_shared>>
      tpu.wait_dma2 semaphore(%run_scoped3A : memref<!tpu.dma_semaphore, #tpu.memory_space<semaphore_mem>>) src(%arg20 : memref<640xf32, #tpu.memory_space<vmem>>) dst(%dma_wait3A_123 : memref<640xf32, #tpu.memory_space<vmem_shared>>)
      tpu.yield
    }) : () -> ()
    %barrier3A = arith.constant 0 : index
    tpu.barrier barrier_id(%barrier3A)
    %mul3A_52 = arith.constant 160000 : i32
    %mul3A_53 = arith.muli %arg0, %mul3A_52 : i32
    %mul3A_54 = arith.constant 10000 : i32
    %mul3A_55 = arith.muli %arg1, %mul3A_54 : i32
    %add3A_56 = arith.addi %mul3A_53, %mul3A_55 : i32
    %add3A_57 = arith.constant 0 : i32
    %add3A_58 = arith.addi %add3A_56, %add3A_57 : i32
    %dma_start3A = tpu.memref_slice %arg3[%add3A_58] : memref<320000xi32, #tpu.memory_space<hbm>> -> memref<80xi32, #tpu.memory_space<hbm>>
    %dma_start3A_59 = tpu.memref_slice %arg3[%add3A_58] : memref<320000xi32, #tpu.memory_space<hbm>> -> memref<80xi32, #tpu.memory_space<hbm>>
    tpu.enqueue_dma source(%dma_start3A_59 : memref<80xi32, #tpu.memory_space<hbm>>) target(%arg7 : memref<80xi32, #tpu.memory_space<vmem>>) target_semaphore(%arg25 : memref<!tpu.dma_semaphore, #tpu.memory_space<semaphore_mem>>)
    %dma_start3A_60 = tpu.memref_slice %arg4[%add3A_58] : memref<320000xi32, #tpu.memory_space<hbm>> -> memref<80xi32, #tpu.memory_space<hbm>>
    %dma_start3A_61 = tpu.memref_slice %arg4[%add3A_58] : memref<320000xi32, #tpu.memory_space<hbm>> -> memref<80xi32, #tpu.memory_space<hbm>>
    tpu.enqueue_dma source(%dma_start3A_61 : memref<80xi32, #tpu.memory_space<hbm>>) target(%arg8 : memref<80xi32, #tpu.memory_space<vmem>>) target_semaphore(%arg25 : memref<!tpu.dma_semaphore, #tpu.memory_space<semaphore_mem>>)
    %add3A_62 = arith.constant 0 : i32
    %add3A_63 = arith.addi %add3A_56, %add3A_62 : i32
    %dma_wait3A = tpu.memref_slice %arg3[%add3A_63] : memref<320000xi32, #tpu.memory_space<hbm>> -> memref<80xi32, #tpu.memory_space<hbm>>
    %dma_wait3A_64 = tpu.memref_slice %arg3[%add3A_63] : memref<320000xi32, #tpu.memory_space<hbm>> -> memref<80xi32, #tpu.memory_space<hbm>>
    tpu.wait_dma2 semaphore(%arg25 : memref<!tpu.dma_semaphore, #tpu.memory_space<semaphore_mem>>) src(%dma_wait3A_64 : memref<80xi32, #tpu.memory_space<hbm>>) dst(%arg7 : memref<80xi32, #tpu.memory_space<vmem>>)
    %dma_wait3A_65 = tpu.memref_slice %arg4[%add3A_63] : memref<320000xi32, #tpu.memory_space<hbm>> -> memref<80xi32, #tpu.memory_space<hbm>>
    %dma_wait3A_66 = tpu.memref_slice %arg4[%add3A_63] : memref<320000xi32, #tpu.memory_space<hbm>> -> memref<80xi32, #tpu.memory_space<hbm>>
    tpu.wait_dma2 semaphore(%arg25 : memref<!tpu.dma_semaphore, #tpu.memory_space<semaphore_mem>>) src(%dma_wait3A_66 : memref<80xi32, #tpu.memory_space<hbm>>) dst(%arg8 : memref<80xi32, #tpu.memory_space<vmem>>)
    %dma_start3A_67 = arith.constant 0 : i32
    %dma_start3A_68 = arith.constant 0 : i32
    %dma_start3A_69 = tpu.memref_slice %arg2[%dma_start3A_67, %dma_start3A_68] : memref<10000x128xf32, #tpu.memory_space<hbm>> -> memref<10000x128xf32, #tpu.memory_space<hbm>>
    tpu.enqueue_indirect_dma source(%dma_start3A_69 : memref<10000x128xf32, #tpu.memory_space<hbm>>) target(%arg15 : memref<80x128xf32, #tpu.memory_space<vmem>>) offsets(%arg7 : memref<80xi32, #tpu.memory_space<vmem>>) semaphore(%arg23 : memref<!tpu.dma_semaphore, #tpu.memory_space<semaphore_mem>>)
    %dma_start3A_70 = arith.constant 0 : i32
    %dma_start3A_71 = arith.constant 0 : i32
    %dma_start3A_72 = tpu.memref_slice %arg2[%dma_start3A_70, %dma_start3A_71] : memref<10000x128xf32, #tpu.memory_space<hbm>> -> memref<10000x128xf32, #tpu.memory_space<hbm>>
    tpu.enqueue_indirect_dma source(%dma_start3A_72 : memref<10000x128xf32, #tpu.memory_space<hbm>>) target(%arg16 : memref<80x128xf32, #tpu.memory_space<vmem>>) offsets(%arg8 : memref<80xi32, #tpu.memory_space<vmem>>) semaphore(%arg23 : memref<!tpu.dma_semaphore, #tpu.memory_space<semaphore_mem>>)
    %add3A_73 = arith.constant 80 : i32
    %add3A_74 = arith.addi %add3A_56, %add3A_73 : i32
    %dma_start3A_75 = tpu.memref_slice %arg3[%add3A_74] : memref<320000xi32, #tpu.memory_space<hbm>> -> memref<80xi32, #tpu.memory_space<hbm>>
    %dma_start3A_76 = tpu.memref_slice %arg3[%add3A_74] : memref<320000xi32, #tpu.memory_space<hbm>> -> memref<80xi32, #tpu.memory_space<hbm>>
    tpu.enqueue_dma source(%dma_start3A_76 : memref<80xi32, #tpu.memory_space<hbm>>) target(%arg9 : memref<80xi32, #tpu.memory_space<vmem>>) target_semaphore(%arg26 : memref<!tpu.dma_semaphore, #tpu.memory_space<semaphore_mem>>)
    %dma_start3A_77 = tpu.memref_slice %arg4[%add3A_74] : memref<320000xi32, #tpu.memory_space<hbm>> -> memref<80xi32, #tpu.memory_space<hbm>>
    %dma_start3A_78 = tpu.memref_slice %arg4[%add3A_74] : memref<320000xi32, #tpu.memory_space<hbm>> -> memref<80xi32, #tpu.memory_space<hbm>>
    tpu.enqueue_dma source(%dma_start3A_78 : memref<80xi32, #tpu.memory_space<hbm>>) target(%arg10 : memref<80xi32, #tpu.memory_space<vmem>>) target_semaphore(%arg26 : memref<!tpu.dma_semaphore, #tpu.memory_space<semaphore_mem>>)
    %scan3A_79 = arith.constant 0 : i32
    %scan3A_80 = arith.constant 0 : i32
    %scan3A_81 = arith.constant 31 : i32
    %scan3A_82 = arith.addi %scan3A_80, %scan3A_81 : i32
    %scan3A_83 = arith.constant 1 : i32
    scf.for %scan3A_120 = %scan3A_80 to %scan3A_82 step %scan3A_83  : i32 {
      %mul3A_121 = arith.constant 4 : i32
      %mul3A_122 = arith.muli %mul3A_121, %scan3A_120 : i32
      %dma_wait3A_123 = arith.constant 0 : i32
      %dma_wait3A_124 = arith.constant 0 : i32
      %dma_wait3A_125 = tpu.memref_slice %arg2[%dma_wait3A_123, %dma_wait3A_124] : memref<10000x128xf32, #tpu.memory_space<hbm>> -> memref<10000x128xf32, #tpu.memory_space<hbm>>
      tpu.wait_indirect_dma semaphore(%arg23 : memref<!tpu.dma_semaphore, #tpu.memory_space<semaphore_mem>>) src(%dma_wait3A_125 : memref<10000x128xf32, #tpu.memory_space<hbm>>) dst(%arg15 : memref<80x128xf32, #tpu.memory_space<vmem>>)
      %dma_wait3A_126 = arith.constant 0 : i32
      %dma_wait3A_127 = arith.constant 0 : i32
      %dma_wait3A_128 = tpu.memref_slice %arg2[%dma_wait3A_126, %dma_wait3A_127] : memref<10000x128xf32, #tpu.memory_space<hbm>> -> memref<10000x128xf32, #tpu.memory_space<hbm>>
      tpu.wait_indirect_dma semaphore(%arg23 : memref<!tpu.dma_semaphore, #tpu.memory_space<semaphore_mem>>) src(%dma_wait3A_128 : memref<10000x128xf32, #tpu.memory_space<hbm>>) dst(%arg16 : memref<80x128xf32, #tpu.memory_space<vmem>>)
      %ge3A = arith.constant 1 : i32
      %ge3A_129 = arith.cmpi sge, %mul3A_122, %ge3A : i32
      %convert_element_type3A = arith.extui %ge3A_129 : i1 to i32
      %cond3A = arith.constant 0 : i32
      %cond3A_130 = arith.cmpi ne, %convert_element_type3A, %cond3A : i32
      scf.if %cond3A_130 {
        %dma_wait3A_263 = arith.constant 0 : i32
        %dma_wait3A_264 = arith.constant 0 : i32
        %dma_wait3A_265 = tpu.memref_slice %arg21[%dma_wait3A_263, %dma_wait3A_264] : memref<10240x128xf32, #tpu.memory_space<vmem_shared>> -> memref<10240x128xf32, #tpu.memory_space<vmem_shared>>
        tpu.wait_indirect_dma semaphore(%arg30 : memref<!tpu.dma_semaphore, #tpu.memory_space<semaphore_mem>>) src(%arg17 : memref<80x128xf32, #tpu.memory_space<vmem>>) dst(%dma_wait3A_265 : memref<10240x128xf32, #tpu.memory_space<vmem_shared>>)
        %dma_wait3A_266 = arith.constant 0 : i32
        %dma_wait3A_267 = tpu.memref_slice %arg22[%dma_wait3A_266] : memref<10240xf32, #tpu.memory_space<vmem_shared>> -> memref<10240xf32, #tpu.memory_space<vmem_shared>>
        tpu.wait_indirect_dma semaphore(%arg30 : memref<!tpu.dma_semaphore, #tpu.memory_space<semaphore_mem>>) src(%arg19 : memref<80xf32, #tpu.memory_space<vmem>>) dst(%dma_wait3A_267 : memref<10240xf32, #tpu.memory_space<vmem_shared>>)
      } else {
      }
      %add3A_131 = arith.constant 1 : i32
      %add3A_132 = arith.addi %mul3A_122, %add3A_131 : i32
      %lt3A = arith.constant 125 : i32
      %lt3A_133 = arith.cmpi slt, %add3A_132, %lt3A : i32
      %convert_element_type3A_134 = arith.extui %lt3A_133 : i1 to i32
      %cond3A_135 = arith.constant 0 : i32
      %cond3A_136 = arith.cmpi ne, %convert_element_type3A_134, %cond3A_135 : i32
      scf.if %cond3A_136 {
        %add3A_263 = arith.constant 1 : i32
        %add3A_264 = arith.addi %mul3A_122, %add3A_263 : i32
        %mul3A_265 = arith.constant 80 : i32
        %mul3A_266 = arith.muli %add3A_264, %mul3A_265 : i32
        %add3A_267 = arith.addi %add3A_56, %mul3A_266 : i32
        %dma_wait3A_268 = tpu.memref_slice %arg3[%add3A_267] : memref<320000xi32, #tpu.memory_space<hbm>> -> memref<80xi32, #tpu.memory_space<hbm>>
        %dma_wait3A_269 = tpu.memref_slice %arg3[%add3A_267] : memref<320000xi32, #tpu.memory_space<hbm>> -> memref<80xi32, #tpu.memory_space<hbm>>
        tpu.wait_dma2 semaphore(%arg26 : memref<!tpu.dma_semaphore, #tpu.memory_space<semaphore_mem>>) src(%dma_wait3A_269 : memref<80xi32, #tpu.memory_space<hbm>>) dst(%arg9 : memref<80xi32, #tpu.memory_space<vmem>>)
        %dma_wait3A_270 = tpu.memref_slice %arg4[%add3A_267] : memref<320000xi32, #tpu.memory_space<hbm>> -> memref<80xi32, #tpu.memory_space<hbm>>
        %dma_wait3A_271 = tpu.memref_slice %arg4[%add3A_267] : memref<320000xi32, #tpu.memory_space<hbm>> -> memref<80xi32, #tpu.memory_space<hbm>>
        tpu.wait_dma2 semaphore(%arg26 : memref<!tpu.dma_semaphore, #tpu.memory_space<semaphore_mem>>) src(%dma_wait3A_271 : memref<80xi32, #tpu.memory_space<hbm>>) dst(%arg10 : memref<80xi32, #tpu.memory_space<vmem>>)
        %dma_start3A_272 = arith.constant 0 : i32
        %dma_start3A_273 = arith.constant 0 : i32
        %dma_start3A_274 = tpu.memref_slice %arg2[%dma_start3A_272, %dma_start3A_273] : memref<10000x128xf32, #tpu.memory_space<hbm>> -> memref<10000x128xf32, #tpu.memory_space<hbm>>
        tpu.enqueue_indirect_dma source(%dma_start3A_274 : memref<10000x128xf32, #tpu.memory_space<hbm>>) target(%arg17 : memref<80x128xf32, #tpu.memory_space<vmem>>) offsets(%arg9 : memref<80xi32, #tpu.memory_space<vmem>>) semaphore(%arg24 : memref<!tpu.dma_semaphore, #tpu.memory_space<semaphore_mem>>)
        %dma_start3A_275 = arith.constant 0 : i32
        %dma_start3A_276 = arith.constant 0 : i32
        %dma_start3A_277 = tpu.memref_slice %arg2[%dma_start3A_275, %dma_start3A_276] : memref<10000x128xf32, #tpu.memory_space<hbm>> -> memref<10000x128xf32, #tpu.memory_space<hbm>>
        tpu.enqueue_indirect_dma source(%dma_start3A_277 : memref<10000x128xf32, #tpu.memory_space<hbm>>) target(%arg18 : memref<80x128xf32, #tpu.memory_space<vmem>>) offsets(%arg10 : memref<80xi32, #tpu.memory_space<vmem>>) semaphore(%arg24 : memref<!tpu.dma_semaphore, #tpu.memory_space<semaphore_mem>>)
      } else {
      }
      %add3A_137 = arith.constant 2 : i32
      %add3A_138 = arith.addi %mul3A_122, %add3A_137 : i32
      %lt3A_139 = arith.constant 125 : i32
      %lt3A_140 = arith.cmpi slt, %add3A_138, %lt3A_139 : i32
      %convert_element_type3A_141 = arith.extui %lt3A_140 : i1 to i32
      %cond3A_142 = arith.constant 0 : i32
      %cond3A_143 = arith.cmpi ne, %convert_element_type3A_141, %cond3A_142 : i32
      scf.if %cond3A_143 {
        %add3A_263 = arith.constant 2 : i32
        %add3A_264 = arith.addi %mul3A_122, %add3A_263 : i32
        %mul3A_265 = arith.constant 80 : i32
        %mul3A_266 = arith.muli %add3A_264, %mul3A_265 : i32
        %add3A_267 = arith.addi %add3A_56, %mul3A_266 : i32
        %dma_start3A_268 = tpu.memref_slice %arg3[%add3A_267] : memref<320000xi32, #tpu.memory_space<hbm>> -> memref<80xi32, #tpu.memory_space<hbm>>
        %dma_start3A_269 = tpu.memref_slice %arg3[%add3A_267] : memref<320000xi32, #tpu.memory_space<hbm>> -> memref<80xi32, #tpu.memory_space<hbm>>
        tpu.enqueue_dma source(%dma_start3A_269 : memref<80xi32, #tpu.memory_space<hbm>>) target(%arg11 : memref<80xi32, #tpu.memory_space<vmem>>) target_semaphore(%arg27 : memref<!tpu.dma_semaphore, #tpu.memory_space<semaphore_mem>>)
        %dma_start3A_270 = tpu.memref_slice %arg4[%add3A_267] : memref<320000xi32, #tpu.memory_space<hbm>> -> memref<80xi32, #tpu.memory_space<hbm>>
        %dma_start3A_271 = tpu.memref_slice %arg4[%add3A_267] : memref<320000xi32, #tpu.memory_space<hbm>> -> memref<80xi32, #tpu.memory_space<hbm>>
        tpu.enqueue_dma source(%dma_start3A_271 : memref<80xi32, #tpu.memory_space<hbm>>) target(%arg12 : memref<80xi32, #tpu.memory_space<vmem>>) target_semaphore(%arg27 : memref<!tpu.dma_semaphore, #tpu.memory_space<semaphore_mem>>)
      } else {
      }
      %parallel_loop3A_144 = arith.constant 0 : i32
      %parallel_loop3A_145 = arith.constant 80 : i32
      %parallel_loop3A_146 = arith.constant 1 : i32
      scf.for %parallel_loop3A_263 = %parallel_loop3A_144 to %parallel_loop3A_145 step %parallel_loop3A_146  : i32 {
        %parallel_loop3A_264 = arith.index_cast %parallel_loop3A_263 : i32 to index
        %parallel_loop3A_265 = arith.constant 0 : index
        %parallel_loop3A_266 = tpu.vector_load %arg15[%parallel_loop3A_264, %parallel_loop3A_265] {strides = array<i32>} : memref<80x128xf32, #tpu.memory_space<vmem>>, vector<16xf32>,
        %parallel_loop3A_267 = arith.index_cast %parallel_loop3A_263 : i32 to index
        %parallel_loop3A_268 = arith.constant 0 : index
        %parallel_loop3A_269 = tpu.vector_load %arg16[%parallel_loop3A_267, %parallel_loop3A_268] {strides = array<i32>} : memref<80x128xf32, #tpu.memory_space<vmem>>, vector<16xf32>,
        %parallel_loop3A_270 = arith.subf %parallel_loop3A_266, %parallel_loop3A_269 : vector<16xf32>
        %parallel_loop3A_271 = arith.index_cast %parallel_loop3A_263 : i32 to index
        %parallel_loop3A_272 = arith.constant 16 : index
        %parallel_loop3A_273 = tpu.vector_load %arg15[%parallel_loop3A_271, %parallel_loop3A_272] {strides = array<i32>} : memref<80x128xf32, #tpu.memory_space<vmem>>, vector<16xf32>,
        %parallel_loop3A_274 = arith.index_cast %parallel_loop3A_263 : i32 to index
        %parallel_loop3A_275 = arith.constant 16 : index
        %parallel_loop3A_276 = tpu.vector_load %arg16[%parallel_loop3A_274, %parallel_loop3A_275] {strides = array<i32>} : memref<80x128xf32, #tpu.memory_space<vmem>>, vector<16xf32>,
        %parallel_loop3A_277 = arith.subf %parallel_loop3A_273, %parallel_loop3A_276 : vector<16xf32>
        %parallel_loop3A_278 = arith.index_cast %parallel_loop3A_263 : i32 to index
        %parallel_loop3A_279 = arith.constant 32 : index
        %parallel_loop3A_280 = tpu.vector_load %arg15[%parallel_loop3A_278, %parallel_loop3A_279] {strides = array<i32>} : memref<80x128xf32, #tpu.memory_space<vmem>>, vector<16xf32>,
        %parallel_loop3A_281 = arith.index_cast %parallel_loop3A_263 : i32 to index
        %parallel_loop3A_282 = arith.constant 32 : index
        %parallel_loop3A_283 = tpu.vector_load %arg16[%parallel_loop3A_281, %parallel_loop3A_282] {strides = array<i32>} : memref<80x128xf32, #tpu.memory_space<vmem>>, vector<16xf32>,
        %parallel_loop3A_284 = arith.subf %parallel_loop3A_280, %parallel_loop3A_283 : vector<16xf32>
        %parallel_loop3A_285 = arith.index_cast %parallel_loop3A_263 : i32 to index
        %parallel_loop3A_286 = arith.constant 48 : index
        %parallel_loop3A_287 = tpu.vector_load %arg15[%parallel_loop3A_285, %parallel_loop3A_286] {strides = array<i32>} : memref<80x128xf32, #tpu.memory_space<vmem>>, vector<16xf32>,
        %parallel_loop3A_288 = arith.index_cast %parallel_loop3A_263 : i32 to index
        %parallel_loop3A_289 = arith.constant 48 : index
        %parallel_loop3A_290 = tpu.vector_load %arg16[%parallel_loop3A_288, %parallel_loop3A_289] {strides = array<i32>} : memref<80x128xf32, #tpu.memory_space<vmem>>, vector<16xf32>,
        %parallel_loop3A_291 = arith.subf %parallel_loop3A_287, %parallel_loop3A_290 : vector<16xf32>
        %parallel_loop3A_292 = arith.index_cast %parallel_loop3A_263 : i32 to index
        %parallel_loop3A_293 = arith.constant 64 : index
        %parallel_loop3A_294 = tpu.vector_load %arg15[%parallel_loop3A_292, %parallel_loop3A_293] {strides = array<i32>} : memref<80x128xf32, #tpu.memory_space<vmem>>, vector<16xf32>,
        %parallel_loop3A_295 = arith.index_cast %parallel_loop3A_263 : i32 to index
        %parallel_loop3A_296 = arith.constant 64 : index
        %parallel_loop3A_297 = tpu.vector_load %arg16[%parallel_loop3A_295, %parallel_loop3A_296] {strides = array<i32>} : memref<80x128xf32, #tpu.memory_space<vmem>>, vector<16xf32>,
        %parallel_loop3A_298 = arith.subf %parallel_loop3A_294, %parallel_loop3A_297 : vector<16xf32>
        %parallel_loop3A_299 = arith.index_cast %parallel_loop3A_263 : i32 to index
        %parallel_loop3A_300 = arith.constant 80 : index
        %parallel_loop3A_301 = tpu.vector_load %arg15[%parallel_loop3A_299, %parallel_loop3A_300] {strides = array<i32>} : memref<80x128xf32, #tpu.memory_space<vmem>>, vector<16xf32>,
        %parallel_loop3A_302 = arith.index_cast %parallel_loop3A_263 : i32 to index
        %parallel_loop3A_303 = arith.constant 80 : index
        %parallel_loop3A_304 = tpu.vector_load %arg16[%parallel_loop3A_302, %parallel_loop3A_303] {strides = array<i32>} : memref<80x128xf32, #tpu.memory_space<vmem>>, vector<16xf32>,
        %parallel_loop3A_305 = arith.subf %parallel_loop3A_301, %parallel_loop3A_304 : vector<16xf32>
        %parallel_loop3A_306 = arith.index_cast %parallel_loop3A_263 : i32 to index
        %parallel_loop3A_307 = arith.constant 96 : index
        %parallel_loop3A_308 = tpu.vector_load %arg15[%parallel_loop3A_306, %parallel_loop3A_307] {strides = array<i32>} : memref<80x128xf32, #tpu.memory_space<vmem>>, vector<16xf32>,
        %parallel_loop3A_309 = arith.index_cast %parallel_loop3A_263 : i32 to index
        %parallel_loop3A_310 = arith.constant 96 : index
        %parallel_loop3A_311 = tpu.vector_load %arg16[%parallel_loop3A_309, %parallel_loop3A_310] {strides = array<i32>} : memref<80x128xf32, #tpu.memory_space<vmem>>, vector<16xf32>,
        %parallel_loop3A_312 = arith.subf %parallel_loop3A_308, %parallel_loop3A_311 : vector<16xf32>
        %parallel_loop3A_313 = arith.index_cast %parallel_loop3A_263 : i32 to index
        %parallel_loop3A_314 = arith.constant 112 : index
        %parallel_loop3A_315 = tpu.vector_load %arg15[%parallel_loop3A_313, %parallel_loop3A_314] {strides = array<i32>} : memref<80x128xf32, #tpu.memory_space<vmem>>, vector<16xf32>,
        %parallel_loop3A_316 = arith.index_cast %parallel_loop3A_263 : i32 to index
        %parallel_loop3A_317 = arith.constant 112 : index
        %parallel_loop3A_318 = tpu.vector_load %arg16[%parallel_loop3A_316, %parallel_loop3A_317] {strides = array<i32>} : memref<80x128xf32, #tpu.memory_space<vmem>>, vector<16xf32>,
        %parallel_loop3A_319 = arith.subf %parallel_loop3A_315, %parallel_loop3A_318 : vector<16xf32>
        %parallel_loop3A_320 = arith.mulf %parallel_loop3A_270, %parallel_loop3A_270 : vector<16xf32>
        %parallel_loop3A_321 = arith.mulf %parallel_loop3A_277, %parallel_loop3A_277 : vector<16xf32>
        %parallel_loop3A_322 = arith.addf %parallel_loop3A_320, %parallel_loop3A_321 : vector<16xf32>
        %parallel_loop3A_323 = arith.mulf %parallel_loop3A_284, %parallel_loop3A_284 : vector<16xf32>
        %parallel_loop3A_324 = arith.addf %parallel_loop3A_322, %parallel_loop3A_323 : vector<16xf32>
        %parallel_loop3A_325 = arith.mulf %parallel_loop3A_291, %parallel_loop3A_291 : vector<16xf32>
        %parallel_loop3A_326 = arith.addf %parallel_loop3A_324, %parallel_loop3A_325 : vector<16xf32>
        %parallel_loop3A_327 = arith.mulf %parallel_loop3A_298, %parallel_loop3A_298 : vector<16xf32>
        %parallel_loop3A_328 = arith.addf %parallel_loop3A_326, %parallel_loop3A_327 : vector<16xf32>
        %parallel_loop3A_329 = arith.mulf %parallel_loop3A_305, %parallel_loop3A_305 : vector<16xf32>
        %parallel_loop3A_330 = arith.addf %parallel_loop3A_328, %parallel_loop3A_329 : vector<16xf32>
        %parallel_loop3A_331 = arith.mulf %parallel_loop3A_312, %parallel_loop3A_312 : vector<16xf32>
        %parallel_loop3A_332 = arith.addf %parallel_loop3A_330, %parallel_loop3A_331 : vector<16xf32>
        %parallel_loop3A_333 = arith.mulf %parallel_loop3A_319, %parallel_loop3A_319 : vector<16xf32>
        %parallel_loop3A_334 = arith.addf %parallel_loop3A_332, %parallel_loop3A_333 : vector<16xf32>
        %parallel_loop3A_335 = arith.constant true
        %parallel_loop3A_336 = vector.broadcast %parallel_loop3A_335 : i1 to vector<16xi1>
        %parallel_loop3A_337 = tpu.scan <sum>, %parallel_loop3A_334 masked %parallel_loop3A_336 : vector<16xf32>, vector<16xi1> -> vector<16xf32>
        %parallel_loop3A_338 = vector.extract %parallel_loop3A_337[15] : f32 from vector<16xf32>
        %parallel_loop3A_339 = arith.constant -1.000000e+00 : f32
        %parallel_loop3A_340 = vector.broadcast %parallel_loop3A_339 : f32 to vector<16xf32>
        %parallel_loop3A_341 = vector.broadcast %parallel_loop3A_338 : f32 to vector<16xf32>
        %parallel_loop3A_342 = arith.divf %parallel_loop3A_340, %parallel_loop3A_341 : vector<16xf32>
        %parallel_loop3A_343 = arith.mulf %parallel_loop3A_270, %parallel_loop3A_342 : vector<16xf32>
        %parallel_loop3A_344 = arith.index_cast %parallel_loop3A_263 : i32 to index
        %parallel_loop3A_345 = arith.constant 0 : index
        %parallel_loop3A_346 = tpu.vector_load %arg15[%parallel_loop3A_344, %parallel_loop3A_345] {strides = array<i32>} : memref<80x128xf32, #tpu.memory_space<vmem>>, vector<16xf32>,
        tpu.vector_store %arg15[%parallel_loop3A_344, %parallel_loop3A_345], %parallel_loop3A_343 {strides = array<i32>} : memref<80x128xf32, #tpu.memory_space<vmem>>, vector<16xf32>,
        %parallel_loop3A_347 = arith.mulf %parallel_loop3A_277, %parallel_loop3A_342 : vector<16xf32>
        %parallel_loop3A_348 = arith.index_cast %parallel_loop3A_263 : i32 to index
        %parallel_loop3A_349 = arith.constant 16 : index
        %parallel_loop3A_350 = tpu.vector_load %arg15[%parallel_loop3A_348, %parallel_loop3A_349] {strides = array<i32>} : memref<80x128xf32, #tpu.memory_space<vmem>>, vector<16xf32>,
        tpu.vector_store %arg15[%parallel_loop3A_348, %parallel_loop3A_349], %parallel_loop3A_347 {strides = array<i32>} : memref<80x128xf32, #tpu.memory_space<vmem>>, vector<16xf32>,
        %parallel_loop3A_351 = arith.mulf %parallel_loop3A_284, %parallel_loop3A_342 : vector<16xf32>
        %parallel_loop3A_352 = arith.index_cast %parallel_loop3A_263 : i32 to index
        %parallel_loop3A_353 = arith.constant 32 : index
        %parallel_loop3A_354 = tpu.vector_load %arg15[%parallel_loop3A_352, %parallel_loop3A_353] {strides = array<i32>} : memref<80x128xf32, #tpu.memory_space<vmem>>, vector<16xf32>,
        tpu.vector_store %arg15[%parallel_loop3A_352, %parallel_loop3A_353], %parallel_loop3A_351 {strides = array<i32>} : memref<80x128xf32, #tpu.memory_space<vmem>>, vector<16xf32>,
        %parallel_loop3A_355 = arith.mulf %parallel_loop3A_291, %parallel_loop3A_342 : vector<16xf32>
        %parallel_loop3A_356 = arith.index_cast %parallel_loop3A_263 : i32 to index
        %parallel_loop3A_357 = arith.constant 48 : index
        %parallel_loop3A_358 = tpu.vector_load %arg15[%parallel_loop3A_356, %parallel_loop3A_357] {strides = array<i32>} : memref<80x128xf32, #tpu.memory_space<vmem>>, vector<16xf32>,
        tpu.vector_store %arg15[%parallel_loop3A_356, %parallel_loop3A_357], %parallel_loop3A_355 {strides = array<i32>} : memref<80x128xf32, #tpu.memory_space<vmem>>, vector<16xf32>,
        %parallel_loop3A_359 = arith.mulf %parallel_loop3A_298, %parallel_loop3A_342 : vector<16xf32>
        %parallel_loop3A_360 = arith.index_cast %parallel_loop3A_263 : i32 to index
        %parallel_loop3A_361 = arith.constant 64 : index
        %parallel_loop3A_362 = tpu.vector_load %arg15[%parallel_loop3A_360, %parallel_loop3A_361] {strides = array<i32>} : memref<80x128xf32, #tpu.memory_space<vmem>>, vector<16xf32>,
        tpu.vector_store %arg15[%parallel_loop3A_360, %parallel_loop3A_361], %parallel_loop3A_359 {strides = array<i32>} : memref<80x128xf32, #tpu.memory_space<vmem>>, vector<16xf32>,
        %parallel_loop3A_363 = arith.mulf %parallel_loop3A_305, %parallel_loop3A_342 : vector<16xf32>
        %parallel_loop3A_364 = arith.index_cast %parallel_loop3A_263 : i32 to index
        %parallel_loop3A_365 = arith.constant 80 : index
        %parallel_loop3A_366 = tpu.vector_load %arg15[%parallel_loop3A_364, %parallel_loop3A_365] {strides = array<i32>} : memref<80x128xf32, #tpu.memory_space<vmem>>, vector<16xf32>,
        tpu.vector_store %arg15[%parallel_loop3A_364, %parallel_loop3A_365], %parallel_loop3A_363 {strides = array<i32>} : memref<80x128xf32, #tpu.memory_space<vmem>>, vector<16xf32>,
        %parallel_loop3A_367 = arith.mulf %parallel_loop3A_312, %parallel_loop3A_342 : vector<16xf32>
        %parallel_loop3A_368 = arith.index_cast %parallel_loop3A_263 : i32 to index
        %parallel_loop3A_369 = arith.constant 96 : index
        %parallel_loop3A_370 = tpu.vector_load %arg15[%parallel_loop3A_368, %parallel_loop3A_369] {strides = array<i32>} : memref<80x128xf32, #tpu.memory_space<vmem>>, vector<16xf32>,
        tpu.vector_store %arg15[%parallel_loop3A_368, %parallel_loop3A_369], %parallel_loop3A_367 {strides = array<i32>} : memref<80x128xf32, #tpu.memory_space<vmem>>, vector<16xf32>,
        %parallel_loop3A_371 = arith.mulf %parallel_loop3A_319, %parallel_loop3A_342 : vector<16xf32>
        %parallel_loop3A_372 = arith.index_cast %parallel_loop3A_263 : i32 to index
        %parallel_loop3A_373 = arith.constant 112 : index
        %parallel_loop3A_374 = tpu.vector_load %arg15[%parallel_loop3A_372, %parallel_loop3A_373] {strides = array<i32>} : memref<80x128xf32, #tpu.memory_space<vmem>>, vector<16xf32>,
        tpu.vector_store %arg15[%parallel_loop3A_372, %parallel_loop3A_373], %parallel_loop3A_371 {strides = array<i32>} : memref<80x128xf32, #tpu.memory_space<vmem>>, vector<16xf32>,
      } {sc.loop_unroll_factor = 2 : i64, sc.parallel_access}
      %dma_start3A_147 = arith.constant 0 : i32
      %dma_start3A_148 = arith.constant 0 : i32
      %dma_start3A_149 = tpu.memref_slice %arg21[%dma_start3A_147, %dma_start3A_148] : memref<10240x128xf32, #tpu.memory_space<vmem_shared>> -> memref<10240x128xf32, #tpu.memory_space<vmem_shared>>
      tpu.enqueue_indirect_dma source(%arg15 : memref<80x128xf32, #tpu.memory_space<vmem>>) target(%dma_start3A_149 : memref<10240x128xf32, #tpu.memory_space<vmem_shared>>) offsets(%arg8 : memref<80xi32, #tpu.memory_space<vmem>>) semaphore(%arg29 : memref<!tpu.dma_semaphore, #tpu.memory_space<semaphore_mem>>) {add = true}
      %dma_start3A_150 = arith.constant 0 : i32
      %dma_start3A_151 = tpu.memref_slice %arg22[%dma_start3A_150] : memref<10240xf32, #tpu.memory_space<vmem_shared>> -> memref<10240xf32, #tpu.memory_space<vmem_shared>>
      tpu.enqueue_indirect_dma source(%arg19 : memref<80xf32, #tpu.memory_space<vmem>>) target(%dma_start3A_151 : memref<10240xf32, #tpu.memory_space<vmem_shared>>) offsets(%arg8 : memref<80xi32, #tpu.memory_space<vmem>>) semaphore(%arg29 : memref<!tpu.dma_semaphore, #tpu.memory_space<semaphore_mem>>) {add = true}
      %mul3A_152 = arith.constant 4 : i32
      %mul3A_153 = arith.muli %mul3A_152, %scan3A_120 : i32
      %add3A_154 = arith.constant 1 : i32
      %add3A_155 = arith.addi %mul3A_153, %add3A_154 : i32
      %dma_wait3A_156 = arith.constant 0 : i32
      %dma_wait3A_157 = arith.constant 0 : i32
      %dma_wait3A_158 = tpu.memref_slice %arg2[%dma_wait3A_156, %dma_wait3A_157] : memref<10000x128xf32, #tpu.memory_space<hbm>> -> memref<10000x128xf32, #tpu.memory_space<hbm>>
      tpu.wait_indirect_dma semaphore(%arg24 : memref<!tpu.dma_semaphore, #tpu.memory_space<semaphore_mem>>) src(%dma_wait3A_158 : memref<10000x128xf32, #tpu.memory_space<hbm>>) dst(%arg17 : memref<80x128xf32, #tpu.memory_space<vmem>>)
      %dma_wait3A_159 = arith.constant 0 : i32
      %dma_wait3A_160 = arith.constant 0 : i32
      %dma_wait3A_161 = tpu.memref_slice %arg2[%dma_wait3A_159, %dma_wait3A_160] : memref<10000x128xf32, #tpu.memory_space<hbm>> -> memref<10000x128xf32, #tpu.memory_space<hbm>>
      tpu.wait_indirect_dma semaphore(%arg24 : memref<!tpu.dma_semaphore, #tpu.memory_space<semaphore_mem>>) src(%dma_wait3A_161 : memref<10000x128xf32, #tpu.memory_space<hbm>>) dst(%arg18 : memref<80x128xf32, #tpu.memory_space<vmem>>)
      %ge3A_162 = arith.constant 1 : i32
      %ge3A_163 = arith.cmpi sge, %add3A_155, %ge3A_162 : i32
      %convert_element_type3A_164 = arith.extui %ge3A_163 : i1 to i32
      %cond3A_165 = arith.constant 0 : i32
      %cond3A_166 = arith.cmpi ne, %convert_element_type3A_164, %cond3A_165 : i32
      scf.if %cond3A_166 {
        %dma_wait3A_263 = arith.constant 0 : i32
        %dma_wait3A_264 = arith.constant 0 : i32
        %dma_wait3A_265 = tpu.memref_slice %arg21[%dma_wait3A_263, %dma_wait3A_264] : memref<10240x128xf32, #tpu.memory_space<vmem_shared>> -> memref<10240x128xf32, #tpu.memory_space<vmem_shared>>
        tpu.wait_indirect_dma semaphore(%arg29 : memref<!tpu.dma_semaphore, #tpu.memory_space<semaphore_mem>>) src(%arg15 : memref<80x128xf32, #tpu.memory_space<vmem>>) dst(%dma_wait3A_265 : memref<10240x128xf32, #tpu.memory_space<vmem_shared>>)
        %dma_wait3A_266 = arith.constant 0 : i32
        %dma_wait3A_267 = tpu.memref_slice %arg22[%dma_wait3A_266] : memref<10240xf32, #tpu.memory_space<vmem_shared>> -> memref<10240xf32, #tpu.memory_space<vmem_shared>>
        tpu.wait_indirect_dma semaphore(%arg29 : memref<!tpu.dma_semaphore, #tpu.memory_space<semaphore_mem>>) src(%arg19 : memref<80xf32, #tpu.memory_space<vmem>>) dst(%dma_wait3A_267 : memref<10240xf32, #tpu.memory_space<vmem_shared>>)
      } else {
      }
      %add3A_167 = arith.constant 1 : i32
      %add3A_168 = arith.addi %add3A_155, %add3A_167 : i32
      %lt3A_169 = arith.constant 125 : i32
      %lt3A_170 = arith.cmpi slt, %add3A_168, %lt3A_169 : i32
      %convert_element_type3A_171 = arith.extui %lt3A_170 : i1 to i32
      %cond3A_172 = arith.constant 0 : i32
      %cond3A_173 = arith.cmpi ne, %convert_element_type3A_171, %cond3A_172 : i32
      scf.if %cond3A_173 {
        %add3A_263 = arith.constant 1 : i32
        %add3A_264 = arith.addi %add3A_155, %add3A_263 : i32
        %mul3A_265 = arith.constant 80 : i32
        %mul3A_266 = arith.muli %add3A_264, %mul3A_265 : i32
        %add3A_267 = arith.addi %add3A_56, %mul3A_266 : i32
        %dma_wait3A_268 = tpu.memref_slice %arg3[%add3A_267] : memref<320000xi32, #tpu.memory_space<hbm>> -> memref<80xi32, #tpu.memory_space<hbm>>
        %dma_wait3A_269 = tpu.memref_slice %arg3[%add3A_267] : memref<320000xi32, #tpu.memory_space<hbm>> -> memref<80xi32, #tpu.memory_space<hbm>>
        tpu.wait_dma2 semaphore(%arg27 : memref<!tpu.dma_semaphore, #tpu.memory_space<semaphore_mem>>) src(%dma_wait3A_269 : memref<80xi32, #tpu.memory_space<hbm>>) dst(%arg11 : memref<80xi32, #tpu.memory_space<vmem>>)
        %dma_wait3A_270 = tpu.memref_slice %arg4[%add3A_267] : memref<320000xi32, #tpu.memory_space<hbm>> -> memref<80xi32, #tpu.memory_space<hbm>>
        %dma_wait3A_271 = tpu.memref_slice %arg4[%add3A_267] : memref<320000xi32, #tpu.memory_space<hbm>> -> memref<80xi32, #tpu.memory_space<hbm>>
        tpu.wait_dma2 semaphore(%arg27 : memref<!tpu.dma_semaphore, #tpu.memory_space<semaphore_mem>>) src(%dma_wait3A_271 : memref<80xi32, #tpu.memory_space<hbm>>) dst(%arg12 : memref<80xi32, #tpu.memory_space<vmem>>)
        %dma_start3A_272 = arith.constant 0 : i32
        %dma_start3A_273 = arith.constant 0 : i32
        %dma_start3A_274 = tpu.memref_slice %arg2[%dma_start3A_272, %dma_start3A_273] : memref<10000x128xf32, #tpu.memory_space<hbm>> -> memref<10000x128xf32, #tpu.memory_space<hbm>>
        tpu.enqueue_indirect_dma source(%dma_start3A_274 : memref<10000x128xf32, #tpu.memory_space<hbm>>) target(%arg15 : memref<80x128xf32, #tpu.memory_space<vmem>>) offsets(%arg11 : memref<80xi32, #tpu.memory_space<vmem>>) semaphore(%arg23 : memref<!tpu.dma_semaphore, #tpu.memory_space<semaphore_mem>>)
        %dma_start3A_275 = arith.constant 0 : i32
        %dma_start3A_276 = arith.constant 0 : i32
        %dma_start3A_277 = tpu.memref_slice %arg2[%dma_start3A_275, %dma_start3A_276] : memref<10000x128xf32, #tpu.memory_space<hbm>> -> memref<10000x128xf32, #tpu.memory_space<hbm>>
        tpu.enqueue_indirect_dma source(%dma_start3A_277 : memref<10000x128xf32, #tpu.memory_space<hbm>>) target(%arg16 : memref<80x128xf32, #tpu.memory_space<vmem>>) offsets(%arg12 : memref<80xi32, #tpu.memory_space<vmem>>) semaphore(%arg23 : memref<!tpu.dma_semaphore, #tpu.memory_space<semaphore_mem>>)
      } else {
      }
      %add3A_174 = arith.constant 2 : i32
      %add3A_175 = arith.addi %add3A_155, %add3A_174 : i32
      %lt3A_176 = arith.constant 125 : i32
      %lt3A_177 = arith.cmpi slt, %add3A_175, %lt3A_176 : i32
      %convert_element_type3A_178 = arith.extui %lt3A_177 : i1 to i32
      %cond3A_179 = arith.constant 0 : i32
      %cond3A_180 = arith.cmpi ne, %convert_element_type3A_178, %cond3A_179 : i32
      scf.if %cond3A_180 {
        %add3A_263 = arith.constant 2 : i32
        %add3A_264 = arith.addi %add3A_155, %add3A_263 : i32
        %mul3A_265 = arith.constant 80 : i32
        %mul3A_266 = arith.muli %add3A_264, %mul3A_265 : i32
        %add3A_267 = arith.addi %add3A_56, %mul3A_266 : i32
        %dma_start3A_268 = tpu.memref_slice %arg3[%add3A_267] : memref<320000xi32, #tpu.memory_space<hbm>> -> memref<80xi32, #tpu.memory_space<hbm>>
        %dma_start3A_269 = tpu.memref_slice %arg3[%add3A_267] : memref<320000xi32, #tpu.memory_space<hbm>> -> memref<80xi32, #tpu.memory_space<hbm>>
        tpu.enqueue_dma source(%dma_start3A_269 : memref<80xi32, #tpu.memory_space<hbm>>) target(%arg13 : memref<80xi32, #tpu.memory_space<vmem>>) target_semaphore(%arg28 : memref<!tpu.dma_semaphore, #tpu.memory_space<semaphore_mem>>)
        %dma_start3A_270 = tpu.memref_slice %arg4[%add3A_267] : memref<320000xi32, #tpu.memory_space<hbm>> -> memref<80xi32, #tpu.memory_space<hbm>>
        %dma_start3A_271 = tpu.memref_slice %arg4[%add3A_267] : memref<320000xi32, #tpu.memory_space<hbm>> -> memref<80xi32, #tpu.memory_space<hbm>>
        tpu.enqueue_dma source(%dma_start3A_271 : memref<80xi32, #tpu.memory_space<hbm>>) target(%arg14 : memref<80xi32, #tpu.memory_space<vmem>>) target_semaphore(%arg28 : memref<!tpu.dma_semaphore, #tpu.memory_space<semaphore_mem>>)
      } else {
      }
      %parallel_loop3A_181 = arith.constant 0 : i32
      %parallel_loop3A_182 = arith.constant 80 : i32
      %parallel_loop3A_183 = arith.constant 1 : i32
      scf.for %parallel_loop3A_263 = %parallel_loop3A_181 to %parallel_loop3A_182 step %parallel_loop3A_183  : i32 {
        %parallel_loop3A_264 = arith.index_cast %parallel_loop3A_263 : i32 to index
        %parallel_loop3A_265 = arith.constant 0 : index
        %parallel_loop3A_266 = tpu.vector_load %arg17[%parallel_loop3A_264, %parallel_loop3A_265] {strides = array<i32>} : memref<80x128xf32, #tpu.memory_space<vmem>>, vector<16xf32>,
        %parallel_loop3A_267 = arith.index_cast %parallel_loop3A_263 : i32 to index
        %parallel_loop3A_268 = arith.constant 0 : index
        %parallel_loop3A_269 = tpu.vector_load %arg18[%parallel_loop3A_267, %parallel_loop3A_268] {strides = array<i32>} : memref<80x128xf32, #tpu.memory_space<vmem>>, vector<16xf32>,
        %parallel_loop3A_270 = arith.subf %parallel_loop3A_266, %parallel_loop3A_269 : vector<16xf32>
        %parallel_loop3A_271 = arith.index_cast %parallel_loop3A_263 : i32 to index
        %parallel_loop3A_272 = arith.constant 16 : index
        %parallel_loop3A_273 = tpu.vector_load %arg17[%parallel_loop3A_271, %parallel_loop3A_272] {strides = array<i32>} : memref<80x128xf32, #tpu.memory_space<vmem>>, vector<16xf32>,
        %parallel_loop3A_274 = arith.index_cast %parallel_loop3A_263 : i32 to index
        %parallel_loop3A_275 = arith.constant 16 : index
        %parallel_loop3A_276 = tpu.vector_load %arg18[%parallel_loop3A_274, %parallel_loop3A_275] {strides = array<i32>} : memref<80x128xf32, #tpu.memory_space<vmem>>, vector<16xf32>,
        %parallel_loop3A_277 = arith.subf %parallel_loop3A_273, %parallel_loop3A_276 : vector<16xf32>
        %parallel_loop3A_278 = arith.index_cast %parallel_loop3A_263 : i32 to index
        %parallel_loop3A_279 = arith.constant 32 : index
        %parallel_loop3A_280 = tpu.vector_load %arg17[%parallel_loop3A_278, %parallel_loop3A_279] {strides = array<i32>} : memref<80x128xf32, #tpu.memory_space<vmem>>, vector<16xf32>,
        %parallel_loop3A_281 = arith.index_cast %parallel_loop3A_263 : i32 to index
        %parallel_loop3A_282 = arith.constant 32 : index
        %parallel_loop3A_283 = tpu.vector_load %arg18[%parallel_loop3A_281, %parallel_loop3A_282] {strides = array<i32>} : memref<80x128xf32, #tpu.memory_space<vmem>>, vector<16xf32>,
        %parallel_loop3A_284 = arith.subf %parallel_loop3A_280, %parallel_loop3A_283 : vector<16xf32>
        %parallel_loop3A_285 = arith.index_cast %parallel_loop3A_263 : i32 to index
        %parallel_loop3A_286 = arith.constant 48 : index
        %parallel_loop3A_287 = tpu.vector_load %arg17[%parallel_loop3A_285, %parallel_loop3A_286] {strides = array<i32>} : memref<80x128xf32, #tpu.memory_space<vmem>>, vector<16xf32>,
        %parallel_loop3A_288 = arith.index_cast %parallel_loop3A_263 : i32 to index
        %parallel_loop3A_289 = arith.constant 48 : index
        %parallel_loop3A_290 = tpu.vector_load %arg18[%parallel_loop3A_288, %parallel_loop3A_289] {strides = array<i32>} : memref<80x128xf32, #tpu.memory_space<vmem>>, vector<16xf32>,
        %parallel_loop3A_291 = arith.subf %parallel_loop3A_287, %parallel_loop3A_290 : vector<16xf32>
        %parallel_loop3A_292 = arith.index_cast %parallel_loop3A_263 : i32 to index
        %parallel_loop3A_293 = arith.constant 64 : index
        %parallel_loop3A_294 = tpu.vector_load %arg17[%parallel_loop3A_292, %parallel_loop3A_293] {strides = array<i32>} : memref<80x128xf32, #tpu.memory_space<vmem>>, vector<16xf32>,
        %parallel_loop3A_295 = arith.index_cast %parallel_loop3A_263 : i32 to index
        %parallel_loop3A_296 = arith.constant 64 : index
        %parallel_loop3A_297 = tpu.vector_load %arg18[%parallel_loop3A_295, %parallel_loop3A_296] {strides = array<i32>} : memref<80x128xf32, #tpu.memory_space<vmem>>, vector<16xf32>,
        %parallel_loop3A_298 = arith.subf %parallel_loop3A_294, %parallel_loop3A_297 : vector<16xf32>
        %parallel_loop3A_299 = arith.index_cast %parallel_loop3A_263 : i32 to index
        %parallel_loop3A_300 = arith.constant 80 : index
        %parallel_loop3A_301 = tpu.vector_load %arg17[%parallel_loop3A_299, %parallel_loop3A_300] {strides = array<i32>} : memref<80x128xf32, #tpu.memory_space<vmem>>, vector<16xf32>,
        %parallel_loop3A_302 = arith.index_cast %parallel_loop3A_263 : i32 to index
        %parallel_loop3A_303 = arith.constant 80 : index
        %parallel_loop3A_304 = tpu.vector_load %arg18[%parallel_loop3A_302, %parallel_loop3A_303] {strides = array<i32>} : memref<80x128xf32, #tpu.memory_space<vmem>>, vector<16xf32>,
        %parallel_loop3A_305 = arith.subf %parallel_loop3A_301, %parallel_loop3A_304 : vector<16xf32>
        %parallel_loop3A_306 = arith.index_cast %parallel_loop3A_263 : i32 to index
        %parallel_loop3A_307 = arith.constant 96 : index
        %parallel_loop3A_308 = tpu.vector_load %arg17[%parallel_loop3A_306, %parallel_loop3A_307] {strides = array<i32>} : memref<80x128xf32, #tpu.memory_space<vmem>>, vector<16xf32>,
        %parallel_loop3A_309 = arith.index_cast %parallel_loop3A_263 : i32 to index
        %parallel_loop3A_310 = arith.constant 96 : index
        %parallel_loop3A_311 = tpu.vector_load %arg18[%parallel_loop3A_309, %parallel_loop3A_310] {strides = array<i32>} : memref<80x128xf32, #tpu.memory_space<vmem>>, vector<16xf32>,
        %parallel_loop3A_312 = arith.subf %parallel_loop3A_308, %parallel_loop3A_311 : vector<16xf32>
        %parallel_loop3A_313 = arith.index_cast %parallel_loop3A_263 : i32 to index
        %parallel_loop3A_314 = arith.constant 112 : index
        %parallel_loop3A_315 = tpu.vector_load %arg17[%parallel_loop3A_313, %parallel_loop3A_314] {strides = array<i32>} : memref<80x128xf32, #tpu.memory_space<vmem>>, vector<16xf32>,
        %parallel_loop3A_316 = arith.index_cast %parallel_loop3A_263 : i32 to index
        %parallel_loop3A_317 = arith.constant 112 : index
        %parallel_loop3A_318 = tpu.vector_load %arg18[%parallel_loop3A_316, %parallel_loop3A_317] {strides = array<i32>} : memref<80x128xf32, #tpu.memory_space<vmem>>, vector<16xf32>,
        %parallel_loop3A_319 = arith.subf %parallel_loop3A_315, %parallel_loop3A_318 : vector<16xf32>
        %parallel_loop3A_320 = arith.mulf %parallel_loop3A_270, %parallel_loop3A_270 : vector<16xf32>
        %parallel_loop3A_321 = arith.mulf %parallel_loop3A_277, %parallel_loop3A_277 : vector<16xf32>
        %parallel_loop3A_322 = arith.addf %parallel_loop3A_320, %parallel_loop3A_321 : vector<16xf32>
        %parallel_loop3A_323 = arith.mulf %parallel_loop3A_284, %parallel_loop3A_284 : vector<16xf32>
        %parallel_loop3A_324 = arith.addf %parallel_loop3A_322, %parallel_loop3A_323 : vector<16xf32>
        %parallel_loop3A_325 = arith.mulf %parallel_loop3A_291, %parallel_loop3A_291 : vector<16xf32>
        %parallel_loop3A_326 = arith.addf %parallel_loop3A_324, %parallel_loop3A_325 : vector<16xf32>
        %parallel_loop3A_327 = arith.mulf %parallel_loop3A_298, %parallel_loop3A_298 : vector<16xf32>
        %parallel_loop3A_328 = arith.addf %parallel_loop3A_326, %parallel_loop3A_327 : vector<16xf32>
        %parallel_loop3A_329 = arith.mulf %parallel_loop3A_305, %parallel_loop3A_305 : vector<16xf32>
        %parallel_loop3A_330 = arith.addf %parallel_loop3A_328, %parallel_loop3A_329 : vector<16xf32>
        %parallel_loop3A_331 = arith.mulf %parallel_loop3A_312, %parallel_loop3A_312 : vector<16xf32>
        %parallel_loop3A_332 = arith.addf %parallel_loop3A_330, %parallel_loop3A_331 : vector<16xf32>
        %parallel_loop3A_333 = arith.mulf %parallel_loop3A_319, %parallel_loop3A_319 : vector<16xf32>
        %parallel_loop3A_334 = arith.addf %parallel_loop3A_332, %parallel_loop3A_333 : vector<16xf32>
        %parallel_loop3A_335 = arith.constant true
        %parallel_loop3A_336 = vector.broadcast %parallel_loop3A_335 : i1 to vector<16xi1>
        %parallel_loop3A_337 = tpu.scan <sum>, %parallel_loop3A_334 masked %parallel_loop3A_336 : vector<16xf32>, vector<16xi1> -> vector<16xf32>
        %parallel_loop3A_338 = vector.extract %parallel_loop3A_337[15] : f32 from vector<16xf32>
        %parallel_loop3A_339 = arith.constant -1.000000e+00 : f32
        %parallel_loop3A_340 = vector.broadcast %parallel_loop3A_339 : f32 to vector<16xf32>
        %parallel_loop3A_341 = vector.broadcast %parallel_loop3A_338 : f32 to vector<16xf32>
        %parallel_loop3A_342 = arith.divf %parallel_loop3A_340, %parallel_loop3A_341 : vector<16xf32>
        %parallel_loop3A_343 = arith.mulf %parallel_loop3A_270, %parallel_loop3A_342 : vector<16xf32>
        %parallel_loop3A_344 = arith.index_cast %parallel_loop3A_263 : i32 to index
        %parallel_loop3A_345 = arith.constant 0 : index
        %parallel_loop3A_346 = tpu.vector_load %arg17[%parallel_loop3A_344, %parallel_loop3A_345] {strides = array<i32>} : memref<80x128xf32, #tpu.memory_space<vmem>>, vector<16xf32>,
        tpu.vector_store %arg17[%parallel_loop3A_344, %parallel_loop3A_345], %parallel_loop3A_343 {strides = array<i32>} : memref<80x128xf32, #tpu.memory_space<vmem>>, vector<16xf32>,
        %parallel_loop3A_347 = arith.mulf %parallel_loop3A_277, %parallel_loop3A_342 : vector<16xf32>
        %parallel_loop3A_348 = arith.index_cast %parallel_loop3A_263 : i32 to index
        %parallel_loop3A_349 = arith.constant 16 : index
        %parallel_loop3A_350 = tpu.vector_load %arg17[%parallel_loop3A_348, %parallel_loop3A_349] {strides = array<i32>} : memref<80x128xf32, #tpu.memory_space<vmem>>, vector<16xf32>,
        tpu.vector_store %arg17[%parallel_loop3A_348, %parallel_loop3A_349], %parallel_loop3A_347 {strides = array<i32>} : memref<80x128xf32, #tpu.memory_space<vmem>>, vector<16xf32>,
        %parallel_loop3A_351 = arith.mulf %parallel_loop3A_284, %parallel_loop3A_342 : vector<16xf32>
        %parallel_loop3A_352 = arith.index_cast %parallel_loop3A_263 : i32 to index
        %parallel_loop3A_353 = arith.constant 32 : index
        %parallel_loop3A_354 = tpu.vector_load %arg17[%parallel_loop3A_352, %parallel_loop3A_353] {strides = array<i32>} : memref<80x128xf32, #tpu.memory_space<vmem>>, vector<16xf32>,
        tpu.vector_store %arg17[%parallel_loop3A_352, %parallel_loop3A_353], %parallel_loop3A_351 {strides = array<i32>} : memref<80x128xf32, #tpu.memory_space<vmem>>, vector<16xf32>,
        %parallel_loop3A_355 = arith.mulf %parallel_loop3A_291, %parallel_loop3A_342 : vector<16xf32>
        %parallel_loop3A_356 = arith.index_cast %parallel_loop3A_263 : i32 to index
        %parallel_loop3A_357 = arith.constant 48 : index
        %parallel_loop3A_358 = tpu.vector_load %arg17[%parallel_loop3A_356, %parallel_loop3A_357] {strides = array<i32>} : memref<80x128xf32, #tpu.memory_space<vmem>>, vector<16xf32>,
        tpu.vector_store %arg17[%parallel_loop3A_356, %parallel_loop3A_357], %parallel_loop3A_355 {strides = array<i32>} : memref<80x128xf32, #tpu.memory_space<vmem>>, vector<16xf32>,
        %parallel_loop3A_359 = arith.mulf %parallel_loop3A_298, %parallel_loop3A_342 : vector<16xf32>
        %parallel_loop3A_360 = arith.index_cast %parallel_loop3A_263 : i32 to index
        %parallel_loop3A_361 = arith.constant 64 : index
        %parallel_loop3A_362 = tpu.vector_load %arg17[%parallel_loop3A_360, %parallel_loop3A_361] {strides = array<i32>} : memref<80x128xf32, #tpu.memory_space<vmem>>, vector<16xf32>,
        tpu.vector_store %arg17[%parallel_loop3A_360, %parallel_loop3A_361], %parallel_loop3A_359 {strides = array<i32>} : memref<80x128xf32, #tpu.memory_space<vmem>>, vector<16xf32>,
        %parallel_loop3A_363 = arith.mulf %parallel_loop3A_305, %parallel_loop3A_342 : vector<16xf32>
        %parallel_loop3A_364 = arith.index_cast %parallel_loop3A_263 : i32 to index
        %parallel_loop3A_365 = arith.constant 80 : index
        %parallel_loop3A_366 = tpu.vector_load %arg17[%parallel_loop3A_364, %parallel_loop3A_365] {strides = array<i32>} : memref<80x128xf32, #tpu.memory_space<vmem>>, vector<16xf32>,
        tpu.vector_store %arg17[%parallel_loop3A_364, %parallel_loop3A_365], %parallel_loop3A_363 {strides = array<i32>} : memref<80x128xf32, #tpu.memory_space<vmem>>, vector<16xf32>,
        %parallel_loop3A_367 = arith.mulf %parallel_loop3A_312, %parallel_loop3A_342 : vector<16xf32>
        %parallel_loop3A_368 = arith.index_cast %parallel_loop3A_263 : i32 to index
        %parallel_loop3A_369 = arith.constant 96 : index
        %parallel_loop3A_370 = tpu.vector_load %arg17[%parallel_loop3A_368, %parallel_loop3A_369] {strides = array<i32>} : memref<80x128xf32, #tpu.memory_space<vmem>>, vector<16xf32>,
        tpu.vector_store %arg17[%parallel_loop3A_368, %parallel_loop3A_369], %parallel_loop3A_367 {strides = array<i32>} : memref<80x128xf32, #tpu.memory_space<vmem>>, vector<16xf32>,
        %parallel_loop3A_371 = arith.mulf %parallel_loop3A_319, %parallel_loop3A_342 : vector<16xf32>
        %parallel_loop3A_372 = arith.index_cast %parallel_loop3A_263 : i32 to index
        %parallel_loop3A_373 = arith.constant 112 : index
        %parallel_loop3A_374 = tpu.vector_load %arg17[%parallel_loop3A_372, %parallel_loop3A_373] {strides = array<i32>} : memref<80x128xf32, #tpu.memory_space<vmem>>, vector<16xf32>,
        tpu.vector_store %arg17[%parallel_loop3A_372, %parallel_loop3A_373], %parallel_loop3A_371 {strides = array<i32>} : memref<80x128xf32, #tpu.memory_space<vmem>>, vector<16xf32>,
      } {sc.loop_unroll_factor = 2 : i64, sc.parallel_access}
      %dma_start3A_184 = arith.constant 0 : i32
      %dma_start3A_185 = arith.constant 0 : i32
      %dma_start3A_186 = tpu.memref_slice %arg21[%dma_start3A_184, %dma_start3A_185] : memref<10240x128xf32, #tpu.memory_space<vmem_shared>> -> memref<10240x128xf32, #tpu.memory_space<vmem_shared>>
      tpu.enqueue_indirect_dma source(%arg17 : memref<80x128xf32, #tpu.memory_space<vmem>>) target(%dma_start3A_186 : memref<10240x128xf32, #tpu.memory_space<vmem_shared>>) offsets(%arg10 : memref<80xi32, #tpu.memory_space<vmem>>) semaphore(%arg30 : memref<!tpu.dma_semaphore, #tpu.memory_space<semaphore_mem>>) {add = true}
      %dma_start3A_187 = arith.constant 0 : i32
      %dma_start3A_188 = tpu.memref_slice %arg22[%dma_start3A_187] : memref<10240xf32, #tpu.memory_space<vmem_shared>> -> memref<10240xf32, #tpu.memory_space<vmem_shared>>
      tpu.enqueue_indirect_dma source(%arg19 : memref<80xf32, #tpu.memory_space<vmem>>) target(%dma_start3A_188 : memref<10240xf32, #tpu.memory_space<vmem_shared>>) offsets(%arg10 : memref<80xi32, #tpu.memory_space<vmem>>) semaphore(%arg30 : memref<!tpu.dma_semaphore, #tpu.memory_space<semaphore_mem>>) {add = true}
      %mul3A_189 = arith.constant 4 : i32
      %mul3A_190 = arith.muli %mul3A_189, %scan3A_120 : i32
      %add3A_191 = arith.constant 2 : i32
      %add3A_192 = arith.addi %mul3A_190, %add3A_191 : i32
      %dma_wait3A_193 = arith.constant 0 : i32
      %dma_wait3A_194 = arith.constant 0 : i32
      %dma_wait3A_195 = tpu.memref_slice %arg2[%dma_wait3A_193, %dma_wait3A_194] : memref<10000x128xf32, #tpu.memory_space<hbm>> -> memref<10000x128xf32, #tpu.memory_space<hbm>>
      tpu.wait_indirect_dma semaphore(%arg23 : memref<!tpu.dma_semaphore, #tpu.memory_space<semaphore_mem>>) src(%dma_wait3A_195 : memref<10000x128xf32, #tpu.memory_space<hbm>>) dst(%arg15 : memref<80x128xf32, #tpu.memory_space<vmem>>)
      %dma_wait3A_196 = arith.constant 0 : i32
      %dma_wait3A_197 = arith.constant 0 : i32
      %dma_wait3A_198 = tpu.memref_slice %arg2[%dma_wait3A_196, %dma_wait3A_197] : memref<10000x128xf32, #tpu.memory_space<hbm>> -> memref<10000x128xf32, #tpu.memory_space<hbm>>
      tpu.wait_indirect_dma semaphore(%arg23 : memref<!tpu.dma_semaphore, #tpu.memory_space<semaphore_mem>>) src(%dma_wait3A_198 : memref<10000x128xf32, #tpu.memory_space<hbm>>) dst(%arg16 : memref<80x128xf32, #tpu.memory_space<vmem>>)
      %ge3A_199 = arith.constant 1 : i32
      %ge3A_200 = arith.cmpi sge, %add3A_192, %ge3A_199 : i32
      %convert_element_type3A_201 = arith.extui %ge3A_200 : i1 to i32
      %cond3A_202 = arith.constant 0 : i32
      %cond3A_203 = arith.cmpi ne, %convert_element_type3A_201, %cond3A_202 : i32
      scf.if %cond3A_203 {
        %dma_wait3A_263 = arith.constant 0 : i32
        %dma_wait3A_264 = arith.constant 0 : i32
        %dma_wait3A_265 = tpu.memref_slice %arg21[%dma_wait3A_263, %dma_wait3A_264] : memref<10240x128xf32, #tpu.memory_space<vmem_shared>> -> memref<10240x128xf32, #tpu.memory_space<vmem_shared>>
        tpu.wait_indirect_dma semaphore(%arg30 : memref<!tpu.dma_semaphore, #tpu.memory_space<semaphore_mem>>) src(%arg17 : memref<80x128xf32, #tpu.memory_space<vmem>>) dst(%dma_wait3A_265 : memref<10240x128xf32, #tpu.memory_space<vmem_shared>>)
        %dma_wait3A_266 = arith.constant 0 : i32
        %dma_wait3A_267 = tpu.memref_slice %arg22[%dma_wait3A_266] : memref<10240xf32, #tpu.memory_space<vmem_shared>> -> memref<10240xf32, #tpu.memory_space<vmem_shared>>
        tpu.wait_indirect_dma semaphore(%arg30 : memref<!tpu.dma_semaphore, #tpu.memory_space<semaphore_mem>>) src(%arg19 : memref<80xf32, #tpu.memory_space<vmem>>) dst(%dma_wait3A_267 : memref<10240xf32, #tpu.memory_space<vmem_shared>>)
      } else {
      }
      %add3A_204 = arith.constant 1 : i32
      %add3A_205 = arith.addi %add3A_192, %add3A_204 : i32
      %lt3A_206 = arith.constant 125 : i32
      %lt3A_207 = arith.cmpi slt, %add3A_205, %lt3A_206 : i32
      %convert_element_type3A_208 = arith.extui %lt3A_207 : i1 to i32
      %cond3A_209 = arith.constant 0 : i32
      %cond3A_210 = arith.cmpi ne, %convert_element_type3A_208, %cond3A_209 : i32
      scf.if %cond3A_210 {
        %add3A_263 = arith.constant 1 : i32
        %add3A_264 = arith.addi %add3A_192, %add3A_263 : i32
        %mul3A_265 = arith.constant 80 : i32
        %mul3A_266 = arith.muli %add3A_264, %mul3A_265 : i32
        %add3A_267 = arith.addi %add3A_56, %mul3A_266 : i32
        %dma_wait3A_268 = tpu.memref_slice %arg3[%add3A_267] : memref<320000xi32, #tpu.memory_space<hbm>> -> memref<80xi32, #tpu.memory_space<hbm>>
        %dma_wait3A_269 = tpu.memref_slice %arg3[%add3A_267] : memref<320000xi32, #tpu.memory_space<hbm>> -> memref<80xi32, #tpu.memory_space<hbm>>
        tpu.wait_dma2 semaphore(%arg28 : memref<!tpu.dma_semaphore, #tpu.memory_space<semaphore_mem>>) src(%dma_wait3A_269 : memref<80xi32, #tpu.memory_space<hbm>>) dst(%arg13 : memref<80xi32, #tpu.memory_space<vmem>>)
        %dma_wait3A_270 = tpu.memref_slice %arg4[%add3A_267] : memref<320000xi32, #tpu.memory_space<hbm>> -> memref<80xi32, #tpu.memory_space<hbm>>
        %dma_wait3A_271 = tpu.memref_slice %arg4[%add3A_267] : memref<320000xi32, #tpu.memory_space<hbm>> -> memref<80xi32, #tpu.memory_space<hbm>>
        tpu.wait_dma2 semaphore(%arg28 : memref<!tpu.dma_semaphore, #tpu.memory_space<semaphore_mem>>) src(%dma_wait3A_271 : memref<80xi32, #tpu.memory_space<hbm>>) dst(%arg14 : memref<80xi32, #tpu.memory_space<vmem>>)
        %dma_start3A_272 = arith.constant 0 : i32
        %dma_start3A_273 = arith.constant 0 : i32
        %dma_start3A_274 = tpu.memref_slice %arg2[%dma_start3A_272, %dma_start3A_273] : memref<10000x128xf32, #tpu.memory_space<hbm>> -> memref<10000x128xf32, #tpu.memory_space<hbm>>
        tpu.enqueue_indirect_dma source(%dma_start3A_274 : memref<10000x128xf32, #tpu.memory_space<hbm>>) target(%arg17 : memref<80x128xf32, #tpu.memory_space<vmem>>) offsets(%arg13 : memref<80xi32, #tpu.memory_space<vmem>>) semaphore(%arg24 : memref<!tpu.dma_semaphore, #tpu.memory_space<semaphore_mem>>)
        %dma_start3A_275 = arith.constant 0 : i32
        %dma_start3A_276 = arith.constant 0 : i32
        %dma_start3A_277 = tpu.memref_slice %arg2[%dma_start3A_275, %dma_start3A_276] : memref<10000x128xf32, #tpu.memory_space<hbm>> -> memref<10000x128xf32, #tpu.memory_space<hbm>>
        tpu.enqueue_indirect_dma source(%dma_start3A_277 : memref<10000x128xf32, #tpu.memory_space<hbm>>) target(%arg18 : memref<80x128xf32, #tpu.memory_space<vmem>>) offsets(%arg14 : memref<80xi32, #tpu.memory_space<vmem>>) semaphore(%arg24 : memref<!tpu.dma_semaphore, #tpu.memory_space<semaphore_mem>>)
      } else {
      }
      %add3A_211 = arith.constant 2 : i32
      %add3A_212 = arith.addi %add3A_192, %add3A_211 : i32
      %lt3A_213 = arith.constant 125 : i32
      %lt3A_214 = arith.cmpi slt, %add3A_212, %lt3A_213 : i32
      %convert_element_type3A_215 = arith.extui %lt3A_214 : i1 to i32
      %cond3A_216 = arith.constant 0 : i32
      %cond3A_217 = arith.cmpi ne, %convert_element_type3A_215, %cond3A_216 : i32
      scf.if %cond3A_217 {
        %add3A_263 = arith.constant 2 : i32
        %add3A_264 = arith.addi %add3A_192, %add3A_263 : i32
        %mul3A_265 = arith.constant 80 : i32
        %mul3A_266 = arith.muli %add3A_264, %mul3A_265 : i32
        %add3A_267 = arith.addi %add3A_56, %mul3A_266 : i32
        %dma_start3A_268 = tpu.memref_slice %arg3[%add3A_267] : memref<320000xi32, #tpu.memory_space<hbm>> -> memref<80xi32, #tpu.memory_space<hbm>>
        %dma_start3A_269 = tpu.memref_slice %arg3[%add3A_267] : memref<320000xi32, #tpu.memory_space<hbm>> -> memref<80xi32, #tpu.memory_space<hbm>>
        tpu.enqueue_dma source(%dma_start3A_269 : memref<80xi32, #tpu.memory_space<hbm>>) target(%arg7 : memref<80xi32, #tpu.memory_space<vmem>>) target_semaphore(%arg25 : memref<!tpu.dma_semaphore, #tpu.memory_space<semaphore_mem>>)
        %dma_start3A_270 = tpu.memref_slice %arg4[%add3A_267] : memref<320000xi32, #tpu.memory_space<hbm>> -> memref<80xi32, #tpu.memory_space<hbm>>
        %dma_start3A_271 = tpu.memref_slice %arg4[%add3A_267] : memref<320000xi32, #tpu.memory_space<hbm>> -> memref<80xi32, #tpu.memory_space<hbm>>
        tpu.enqueue_dma source(%dma_start3A_271 : memref<80xi32, #tpu.memory_space<hbm>>) target(%arg8 : memref<80xi32, #tpu.memory_space<vmem>>) target_semaphore(%arg25 : memref<!tpu.dma_semaphore, #tpu.memory_space<semaphore_mem>>)
      } else {
      }
      %parallel_loop3A_218 = arith.constant 0 : i32
      %parallel_loop3A_219 = arith.constant 80 : i32
      %parallel_loop3A_220 = arith.constant 1 : i32
      scf.for %parallel_loop3A_263 = %parallel_loop3A_218 to %parallel_loop3A_219 step %parallel_loop3A_220  : i32 {
        %parallel_loop3A_264 = arith.index_cast %parallel_loop3A_263 : i32 to index
        %parallel_loop3A_265 = arith.constant 0 : index
        %parallel_loop3A_266 = tpu.vector_load %arg15[%parallel_loop3A_264, %parallel_loop3A_265] {strides = array<i32>} : memref<80x128xf32, #tpu.memory_space<vmem>>, vector<16xf32>,
        %parallel_loop3A_267 = arith.index_cast %parallel_loop3A_263 : i32 to index
        %parallel_loop3A_268 = arith.constant 0 : index
        %parallel_loop3A_269 = tpu.vector_load %arg16[%parallel_loop3A_267, %parallel_loop3A_268] {strides = array<i32>} : memref<80x128xf32, #tpu.memory_space<vmem>>, vector<16xf32>,
        %parallel_loop3A_270 = arith.subf %parallel_loop3A_266, %parallel_loop3A_269 : vector<16xf32>
        %parallel_loop3A_271 = arith.index_cast %parallel_loop3A_263 : i32 to index
        %parallel_loop3A_272 = arith.constant 16 : index
        %parallel_loop3A_273 = tpu.vector_load %arg15[%parallel_loop3A_271, %parallel_loop3A_272] {strides = array<i32>} : memref<80x128xf32, #tpu.memory_space<vmem>>, vector<16xf32>,
        %parallel_loop3A_274 = arith.index_cast %parallel_loop3A_263 : i32 to index
        %parallel_loop3A_275 = arith.constant 16 : index
        %parallel_loop3A_276 = tpu.vector_load %arg16[%parallel_loop3A_274, %parallel_loop3A_275] {strides = array<i32>} : memref<80x128xf32, #tpu.memory_space<vmem>>, vector<16xf32>,
        %parallel_loop3A_277 = arith.subf %parallel_loop3A_273, %parallel_loop3A_276 : vector<16xf32>
        %parallel_loop3A_278 = arith.index_cast %parallel_loop3A_263 : i32 to index
        %parallel_loop3A_279 = arith.constant 32 : index
        %parallel_loop3A_280 = tpu.vector_load %arg15[%parallel_loop3A_278, %parallel_loop3A_279] {strides = array<i32>} : memref<80x128xf32, #tpu.memory_space<vmem>>, vector<16xf32>,
        %parallel_loop3A_281 = arith.index_cast %parallel_loop3A_263 : i32 to index
        %parallel_loop3A_282 = arith.constant 32 : index
        %parallel_loop3A_283 = tpu.vector_load %arg16[%parallel_loop3A_281, %parallel_loop3A_282] {strides = array<i32>} : memref<80x128xf32, #tpu.memory_space<vmem>>, vector<16xf32>,
        %parallel_loop3A_284 = arith.subf %parallel_loop3A_280, %parallel_loop3A_283 : vector<16xf32>
        %parallel_loop3A_285 = arith.index_cast %parallel_loop3A_263 : i32 to index
        %parallel_loop3A_286 = arith.constant 48 : index
        %parallel_loop3A_287 = tpu.vector_load %arg15[%parallel_loop3A_285, %parallel_loop3A_286] {strides = array<i32>} : memref<80x128xf32, #tpu.memory_space<vmem>>, vector<16xf32>,
        %parallel_loop3A_288 = arith.index_cast %parallel_loop3A_263 : i32 to index
        %parallel_loop3A_289 = arith.constant 48 : index
        %parallel_loop3A_290 = tpu.vector_load %arg16[%parallel_loop3A_288, %parallel_loop3A_289] {strides = array<i32>} : memref<80x128xf32, #tpu.memory_space<vmem>>, vector<16xf32>,
        %parallel_loop3A_291 = arith.subf %parallel_loop3A_287, %parallel_loop3A_290 : vector<16xf32>
        %parallel_loop3A_292 = arith.index_cast %parallel_loop3A_263 : i32 to index
        %parallel_loop3A_293 = arith.constant 64 : index
        %parallel_loop3A_294 = tpu.vector_load %arg15[%parallel_loop3A_292, %parallel_loop3A_293] {strides = array<i32>} : memref<80x128xf32, #tpu.memory_space<vmem>>, vector<16xf32>,
        %parallel_loop3A_295 = arith.index_cast %parallel_loop3A_263 : i32 to index
        %parallel_loop3A_296 = arith.constant 64 : index
        %parallel_loop3A_297 = tpu.vector_load %arg16[%parallel_loop3A_295, %parallel_loop3A_296] {strides = array<i32>} : memref<80x128xf32, #tpu.memory_space<vmem>>, vector<16xf32>,
        %parallel_loop3A_298 = arith.subf %parallel_loop3A_294, %parallel_loop3A_297 : vector<16xf32>
        %parallel_loop3A_299 = arith.index_cast %parallel_loop3A_263 : i32 to index
        %parallel_loop3A_300 = arith.constant 80 : index
        %parallel_loop3A_301 = tpu.vector_load %arg15[%parallel_loop3A_299, %parallel_loop3A_300] {strides = array<i32>} : memref<80x128xf32, #tpu.memory_space<vmem>>, vector<16xf32>,
        %parallel_loop3A_302 = arith.index_cast %parallel_loop3A_263 : i32 to index
        %parallel_loop3A_303 = arith.constant 80 : index
        %parallel_loop3A_304 = tpu.vector_load %arg16[%parallel_loop3A_302, %parallel_loop3A_303] {strides = array<i32>} : memref<80x128xf32, #tpu.memory_space<vmem>>, vector<16xf32>,
        %parallel_loop3A_305 = arith.subf %parallel_loop3A_301, %parallel_loop3A_304 : vector<16xf32>
        %parallel_loop3A_306 = arith.index_cast %parallel_loop3A_263 : i32 to index
        %parallel_loop3A_307 = arith.constant 96 : index
        %parallel_loop3A_308 = tpu.vector_load %arg15[%parallel_loop3A_306, %parallel_loop3A_307] {strides = array<i32>} : memref<80x128xf32, #tpu.memory_space<vmem>>, vector<16xf32>,
        %parallel_loop3A_309 = arith.index_cast %parallel_loop3A_263 : i32 to index
        %parallel_loop3A_310 = arith.constant 96 : index
        %parallel_loop3A_311 = tpu.vector_load %arg16[%parallel_loop3A_309, %parallel_loop3A_310] {strides = array<i32>} : memref<80x128xf32, #tpu.memory_space<vmem>>, vector<16xf32>,
        %parallel_loop3A_312 = arith.subf %parallel_loop3A_308, %parallel_loop3A_311 : vector<16xf32>
        %parallel_loop3A_313 = arith.index_cast %parallel_loop3A_263 : i32 to index
        %parallel_loop3A_314 = arith.constant 112 : index
        %parallel_loop3A_315 = tpu.vector_load %arg15[%parallel_loop3A_313, %parallel_loop3A_314] {strides = array<i32>} : memref<80x128xf32, #tpu.memory_space<vmem>>, vector<16xf32>,
        %parallel_loop3A_316 = arith.index_cast %parallel_loop3A_263 : i32 to index
        %parallel_loop3A_317 = arith.constant 112 : index
        %parallel_loop3A_318 = tpu.vector_load %arg16[%parallel_loop3A_316, %parallel_loop3A_317] {strides = array<i32>} : memref<80x128xf32, #tpu.memory_space<vmem>>, vector<16xf32>,
        %parallel_loop3A_319 = arith.subf %parallel_loop3A_315, %parallel_loop3A_318 : vector<16xf32>
        %parallel_loop3A_320 = arith.mulf %parallel_loop3A_270, %parallel_loop3A_270 : vector<16xf32>
        %parallel_loop3A_321 = arith.mulf %parallel_loop3A_277, %parallel_loop3A_277 : vector<16xf32>
        %parallel_loop3A_322 = arith.addf %parallel_loop3A_320, %parallel_loop3A_321 : vector<16xf32>
        %parallel_loop3A_323 = arith.mulf %parallel_loop3A_284, %parallel_loop3A_284 : vector<16xf32>
        %parallel_loop3A_324 = arith.addf %parallel_loop3A_322, %parallel_loop3A_323 : vector<16xf32>
        %parallel_loop3A_325 = arith.mulf %parallel_loop3A_291, %parallel_loop3A_291 : vector<16xf32>
        %parallel_loop3A_326 = arith.addf %parallel_loop3A_324, %parallel_loop3A_325 : vector<16xf32>
        %parallel_loop3A_327 = arith.mulf %parallel_loop3A_298, %parallel_loop3A_298 : vector<16xf32>
        %parallel_loop3A_328 = arith.addf %parallel_loop3A_326, %parallel_loop3A_327 : vector<16xf32>
        %parallel_loop3A_329 = arith.mulf %parallel_loop3A_305, %parallel_loop3A_305 : vector<16xf32>
        %parallel_loop3A_330 = arith.addf %parallel_loop3A_328, %parallel_loop3A_329 : vector<16xf32>
        %parallel_loop3A_331 = arith.mulf %parallel_loop3A_312, %parallel_loop3A_312 : vector<16xf32>
        %parallel_loop3A_332 = arith.addf %parallel_loop3A_330, %parallel_loop3A_331 : vector<16xf32>
        %parallel_loop3A_333 = arith.mulf %parallel_loop3A_319, %parallel_loop3A_319 : vector<16xf32>
        %parallel_loop3A_334 = arith.addf %parallel_loop3A_332, %parallel_loop3A_333 : vector<16xf32>
        %parallel_loop3A_335 = arith.constant true
        %parallel_loop3A_336 = vector.broadcast %parallel_loop3A_335 : i1 to vector<16xi1>
        %parallel_loop3A_337 = tpu.scan <sum>, %parallel_loop3A_334 masked %parallel_loop3A_336 : vector<16xf32>, vector<16xi1> -> vector<16xf32>
        %parallel_loop3A_338 = vector.extract %parallel_loop3A_337[15] : f32 from vector<16xf32>
        %parallel_loop3A_339 = arith.constant -1.000000e+00 : f32
        %parallel_loop3A_340 = vector.broadcast %parallel_loop3A_339 : f32 to vector<16xf32>
        %parallel_loop3A_341 = vector.broadcast %parallel_loop3A_338 : f32 to vector<16xf32>
        %parallel_loop3A_342 = arith.divf %parallel_loop3A_340, %parallel_loop3A_341 : vector<16xf32>
        %parallel_loop3A_343 = arith.mulf %parallel_loop3A_270, %parallel_loop3A_342 : vector<16xf32>
        %parallel_loop3A_344 = arith.index_cast %parallel_loop3A_263 : i32 to index
        %parallel_loop3A_345 = arith.constant 0 : index
        %parallel_loop3A_346 = tpu.vector_load %arg15[%parallel_loop3A_344, %parallel_loop3A_345] {strides = array<i32>} : memref<80x128xf32, #tpu.memory_space<vmem>>, vector<16xf32>,
        tpu.vector_store %arg15[%parallel_loop3A_344, %parallel_loop3A_345], %parallel_loop3A_343 {strides = array<i32>} : memref<80x128xf32, #tpu.memory_space<vmem>>, vector<16xf32>,
        %parallel_loop3A_347 = arith.mulf %parallel_loop3A_277, %parallel_loop3A_342 : vector<16xf32>
        %parallel_loop3A_348 = arith.index_cast %parallel_loop3A_263 : i32 to index
        %parallel_loop3A_349 = arith.constant 16 : index
        %parallel_loop3A_350 = tpu.vector_load %arg15[%parallel_loop3A_348, %parallel_loop3A_349] {strides = array<i32>} : memref<80x128xf32, #tpu.memory_space<vmem>>, vector<16xf32>,
        tpu.vector_store %arg15[%parallel_loop3A_348, %parallel_loop3A_349], %parallel_loop3A_347 {strides = array<i32>} : memref<80x128xf32, #tpu.memory_space<vmem>>, vector<16xf32>,
        %parallel_loop3A_351 = arith.mulf %parallel_loop3A_284, %parallel_loop3A_342 : vector<16xf32>
        %parallel_loop3A_352 = arith.index_cast %parallel_loop3A_263 : i32 to index
        %parallel_loop3A_353 = arith.constant 32 : index
        %parallel_loop3A_354 = tpu.vector_load %arg15[%parallel_loop3A_352, %parallel_loop3A_353] {strides = array<i32>} : memref<80x128xf32, #tpu.memory_space<vmem>>, vector<16xf32>,
        tpu.vector_store %arg15[%parallel_loop3A_352, %parallel_loop3A_353], %parallel_loop3A_351 {strides = array<i32>} : memref<80x128xf32, #tpu.memory_space<vmem>>, vector<16xf32>,
        %parallel_loop3A_355 = arith.mulf %parallel_loop3A_291, %parallel_loop3A_342 : vector<16xf32>
        %parallel_loop3A_356 = arith.index_cast %parallel_loop3A_263 : i32 to index
        %parallel_loop3A_357 = arith.constant 48 : index
        %parallel_loop3A_358 = tpu.vector_load %arg15[%parallel_loop3A_356, %parallel_loop3A_357] {strides = array<i32>} : memref<80x128xf32, #tpu.memory_space<vmem>>, vector<16xf32>,
        tpu.vector_store %arg15[%parallel_loop3A_356, %parallel_loop3A_357], %parallel_loop3A_355 {strides = array<i32>} : memref<80x128xf32, #tpu.memory_space<vmem>>, vector<16xf32>,
        %parallel_loop3A_359 = arith.mulf %parallel_loop3A_298, %parallel_loop3A_342 : vector<16xf32>
        %parallel_loop3A_360 = arith.index_cast %parallel_loop3A_263 : i32 to index
        %parallel_loop3A_361 = arith.constant 64 : index
        %parallel_loop3A_362 = tpu.vector_load %arg15[%parallel_loop3A_360, %parallel_loop3A_361] {strides = array<i32>} : memref<80x128xf32, #tpu.memory_space<vmem>>, vector<16xf32>,
        tpu.vector_store %arg15[%parallel_loop3A_360, %parallel_loop3A_361], %parallel_loop3A_359 {strides = array<i32>} : memref<80x128xf32, #tpu.memory_space<vmem>>, vector<16xf32>,
        %parallel_loop3A_363 = arith.mulf %parallel_loop3A_305, %parallel_loop3A_342 : vector<16xf32>
        %parallel_loop3A_364 = arith.index_cast %parallel_loop3A_263 : i32 to index
        %parallel_loop3A_365 = arith.constant 80 : index
        %parallel_loop3A_366 = tpu.vector_load %arg15[%parallel_loop3A_364, %parallel_loop3A_365] {strides = array<i32>} : memref<80x128xf32, #tpu.memory_space<vmem>>, vector<16xf32>,
        tpu.vector_store %arg15[%parallel_loop3A_364, %parallel_loop3A_365], %parallel_loop3A_363 {strides = array<i32>} : memref<80x128xf32, #tpu.memory_space<vmem>>, vector<16xf32>,
        %parallel_loop3A_367 = arith.mulf %parallel_loop3A_312, %parallel_loop3A_342 : vector<16xf32>
        %parallel_loop3A_368 = arith.index_cast %parallel_loop3A_263 : i32 to index
        %parallel_loop3A_369 = arith.constant 96 : index
        %parallel_loop3A_370 = tpu.vector_load %arg15[%parallel_loop3A_368, %parallel_loop3A_369] {strides = array<i32>} : memref<80x128xf32, #tpu.memory_space<vmem>>, vector<16xf32>,
        tpu.vector_store %arg15[%parallel_loop3A_368, %parallel_loop3A_369], %parallel_loop3A_367 {strides = array<i32>} : memref<80x128xf32, #tpu.memory_space<vmem>>, vector<16xf32>,
        %parallel_loop3A_371 = arith.mulf %parallel_loop3A_319, %parallel_loop3A_342 : vector<16xf32>
        %parallel_loop3A_372 = arith.index_cast %parallel_loop3A_263 : i32 to index
        %parallel_loop3A_373 = arith.constant 112 : index
        %parallel_loop3A_374 = tpu.vector_load %arg15[%parallel_loop3A_372, %parallel_loop3A_373] {strides = array<i32>} : memref<80x128xf32, #tpu.memory_space<vmem>>, vector<16xf32>,
        tpu.vector_store %arg15[%parallel_loop3A_372, %parallel_loop3A_373], %parallel_loop3A_371 {strides = array<i32>} : memref<80x128xf32, #tpu.memory_space<vmem>>, vector<16xf32>,
      } {sc.loop_unroll_factor = 2 : i64, sc.parallel_access}
      %dma_start3A_221 = arith.constant 0 : i32
      %dma_start3A_222 = arith.constant 0 : i32
      %dma_start3A_223 = tpu.memref_slice %arg21[%dma_start3A_221, %dma_start3A_222] : memref<10240x128xf32, #tpu.memory_space<vmem_shared>> -> memref<10240x128xf32, #tpu.memory_space<vmem_shared>>
      tpu.enqueue_indirect_dma source(%arg15 : memref<80x128xf32, #tpu.memory_space<vmem>>) target(%dma_start3A_223 : memref<10240x128xf32, #tpu.memory_space<vmem_shared>>) offsets(%arg12 : memref<80xi32, #tpu.memory_space<vmem>>) semaphore(%arg29 : memref<!tpu.dma_semaphore, #tpu.memory_space<semaphore_mem>>) {add = true}
      %dma_start3A_224 = arith.constant 0 : i32
      %dma_start3A_225 = tpu.memref_slice %arg22[%dma_start3A_224] : memref<10240xf32, #tpu.memory_space<vmem_shared>> -> memref<10240xf32, #tpu.memory_space<vmem_shared>>
      tpu.enqueue_indirect_dma source(%arg19 : memref<80xf32, #tpu.memory_space<vmem>>) target(%dma_start3A_225 : memref<10240xf32, #tpu.memory_space<vmem_shared>>) offsets(%arg12 : memref<80xi32, #tpu.memory_space<vmem>>) semaphore(%arg29 : memref<!tpu.dma_semaphore, #tpu.memory_space<semaphore_mem>>) {add = true}
      %mul3A_226 = arith.constant 4 : i32
      %mul3A_227 = arith.muli %mul3A_226, %scan3A_120 : i32
      %add3A_228 = arith.constant 3 : i32
      %add3A_229 = arith.addi %mul3A_227, %add3A_228 : i32
      %dma_wait3A_230 = arith.constant 0 : i32
      %dma_wait3A_231 = arith.constant 0 : i32
      %dma_wait3A_232 = tpu.memref_slice %arg2[%dma_wait3A_230, %dma_wait3A_231] : memref<10000x128xf32, #tpu.memory_space<hbm>> -> memref<10000x128xf32, #tpu.memory_space<hbm>>
      tpu.wait_indirect_dma semaphore(%arg24 : memref<!tpu.dma_semaphore, #tpu.memory_space<semaphore_mem>>) src(%dma_wait3A_232 : memref<10000x128xf32, #tpu.memory_space<hbm>>) dst(%arg17 : memref<80x128xf32, #tpu.memory_space<vmem>>)
      %dma_wait3A_233 = arith.constant 0 : i32
      %dma_wait3A_234 = arith.constant 0 : i32
      %dma_wait3A_235 = tpu.memref_slice %arg2[%dma_wait3A_233, %dma_wait3A_234] : memref<10000x128xf32, #tpu.memory_space<hbm>> -> memref<10000x128xf32, #tpu.memory_space<hbm>>
      tpu.wait_indirect_dma semaphore(%arg24 : memref<!tpu.dma_semaphore, #tpu.memory_space<semaphore_mem>>) src(%dma_wait3A_235 : memref<10000x128xf32, #tpu.memory_space<hbm>>) dst(%arg18 : memref<80x128xf32, #tpu.memory_space<vmem>>)
      %ge3A_236 = arith.constant 1 : i32
      %ge3A_237 = arith.cmpi sge, %add3A_229, %ge3A_236 : i32
      %convert_element_type3A_238 = arith.extui %ge3A_237 : i1 to i32
      %cond3A_239 = arith.constant 0 : i32
      %cond3A_240 = arith.cmpi ne, %convert_element_type3A_238, %cond3A_239 : i32
      scf.if %cond3A_240 {
        %dma_wait3A_263 = arith.constant 0 : i32
        %dma_wait3A_264 = arith.constant 0 : i32
        %dma_wait3A_265 = tpu.memref_slice %arg21[%dma_wait3A_263, %dma_wait3A_264] : memref<10240x128xf32, #tpu.memory_space<vmem_shared>> -> memref<10240x128xf32, #tpu.memory_space<vmem_shared>>
        tpu.wait_indirect_dma semaphore(%arg29 : memref<!tpu.dma_semaphore, #tpu.memory_space<semaphore_mem>>) src(%arg15 : memref<80x128xf32, #tpu.memory_space<vmem>>) dst(%dma_wait3A_265 : memref<10240x128xf32, #tpu.memory_space<vmem_shared>>)
        %dma_wait3A_266 = arith.constant 0 : i32
        %dma_wait3A_267 = tpu.memref_slice %arg22[%dma_wait3A_266] : memref<10240xf32, #tpu.memory_space<vmem_shared>> -> memref<10240xf32, #tpu.memory_space<vmem_shared>>
        tpu.wait_indirect_dma semaphore(%arg29 : memref<!tpu.dma_semaphore, #tpu.memory_space<semaphore_mem>>) src(%arg19 : memref<80xf32, #tpu.memory_space<vmem>>) dst(%dma_wait3A_267 : memref<10240xf32, #tpu.memory_space<vmem_shared>>)
      } else {
      }
      %add3A_241 = arith.constant 1 : i32
      %add3A_242 = arith.addi %add3A_229, %add3A_241 : i32
      %lt3A_243 = arith.constant 125 : i32
      %lt3A_244 = arith.cmpi slt, %add3A_242, %lt3A_243 : i32
      %convert_element_type3A_245 = arith.extui %lt3A_244 : i1 to i32
      %cond3A_246 = arith.constant 0 : i32
      %cond3A_247 = arith.cmpi ne, %convert_element_type3A_245, %cond3A_246 : i32
      scf.if %cond3A_247 {
        %add3A_263 = arith.constant 1 : i32
        %add3A_264 = arith.addi %add3A_229, %add3A_263 : i32
        %mul3A_265 = arith.constant 80 : i32
        %mul3A_266 = arith.muli %add3A_264, %mul3A_265 : i32
        %add3A_267 = arith.addi %add3A_56, %mul3A_266 : i32
        %dma_wait3A_268 = tpu.memref_slice %arg3[%add3A_267] : memref<320000xi32, #tpu.memory_space<hbm>> -> memref<80xi32, #tpu.memory_space<hbm>>
        %dma_wait3A_269 = tpu.memref_slice %arg3[%add3A_267] : memref<320000xi32, #tpu.memory_space<hbm>> -> memref<80xi32, #tpu.memory_space<hbm>>
        tpu.wait_dma2 semaphore(%arg25 : memref<!tpu.dma_semaphore, #tpu.memory_space<semaphore_mem>>) src(%dma_wait3A_269 : memref<80xi32, #tpu.memory_space<hbm>>) dst(%arg7 : memref<80xi32, #tpu.memory_space<vmem>>)
        %dma_wait3A_270 = tpu.memref_slice %arg4[%add3A_267] : memref<320000xi32, #tpu.memory_space<hbm>> -> memref<80xi32, #tpu.memory_space<hbm>>
        %dma_wait3A_271 = tpu.memref_slice %arg4[%add3A_267] : memref<320000xi32, #tpu.memory_space<hbm>> -> memref<80xi32, #tpu.memory_space<hbm>>
        tpu.wait_dma2 semaphore(%arg25 : memref<!tpu.dma_semaphore, #tpu.memory_space<semaphore_mem>>) src(%dma_wait3A_271 : memref<80xi32, #tpu.memory_space<hbm>>) dst(%arg8 : memref<80xi32, #tpu.memory_space<vmem>>)
        %dma_start3A_272 = arith.constant 0 : i32
        %dma_start3A_273 = arith.constant 0 : i32
        %dma_start3A_274 = tpu.memref_slice %arg2[%dma_start3A_272, %dma_start3A_273] : memref<10000x128xf32, #tpu.memory_space<hbm>> -> memref<10000x128xf32, #tpu.memory_space<hbm>>
        tpu.enqueue_indirect_dma source(%dma_start3A_274 : memref<10000x128xf32, #tpu.memory_space<hbm>>) target(%arg15 : memref<80x128xf32, #tpu.memory_space<vmem>>) offsets(%arg7 : memref<80xi32, #tpu.memory_space<vmem>>) semaphore(%arg23 : memref<!tpu.dma_semaphore, #tpu.memory_space<semaphore_mem>>)
        %dma_start3A_275 = arith.constant 0 : i32
        %dma_start3A_276 = arith.constant 0 : i32
        %dma_start3A_277 = tpu.memref_slice %arg2[%dma_start3A_275, %dma_start3A_276] : memref<10000x128xf32, #tpu.memory_space<hbm>> -> memref<10000x128xf32, #tpu.memory_space<hbm>>
        tpu.enqueue_indirect_dma source(%dma_start3A_277 : memref<10000x128xf32, #tpu.memory_space<hbm>>) target(%arg16 : memref<80x128xf32, #tpu.memory_space<vmem>>) offsets(%arg8 : memref<80xi32, #tpu.memory_space<vmem>>) semaphore(%arg23 : memref<!tpu.dma_semaphore, #tpu.memory_space<semaphore_mem>>)
      } else {
      }
      %add3A_248 = arith.constant 2 : i32
      %add3A_249 = arith.addi %add3A_229, %add3A_248 : i32
      %lt3A_250 = arith.constant 125 : i32
      %lt3A_251 = arith.cmpi slt, %add3A_249, %lt3A_250 : i32
      %convert_element_type3A_252 = arith.extui %lt3A_251 : i1 to i32
      %cond3A_253 = arith.constant 0 : i32
      %cond3A_254 = arith.cmpi ne, %convert_element_type3A_252, %cond3A_253 : i32
      scf.if %cond3A_254 {
        %add3A_263 = arith.constant 2 : i32
        %add3A_264 = arith.addi %add3A_229, %add3A_263 : i32
        %mul3A_265 = arith.constant 80 : i32
        %mul3A_266 = arith.muli %add3A_264, %mul3A_265 : i32
        %add3A_267 = arith.addi %add3A_56, %mul3A_266 : i32
        %dma_start3A_268 = tpu.memref_slice %arg3[%add3A_267] : memref<320000xi32, #tpu.memory_space<hbm>> -> memref<80xi32, #tpu.memory_space<hbm>>
        %dma_start3A_269 = tpu.memref_slice %arg3[%add3A_267] : memref<320000xi32, #tpu.memory_space<hbm>> -> memref<80xi32, #tpu.memory_space<hbm>>
        tpu.enqueue_dma source(%dma_start3A_269 : memref<80xi32, #tpu.memory_space<hbm>>) target(%arg9 : memref<80xi32, #tpu.memory_space<vmem>>) target_semaphore(%arg26 : memref<!tpu.dma_semaphore, #tpu.memory_space<semaphore_mem>>)
        %dma_start3A_270 = tpu.memref_slice %arg4[%add3A_267] : memref<320000xi32, #tpu.memory_space<hbm>> -> memref<80xi32, #tpu.memory_space<hbm>>
        %dma_start3A_271 = tpu.memref_slice %arg4[%add3A_267] : memref<320000xi32, #tpu.memory_space<hbm>> -> memref<80xi32, #tpu.memory_space<hbm>>
        tpu.enqueue_dma source(%dma_start3A_271 : memref<80xi32, #tpu.memory_space<hbm>>) target(%arg10 : memref<80xi32, #tpu.memory_space<vmem>>) target_semaphore(%arg26 : memref<!tpu.dma_semaphore, #tpu.memory_space<semaphore_mem>>)
      } else {
      }
      %parallel_loop3A_255 = arith.constant 0 : i32
      %parallel_loop3A_256 = arith.constant 80 : i32
      %parallel_loop3A_257 = arith.constant 1 : i32
      scf.for %parallel_loop3A_263 = %parallel_loop3A_255 to %parallel_loop3A_256 step %parallel_loop3A_257  : i32 {
        %parallel_loop3A_264 = arith.index_cast %parallel_loop3A_263 : i32 to index
        %parallel_loop3A_265 = arith.constant 0 : index
        %parallel_loop3A_266 = tpu.vector_load %arg17[%parallel_loop3A_264, %parallel_loop3A_265] {strides = array<i32>} : memref<80x128xf32, #tpu.memory_space<vmem>>, vector<16xf32>,
        %parallel_loop3A_267 = arith.index_cast %parallel_loop3A_263 : i32 to index
        %parallel_loop3A_268 = arith.constant 0 : index
        %parallel_loop3A_269 = tpu.vector_load %arg18[%parallel_loop3A_267, %parallel_loop3A_268] {strides = array<i32>} : memref<80x128xf32, #tpu.memory_space<vmem>>, vector<16xf32>,
        %parallel_loop3A_270 = arith.subf %parallel_loop3A_266, %parallel_loop3A_269 : vector<16xf32>
        %parallel_loop3A_271 = arith.index_cast %parallel_loop3A_263 : i32 to index
        %parallel_loop3A_272 = arith.constant 16 : index
        %parallel_loop3A_273 = tpu.vector_load %arg17[%parallel_loop3A_271, %parallel_loop3A_272] {strides = array<i32>} : memref<80x128xf32, #tpu.memory_space<vmem>>, vector<16xf32>,
        %parallel_loop3A_274 = arith.index_cast %parallel_loop3A_263 : i32 to index
        %parallel_loop3A_275 = arith.constant 16 : index
        %parallel_loop3A_276 = tpu.vector_load %arg18[%parallel_loop3A_274, %parallel_loop3A_275] {strides = array<i32>} : memref<80x128xf32, #tpu.memory_space<vmem>>, vector<16xf32>,
        %parallel_loop3A_277 = arith.subf %parallel_loop3A_273, %parallel_loop3A_276 : vector<16xf32>
        %parallel_loop3A_278 = arith.index_cast %parallel_loop3A_263 : i32 to index
        %parallel_loop3A_279 = arith.constant 32 : index
        %parallel_loop3A_280 = tpu.vector_load %arg17[%parallel_loop3A_278, %parallel_loop3A_279] {strides = array<i32>} : memref<80x128xf32, #tpu.memory_space<vmem>>, vector<16xf32>,
        %parallel_loop3A_281 = arith.index_cast %parallel_loop3A_263 : i32 to index
        %parallel_loop3A_282 = arith.constant 32 : index
        %parallel_loop3A_283 = tpu.vector_load %arg18[%parallel_loop3A_281, %parallel_loop3A_282] {strides = array<i32>} : memref<80x128xf32, #tpu.memory_space<vmem>>, vector<16xf32>,
        %parallel_loop3A_284 = arith.subf %parallel_loop3A_280, %parallel_loop3A_283 : vector<16xf32>
        %parallel_loop3A_285 = arith.index_cast %parallel_loop3A_263 : i32 to index
        %parallel_loop3A_286 = arith.constant 48 : index
        %parallel_loop3A_287 = tpu.vector_load %arg17[%parallel_loop3A_285, %parallel_loop3A_286] {strides = array<i32>} : memref<80x128xf32, #tpu.memory_space<vmem>>, vector<16xf32>,
        %parallel_loop3A_288 = arith.index_cast %parallel_loop3A_263 : i32 to index
        %parallel_loop3A_289 = arith.constant 48 : index
        %parallel_loop3A_290 = tpu.vector_load %arg18[%parallel_loop3A_288, %parallel_loop3A_289] {strides = array<i32>} : memref<80x128xf32, #tpu.memory_space<vmem>>, vector<16xf32>,
        %parallel_loop3A_291 = arith.subf %parallel_loop3A_287, %parallel_loop3A_290 : vector<16xf32>
        %parallel_loop3A_292 = arith.index_cast %parallel_loop3A_263 : i32 to index
        %parallel_loop3A_293 = arith.constant 64 : index
        %parallel_loop3A_294 = tpu.vector_load %arg17[%parallel_loop3A_292, %parallel_loop3A_293] {strides = array<i32>} : memref<80x128xf32, #tpu.memory_space<vmem>>, vector<16xf32>,
        %parallel_loop3A_295 = arith.index_cast %parallel_loop3A_263 : i32 to index
        %parallel_loop3A_296 = arith.constant 64 : index
        %parallel_loop3A_297 = tpu.vector_load %arg18[%parallel_loop3A_295, %parallel_loop3A_296] {strides = array<i32>} : memref<80x128xf32, #tpu.memory_space<vmem>>, vector<16xf32>,
        %parallel_loop3A_298 = arith.subf %parallel_loop3A_294, %parallel_loop3A_297 : vector<16xf32>
        %parallel_loop3A_299 = arith.index_cast %parallel_loop3A_263 : i32 to index
        %parallel_loop3A_300 = arith.constant 80 : index
        %parallel_loop3A_301 = tpu.vector_load %arg17[%parallel_loop3A_299, %parallel_loop3A_300] {strides = array<i32>} : memref<80x128xf32, #tpu.memory_space<vmem>>, vector<16xf32>,
        %parallel_loop3A_302 = arith.index_cast %parallel_loop3A_263 : i32 to index
        %parallel_loop3A_303 = arith.constant 80 : index
        %parallel_loop3A_304 = tpu.vector_load %arg18[%parallel_loop3A_302, %parallel_loop3A_303] {strides = array<i32>} : memref<80x128xf32, #tpu.memory_space<vmem>>, vector<16xf32>,
        %parallel_loop3A_305 = arith.subf %parallel_loop3A_301, %parallel_loop3A_304 : vector<16xf32>
        %parallel_loop3A_306 = arith.index_cast %parallel_loop3A_263 : i32 to index
        %parallel_loop3A_307 = arith.constant 96 : index
        %parallel_loop3A_308 = tpu.vector_load %arg17[%parallel_loop3A_306, %parallel_loop3A_307] {strides = array<i32>} : memref<80x128xf32, #tpu.memory_space<vmem>>, vector<16xf32>,
        %parallel_loop3A_309 = arith.index_cast %parallel_loop3A_263 : i32 to index
        %parallel_loop3A_310 = arith.constant 96 : index
        %parallel_loop3A_311 = tpu.vector_load %arg18[%parallel_loop3A_309, %parallel_loop3A_310] {strides = array<i32>} : memref<80x128xf32, #tpu.memory_space<vmem>>, vector<16xf32>,
        %parallel_loop3A_312 = arith.subf %parallel_loop3A_308, %parallel_loop3A_311 : vector<16xf32>
        %parallel_loop3A_313 = arith.index_cast %parallel_loop3A_263 : i32 to index
        %parallel_loop3A_314 = arith.constant 112 : index
        %parallel_loop3A_315 = tpu.vector_load %arg17[%parallel_loop3A_313, %parallel_loop3A_314] {strides = array<i32>} : memref<80x128xf32, #tpu.memory_space<vmem>>, vector<16xf32>,
        %parallel_loop3A_316 = arith.index_cast %parallel_loop3A_263 : i32 to index
        %parallel_loop3A_317 = arith.constant 112 : index
        %parallel_loop3A_318 = tpu.vector_load %arg18[%parallel_loop3A_316, %parallel_loop3A_317] {strides = array<i32>} : memref<80x128xf32, #tpu.memory_space<vmem>>, vector<16xf32>,
        %parallel_loop3A_319 = arith.subf %parallel_loop3A_315, %parallel_loop3A_318 : vector<16xf32>
        %parallel_loop3A_320 = arith.mulf %parallel_loop3A_270, %parallel_loop3A_270 : vector<16xf32>
        %parallel_loop3A_321 = arith.mulf %parallel_loop3A_277, %parallel_loop3A_277 : vector<16xf32>
        %parallel_loop3A_322 = arith.addf %parallel_loop3A_320, %parallel_loop3A_321 : vector<16xf32>
        %parallel_loop3A_323 = arith.mulf %parallel_loop3A_284, %parallel_loop3A_284 : vector<16xf32>
        %parallel_loop3A_324 = arith.addf %parallel_loop3A_322, %parallel_loop3A_323 : vector<16xf32>
        %parallel_loop3A_325 = arith.mulf %parallel_loop3A_291, %parallel_loop3A_291 : vector<16xf32>
        %parallel_loop3A_326 = arith.addf %parallel_loop3A_324, %parallel_loop3A_325 : vector<16xf32>
        %parallel_loop3A_327 = arith.mulf %parallel_loop3A_298, %parallel_loop3A_298 : vector<16xf32>
        %parallel_loop3A_328 = arith.addf %parallel_loop3A_326, %parallel_loop3A_327 : vector<16xf32>
        %parallel_loop3A_329 = arith.mulf %parallel_loop3A_305, %parallel_loop3A_305 : vector<16xf32>
        %parallel_loop3A_330 = arith.addf %parallel_loop3A_328, %parallel_loop3A_329 : vector<16xf32>
        %parallel_loop3A_331 = arith.mulf %parallel_loop3A_312, %parallel_loop3A_312 : vector<16xf32>
        %parallel_loop3A_332 = arith.addf %parallel_loop3A_330, %parallel_loop3A_331 : vector<16xf32>
        %parallel_loop3A_333 = arith.mulf %parallel_loop3A_319, %parallel_loop3A_319 : vector<16xf32>
        %parallel_loop3A_334 = arith.addf %parallel_loop3A_332, %parallel_loop3A_333 : vector<16xf32>
        %parallel_loop3A_335 = arith.constant true
        %parallel_loop3A_336 = vector.broadcast %parallel_loop3A_335 : i1 to vector<16xi1>
        %parallel_loop3A_337 = tpu.scan <sum>, %parallel_loop3A_334 masked %parallel_loop3A_336 : vector<16xf32>, vector<16xi1> -> vector<16xf32>
        %parallel_loop3A_338 = vector.extract %parallel_loop3A_337[15] : f32 from vector<16xf32>
        %parallel_loop3A_339 = arith.constant -1.000000e+00 : f32
        %parallel_loop3A_340 = vector.broadcast %parallel_loop3A_339 : f32 to vector<16xf32>
        %parallel_loop3A_341 = vector.broadcast %parallel_loop3A_338 : f32 to vector<16xf32>
        %parallel_loop3A_342 = arith.divf %parallel_loop3A_340, %parallel_loop3A_341 : vector<16xf32>
        %parallel_loop3A_343 = arith.mulf %parallel_loop3A_270, %parallel_loop3A_342 : vector<16xf32>
        %parallel_loop3A_344 = arith.index_cast %parallel_loop3A_263 : i32 to index
        %parallel_loop3A_345 = arith.constant 0 : index
        %parallel_loop3A_346 = tpu.vector_load %arg17[%parallel_loop3A_344, %parallel_loop3A_345] {strides = array<i32>} : memref<80x128xf32, #tpu.memory_space<vmem>>, vector<16xf32>,
        tpu.vector_store %arg17[%parallel_loop3A_344, %parallel_loop3A_345], %parallel_loop3A_343 {strides = array<i32>} : memref<80x128xf32, #tpu.memory_space<vmem>>, vector<16xf32>,
        %parallel_loop3A_347 = arith.mulf %parallel_loop3A_277, %parallel_loop3A_342 : vector<16xf32>
        %parallel_loop3A_348 = arith.index_cast %parallel_loop3A_263 : i32 to index
        %parallel_loop3A_349 = arith.constant 16 : index
        %parallel_loop3A_350 = tpu.vector_load %arg17[%parallel_loop3A_348, %parallel_loop3A_349] {strides = array<i32>} : memref<80x128xf32, #tpu.memory_space<vmem>>, vector<16xf32>,
        tpu.vector_store %arg17[%parallel_loop3A_348, %parallel_loop3A_349], %parallel_loop3A_347 {strides = array<i32>} : memref<80x128xf32, #tpu.memory_space<vmem>>, vector<16xf32>,
        %parallel_loop3A_351 = arith.mulf %parallel_loop3A_284, %parallel_loop3A_342 : vector<16xf32>
        %parallel_loop3A_352 = arith.index_cast %parallel_loop3A_263 : i32 to index
        %parallel_loop3A_353 = arith.constant 32 : index
        %parallel_loop3A_354 = tpu.vector_load %arg17[%parallel_loop3A_352, %parallel_loop3A_353] {strides = array<i32>} : memref<80x128xf32, #tpu.memory_space<vmem>>, vector<16xf32>,
        tpu.vector_store %arg17[%parallel_loop3A_352, %parallel_loop3A_353], %parallel_loop3A_351 {strides = array<i32>} : memref<80x128xf32, #tpu.memory_space<vmem>>, vector<16xf32>,
        %parallel_loop3A_355 = arith.mulf %parallel_loop3A_291, %parallel_loop3A_342 : vector<16xf32>
        %parallel_loop3A_356 = arith.index_cast %parallel_loop3A_263 : i32 to index
        %parallel_loop3A_357 = arith.constant 48 : index
        %parallel_loop3A_358 = tpu.vector_load %arg17[%parallel_loop3A_356, %parallel_loop3A_357] {strides = array<i32>} : memref<80x128xf32, #tpu.memory_space<vmem>>, vector<16xf32>,
        tpu.vector_store %arg17[%parallel_loop3A_356, %parallel_loop3A_357], %parallel_loop3A_355 {strides = array<i32>} : memref<80x128xf32, #tpu.memory_space<vmem>>, vector<16xf32>,
        %parallel_loop3A_359 = arith.mulf %parallel_loop3A_298, %parallel_loop3A_342 : vector<16xf32>
        %parallel_loop3A_360 = arith.index_cast %parallel_loop3A_263 : i32 to index
        %parallel_loop3A_361 = arith.constant 64 : index
        %parallel_loop3A_362 = tpu.vector_load %arg17[%parallel_loop3A_360, %parallel_loop3A_361] {strides = array<i32>} : memref<80x128xf32, #tpu.memory_space<vmem>>, vector<16xf32>,
        tpu.vector_store %arg17[%parallel_loop3A_360, %parallel_loop3A_361], %parallel_loop3A_359 {strides = array<i32>} : memref<80x128xf32, #tpu.memory_space<vmem>>, vector<16xf32>,
        %parallel_loop3A_363 = arith.mulf %parallel_loop3A_305, %parallel_loop3A_342 : vector<16xf32>
        %parallel_loop3A_364 = arith.index_cast %parallel_loop3A_263 : i32 to index
        %parallel_loop3A_365 = arith.constant 80 : index
        %parallel_loop3A_366 = tpu.vector_load %arg17[%parallel_loop3A_364, %parallel_loop3A_365] {strides = array<i32>} : memref<80x128xf32, #tpu.memory_space<vmem>>, vector<16xf32>,
        tpu.vector_store %arg17[%parallel_loop3A_364, %parallel_loop3A_365], %parallel_loop3A_363 {strides = array<i32>} : memref<80x128xf32, #tpu.memory_space<vmem>>, vector<16xf32>,
        %parallel_loop3A_367 = arith.mulf %parallel_loop3A_312, %parallel_loop3A_342 : vector<16xf32>
        %parallel_loop3A_368 = arith.index_cast %parallel_loop3A_263 : i32 to index
        %parallel_loop3A_369 = arith.constant 96 : index
        %parallel_loop3A_370 = tpu.vector_load %arg17[%parallel_loop3A_368, %parallel_loop3A_369] {strides = array<i32>} : memref<80x128xf32, #tpu.memory_space<vmem>>, vector<16xf32>,
        tpu.vector_store %arg17[%parallel_loop3A_368, %parallel_loop3A_369], %parallel_loop3A_367 {strides = array<i32>} : memref<80x128xf32, #tpu.memory_space<vmem>>, vector<16xf32>,
        %parallel_loop3A_371 = arith.mulf %parallel_loop3A_319, %parallel_loop3A_342 : vector<16xf32>
        %parallel_loop3A_372 = arith.index_cast %parallel_loop3A_263 : i32 to index
        %parallel_loop3A_373 = arith.constant 112 : index
        %parallel_loop3A_374 = tpu.vector_load %arg17[%parallel_loop3A_372, %parallel_loop3A_373] {strides = array<i32>} : memref<80x128xf32, #tpu.memory_space<vmem>>, vector<16xf32>,
        tpu.vector_store %arg17[%parallel_loop3A_372, %parallel_loop3A_373], %parallel_loop3A_371 {strides = array<i32>} : memref<80x128xf32, #tpu.memory_space<vmem>>, vector<16xf32>,
      } {sc.loop_unroll_factor = 2 : i64, sc.parallel_access}
      %dma_start3A_258 = arith.constant 0 : i32
      %dma_start3A_259 = arith.constant 0 : i32
      %dma_start3A_260 = tpu.memref_slice %arg21[%dma_start3A_258, %dma_start3A_259] : memref<10240x128xf32, #tpu.memory_space<vmem_shared>> -> memref<10240x128xf32, #tpu.memory_space<vmem_shared>>
      tpu.enqueue_indirect_dma source(%arg17 : memref<80x128xf32, #tpu.memory_space<vmem>>) target(%dma_start3A_260 : memref<10240x128xf32, #tpu.memory_space<vmem_shared>>) offsets(%arg14 : memref<80xi32, #tpu.memory_space<vmem>>) semaphore(%arg30 : memref<!tpu.dma_semaphore, #tpu.memory_space<semaphore_mem>>) {add = true}
      %dma_start3A_261 = arith.constant 0 : i32
      %dma_start3A_262 = tpu.memref_slice %arg22[%dma_start3A_261] : memref<10240xf32, #tpu.memory_space<vmem_shared>> -> memref<10240xf32, #tpu.memory_space<vmem_shared>>
      tpu.enqueue_indirect_dma source(%arg19 : memref<80xf32, #tpu.memory_space<vmem>>) target(%dma_start3A_262 : memref<10240xf32, #tpu.memory_space<vmem_shared>>) offsets(%arg14 : memref<80xi32, #tpu.memory_space<vmem>>) semaphore(%arg30 : memref<!tpu.dma_semaphore, #tpu.memory_space<semaphore_mem>>) {add = true}
    }
    %scan3A_84 = arith.constant 31 : i32
    %dma_wait3A_85 = arith.constant 0 : i32
    %dma_wait3A_86 = arith.constant 0 : i32
    %dma_wait3A_87 = tpu.memref_slice %arg2[%dma_wait3A_85, %dma_wait3A_86] : memref<10000x128xf32, #tpu.memory_space<hbm>> -> memref<10000x128xf32, #tpu.memory_space<hbm>>
    tpu.wait_indirect_dma semaphore(%arg23 : memref<!tpu.dma_semaphore, #tpu.memory_space<semaphore_mem>>) src(%dma_wait3A_87 : memref<10000x128xf32, #tpu.memory_space<hbm>>) dst(%arg15 : memref<80x128xf32, #tpu.memory_space<vmem>>)
    %dma_wait3A_88 = arith.constant 0 : i32
    %dma_wait3A_89 = arith.constant 0 : i32
    %dma_wait3A_90 = tpu.memref_slice %arg2[%dma_wait3A_88, %dma_wait3A_89] : memref<10000x128xf32, #tpu.memory_space<hbm>> -> memref<10000x128xf32, #tpu.memory_space<hbm>>
    tpu.wait_indirect_dma semaphore(%arg23 : memref<!tpu.dma_semaphore, #tpu.memory_space<semaphore_mem>>) src(%dma_wait3A_90 : memref<10000x128xf32, #tpu.memory_space<hbm>>) dst(%arg16 : memref<80x128xf32, #tpu.memory_space<vmem>>)
    %dma_wait3A_91 = arith.constant 0 : i32
    %dma_wait3A_92 = arith.constant 0 : i32
    %dma_wait3A_93 = tpu.memref_slice %arg21[%dma_wait3A_91, %dma_wait3A_92] : memref<10240x128xf32, #tpu.memory_space<vmem_shared>> -> memref<10240x128xf32, #tpu.memory_space<vmem_shared>>
    tpu.wait_indirect_dma semaphore(%arg30 : memref<!tpu.dma_semaphore, #tpu.memory_space<semaphore_mem>>) src(%arg17 : memref<80x128xf32, #tpu.memory_space<vmem>>) dst(%dma_wait3A_93 : memref<10240x128xf32, #tpu.memory_space<vmem_shared>>)
    %dma_wait3A_94 = arith.constant 0 : i32
    %dma_wait3A_95 = tpu.memref_slice %arg22[%dma_wait3A_94] : memref<10240xf32, #tpu.memory_space<vmem_shared>> -> memref<10240xf32, #tpu.memory_space<vmem_shared>>
    tpu.wait_indirect_dma semaphore(%arg30 : memref<!tpu.dma_semaphore, #tpu.memory_space<semaphore_mem>>) src(%arg19 : memref<80xf32, #tpu.memory_space<vmem>>) dst(%dma_wait3A_95 : memref<10240xf32, #tpu.memory_space<vmem_shared>>)
    %parallel_loop3A = arith.constant 0 : i32
    %parallel_loop3A_96 = arith.constant 80 : i32
    %parallel_loop3A_97 = arith.constant 1 : i32
    scf.for %parallel_loop3A_120 = %parallel_loop3A to %parallel_loop3A_96 step %parallel_loop3A_97  : i32 {
      %parallel_loop3A_121 = arith.index_cast %parallel_loop3A_120 : i32 to index
      %parallel_loop3A_122 = arith.constant 0 : index
      %parallel_loop3A_123 = tpu.vector_load %arg15[%parallel_loop3A_121, %parallel_loop3A_122] {strides = array<i32>} : memref<80x128xf32, #tpu.memory_space<vmem>>, vector<16xf32>,
      %parallel_loop3A_124 = arith.index_cast %parallel_loop3A_120 : i32 to index
      %parallel_loop3A_125 = arith.constant 0 : index
      %parallel_loop3A_126 = tpu.vector_load %arg16[%parallel_loop3A_124, %parallel_loop3A_125] {strides = array<i32>} : memref<80x128xf32, #tpu.memory_space<vmem>>, vector<16xf32>,
      %parallel_loop3A_127 = arith.subf %parallel_loop3A_123, %parallel_loop3A_126 : vector<16xf32>
      %parallel_loop3A_128 = arith.index_cast %parallel_loop3A_120 : i32 to index
      %parallel_loop3A_129 = arith.constant 16 : index
      %parallel_loop3A_130 = tpu.vector_load %arg15[%parallel_loop3A_128, %parallel_loop3A_129] {strides = array<i32>} : memref<80x128xf32, #tpu.memory_space<vmem>>, vector<16xf32>,
      %parallel_loop3A_131 = arith.index_cast %parallel_loop3A_120 : i32 to index
      %parallel_loop3A_132 = arith.constant 16 : index
      %parallel_loop3A_133 = tpu.vector_load %arg16[%parallel_loop3A_131, %parallel_loop3A_132] {strides = array<i32>} : memref<80x128xf32, #tpu.memory_space<vmem>>, vector<16xf32>,
      %parallel_loop3A_134 = arith.subf %parallel_loop3A_130, %parallel_loop3A_133 : vector<16xf32>
      %parallel_loop3A_135 = arith.index_cast %parallel_loop3A_120 : i32 to index
      %parallel_loop3A_136 = arith.constant 32 : index
      %parallel_loop3A_137 = tpu.vector_load %arg15[%parallel_loop3A_135, %parallel_loop3A_136] {strides = array<i32>} : memref<80x128xf32, #tpu.memory_space<vmem>>, vector<16xf32>,
      %parallel_loop3A_138 = arith.index_cast %parallel_loop3A_120 : i32 to index
      %parallel_loop3A_139 = arith.constant 32 : index
      %parallel_loop3A_140 = tpu.vector_load %arg16[%parallel_loop3A_138, %parallel_loop3A_139] {strides = array<i32>} : memref<80x128xf32, #tpu.memory_space<vmem>>, vector<16xf32>,
      %parallel_loop3A_141 = arith.subf %parallel_loop3A_137, %parallel_loop3A_140 : vector<16xf32>
      %parallel_loop3A_142 = arith.index_cast %parallel_loop3A_120 : i32 to index
      %parallel_loop3A_143 = arith.constant 48 : index
      %parallel_loop3A_144 = tpu.vector_load %arg15[%parallel_loop3A_142, %parallel_loop3A_143] {strides = array<i32>} : memref<80x128xf32, #tpu.memory_space<vmem>>, vector<16xf32>,
      %parallel_loop3A_145 = arith.index_cast %parallel_loop3A_120 : i32 to index
      %parallel_loop3A_146 = arith.constant 48 : index
      %parallel_loop3A_147 = tpu.vector_load %arg16[%parallel_loop3A_145, %parallel_loop3A_146] {strides = array<i32>} : memref<80x128xf32, #tpu.memory_space<vmem>>, vector<16xf32>,
      %parallel_loop3A_148 = arith.subf %parallel_loop3A_144, %parallel_loop3A_147 : vector<16xf32>
      %parallel_loop3A_149 = arith.index_cast %parallel_loop3A_120 : i32 to index
      %parallel_loop3A_150 = arith.constant 64 : index
      %parallel_loop3A_151 = tpu.vector_load %arg15[%parallel_loop3A_149, %parallel_loop3A_150] {strides = array<i32>} : memref<80x128xf32, #tpu.memory_space<vmem>>, vector<16xf32>,
      %parallel_loop3A_152 = arith.index_cast %parallel_loop3A_120 : i32 to index
      %parallel_loop3A_153 = arith.constant 64 : index
      %parallel_loop3A_154 = tpu.vector_load %arg16[%parallel_loop3A_152, %parallel_loop3A_153] {strides = array<i32>} : memref<80x128xf32, #tpu.memory_space<vmem>>, vector<16xf32>,
      %parallel_loop3A_155 = arith.subf %parallel_loop3A_151, %parallel_loop3A_154 : vector<16xf32>
      %parallel_loop3A_156 = arith.index_cast %parallel_loop3A_120 : i32 to index
      %parallel_loop3A_157 = arith.constant 80 : index
      %parallel_loop3A_158 = tpu.vector_load %arg15[%parallel_loop3A_156, %parallel_loop3A_157] {strides = array<i32>} : memref<80x128xf32, #tpu.memory_space<vmem>>, vector<16xf32>,
      %parallel_loop3A_159 = arith.index_cast %parallel_loop3A_120 : i32 to index
      %parallel_loop3A_160 = arith.constant 80 : index
      %parallel_loop3A_161 = tpu.vector_load %arg16[%parallel_loop3A_159, %parallel_loop3A_160] {strides = array<i32>} : memref<80x128xf32, #tpu.memory_space<vmem>>, vector<16xf32>,
      %parallel_loop3A_162 = arith.subf %parallel_loop3A_158, %parallel_loop3A_161 : vector<16xf32>
      %parallel_loop3A_163 = arith.index_cast %parallel_loop3A_120 : i32 to index
      %parallel_loop3A_164 = arith.constant 96 : index
      %parallel_loop3A_165 = tpu.vector_load %arg15[%parallel_loop3A_163, %parallel_loop3A_164] {strides = array<i32>} : memref<80x128xf32, #tpu.memory_space<vmem>>, vector<16xf32>,
      %parallel_loop3A_166 = arith.index_cast %parallel_loop3A_120 : i32 to index
      %parallel_loop3A_167 = arith.constant 96 : index
      %parallel_loop3A_168 = tpu.vector_load %arg16[%parallel_loop3A_166, %parallel_loop3A_167] {strides = array<i32>} : memref<80x128xf32, #tpu.memory_space<vmem>>, vector<16xf32>,
      %parallel_loop3A_169 = arith.subf %parallel_loop3A_165, %parallel_loop3A_168 : vector<16xf32>
      %parallel_loop3A_170 = arith.index_cast %parallel_loop3A_120 : i32 to index
      %parallel_loop3A_171 = arith.constant 112 : index
      %parallel_loop3A_172 = tpu.vector_load %arg15[%parallel_loop3A_170, %parallel_loop3A_171] {strides = array<i32>} : memref<80x128xf32, #tpu.memory_space<vmem>>, vector<16xf32>,
      %parallel_loop3A_173 = arith.index_cast %parallel_loop3A_120 : i32 to index
      %parallel_loop3A_174 = arith.constant 112 : index
      %parallel_loop3A_175 = tpu.vector_load %arg16[%parallel_loop3A_173, %parallel_loop3A_174] {strides = array<i32>} : memref<80x128xf32, #tpu.memory_space<vmem>>, vector<16xf32>,
      %parallel_loop3A_176 = arith.subf %parallel_loop3A_172, %parallel_loop3A_175 : vector<16xf32>
      %parallel_loop3A_177 = arith.mulf %parallel_loop3A_127, %parallel_loop3A_127 : vector<16xf32>
      %parallel_loop3A_178 = arith.mulf %parallel_loop3A_134, %parallel_loop3A_134 : vector<16xf32>
      %parallel_loop3A_179 = arith.addf %parallel_loop3A_177, %parallel_loop3A_178 : vector<16xf32>
      %parallel_loop3A_180 = arith.mulf %parallel_loop3A_141, %parallel_loop3A_141 : vector<16xf32>
      %parallel_loop3A_181 = arith.addf %parallel_loop3A_179, %parallel_loop3A_180 : vector<16xf32>
      %parallel_loop3A_182 = arith.mulf %parallel_loop3A_148, %parallel_loop3A_148 : vector<16xf32>
      %parallel_loop3A_183 = arith.addf %parallel_loop3A_181, %parallel_loop3A_182 : vector<16xf32>
      %parallel_loop3A_184 = arith.mulf %parallel_loop3A_155, %parallel_loop3A_155 : vector<16xf32>
      %parallel_loop3A_185 = arith.addf %parallel_loop3A_183, %parallel_loop3A_184 : vector<16xf32>
      %parallel_loop3A_186 = arith.mulf %parallel_loop3A_162, %parallel_loop3A_162 : vector<16xf32>
      %parallel_loop3A_187 = arith.addf %parallel_loop3A_185, %parallel_loop3A_186 : vector<16xf32>
      %parallel_loop3A_188 = arith.mulf %parallel_loop3A_169, %parallel_loop3A_169 : vector<16xf32>
      %parallel_loop3A_189 = arith.addf %parallel_loop3A_187, %parallel_loop3A_188 : vector<16xf32>
      %parallel_loop3A_190 = arith.mulf %parallel_loop3A_176, %parallel_loop3A_176 : vector<16xf32>
      %parallel_loop3A_191 = arith.addf %parallel_loop3A_189, %parallel_loop3A_190 : vector<16xf32>
      %parallel_loop3A_192 = arith.constant true
      %parallel_loop3A_193 = vector.broadcast %parallel_loop3A_192 : i1 to vector<16xi1>
      %parallel_loop3A_194 = tpu.scan <sum>, %parallel_loop3A_191 masked %parallel_loop3A_193 : vector<16xf32>, vector<16xi1> -> vector<16xf32>
      %parallel_loop3A_195 = vector.extract %parallel_loop3A_194[15] : f32 from vector<16xf32>
      %parallel_loop3A_196 = arith.constant -1.000000e+00 : f32
      %parallel_loop3A_197 = vector.broadcast %parallel_loop3A_196 : f32 to vector<16xf32>
      %parallel_loop3A_198 = vector.broadcast %parallel_loop3A_195 : f32 to vector<16xf32>
      %parallel_loop3A_199 = arith.divf %parallel_loop3A_197, %parallel_loop3A_198 : vector<16xf32>
      %parallel_loop3A_200 = arith.mulf %parallel_loop3A_127, %parallel_loop3A_199 : vector<16xf32>
      %parallel_loop3A_201 = arith.index_cast %parallel_loop3A_120 : i32 to index
      %parallel_loop3A_202 = arith.constant 0 : index
      %parallel_loop3A_203 = tpu.vector_load %arg15[%parallel_loop3A_201, %parallel_loop3A_202] {strides = array<i32>} : memref<80x128xf32, #tpu.memory_space<vmem>>, vector<16xf32>,
      tpu.vector_store %arg15[%parallel_loop3A_201, %parallel_loop3A_202], %parallel_loop3A_200 {strides = array<i32>} : memref<80x128xf32, #tpu.memory_space<vmem>>, vector<16xf32>,
      %parallel_loop3A_204 = arith.mulf %parallel_loop3A_134, %parallel_loop3A_199 : vector<16xf32>
      %parallel_loop3A_205 = arith.index_cast %parallel_loop3A_120 : i32 to index
      %parallel_loop3A_206 = arith.constant 16 : index
      %parallel_loop3A_207 = tpu.vector_load %arg15[%parallel_loop3A_205, %parallel_loop3A_206] {strides = array<i32>} : memref<80x128xf32, #tpu.memory_space<vmem>>, vector<16xf32>,
      tpu.vector_store %arg15[%parallel_loop3A_205, %parallel_loop3A_206], %parallel_loop3A_204 {strides = array<i32>} : memref<80x128xf32, #tpu.memory_space<vmem>>, vector<16xf32>,
      %parallel_loop3A_208 = arith.mulf %parallel_loop3A_141, %parallel_loop3A_199 : vector<16xf32>
      %parallel_loop3A_209 = arith.index_cast %parallel_loop3A_120 : i32 to index
      %parallel_loop3A_210 = arith.constant 32 : index
      %parallel_loop3A_211 = tpu.vector_load %arg15[%parallel_loop3A_209, %parallel_loop3A_210] {strides = array<i32>} : memref<80x128xf32, #tpu.memory_space<vmem>>, vector<16xf32>,
      tpu.vector_store %arg15[%parallel_loop3A_209, %parallel_loop3A_210], %parallel_loop3A_208 {strides = array<i32>} : memref<80x128xf32, #tpu.memory_space<vmem>>, vector<16xf32>,
      %parallel_loop3A_212 = arith.mulf %parallel_loop3A_148, %parallel_loop3A_199 : vector<16xf32>
      %parallel_loop3A_213 = arith.index_cast %parallel_loop3A_120 : i32 to index
      %parallel_loop3A_214 = arith.constant 48 : index
      %parallel_loop3A_215 = tpu.vector_load %arg15[%parallel_loop3A_213, %parallel_loop3A_214] {strides = array<i32>} : memref<80x128xf32, #tpu.memory_space<vmem>>, vector<16xf32>,
      tpu.vector_store %arg15[%parallel_loop3A_213, %parallel_loop3A_214], %parallel_loop3A_212 {strides = array<i32>} : memref<80x128xf32, #tpu.memory_space<vmem>>, vector<16xf32>,
      %parallel_loop3A_216 = arith.mulf %parallel_loop3A_155, %parallel_loop3A_199 : vector<16xf32>
      %parallel_loop3A_217 = arith.index_cast %parallel_loop3A_120 : i32 to index
      %parallel_loop3A_218 = arith.constant 64 : index
      %parallel_loop3A_219 = tpu.vector_load %arg15[%parallel_loop3A_217, %parallel_loop3A_218] {strides = array<i32>} : memref<80x128xf32, #tpu.memory_space<vmem>>, vector<16xf32>,
      tpu.vector_store %arg15[%parallel_loop3A_217, %parallel_loop3A_218], %parallel_loop3A_216 {strides = array<i32>} : memref<80x128xf32, #tpu.memory_space<vmem>>, vector<16xf32>,
      %parallel_loop3A_220 = arith.mulf %parallel_loop3A_162, %parallel_loop3A_199 : vector<16xf32>
      %parallel_loop3A_221 = arith.index_cast %parallel_loop3A_120 : i32 to index
      %parallel_loop3A_222 = arith.constant 80 : index
      %parallel_loop3A_223 = tpu.vector_load %arg15[%parallel_loop3A_221, %parallel_loop3A_222] {strides = array<i32>} : memref<80x128xf32, #tpu.memory_space<vmem>>, vector<16xf32>,
      tpu.vector_store %arg15[%parallel_loop3A_221, %parallel_loop3A_222], %parallel_loop3A_220 {strides = array<i32>} : memref<80x128xf32, #tpu.memory_space<vmem>>, vector<16xf32>,
      %parallel_loop3A_224 = arith.mulf %parallel_loop3A_169, %parallel_loop3A_199 : vector<16xf32>
      %parallel_loop3A_225 = arith.index_cast %parallel_loop3A_120 : i32 to index
      %parallel_loop3A_226 = arith.constant 96 : index
      %parallel_loop3A_227 = tpu.vector_load %arg15[%parallel_loop3A_225, %parallel_loop3A_226] {strides = array<i32>} : memref<80x128xf32, #tpu.memory_space<vmem>>, vector<16xf32>,
      tpu.vector_store %arg15[%parallel_loop3A_225, %parallel_loop3A_226], %parallel_loop3A_224 {strides = array<i32>} : memref<80x128xf32, #tpu.memory_space<vmem>>, vector<16xf32>,
      %parallel_loop3A_228 = arith.mulf %parallel_loop3A_176, %parallel_loop3A_199 : vector<16xf32>
      %parallel_loop3A_229 = arith.index_cast %parallel_loop3A_120 : i32 to index
      %parallel_loop3A_230 = arith.constant 112 : index
      %parallel_loop3A_231 = tpu.vector_load %arg15[%parallel_loop3A_229, %parallel_loop3A_230] {strides = array<i32>} : memref<80x128xf32, #tpu.memory_space<vmem>>, vector<16xf32>,
      tpu.vector_store %arg15[%parallel_loop3A_229, %parallel_loop3A_230], %parallel_loop3A_228 {strides = array<i32>} : memref<80x128xf32, #tpu.memory_space<vmem>>, vector<16xf32>,
    } {sc.loop_unroll_factor = 2 : i64, sc.parallel_access}
    %dma_start3A_98 = arith.constant 0 : i32
    %dma_start3A_99 = arith.constant 0 : i32
    %dma_start3A_100 = tpu.memref_slice %arg21[%dma_start3A_98, %dma_start3A_99] : memref<10240x128xf32, #tpu.memory_space<vmem_shared>> -> memref<10240x128xf32, #tpu.memory_space<vmem_shared>>
    tpu.enqueue_indirect_dma source(%arg15 : memref<80x128xf32, #tpu.memory_space<vmem>>) target(%dma_start3A_100 : memref<10240x128xf32, #tpu.memory_space<vmem_shared>>) offsets(%arg8 : memref<80xi32, #tpu.memory_space<vmem>>) semaphore(%arg29 : memref<!tpu.dma_semaphore, #tpu.memory_space<semaphore_mem>>) {add = true}
    %dma_start3A_101 = arith.constant 0 : i32
    %dma_start3A_102 = tpu.memref_slice %arg22[%dma_start3A_101] : memref<10240xf32, #tpu.memory_space<vmem_shared>> -> memref<10240xf32, #tpu.memory_space<vmem_shared>>
    tpu.enqueue_indirect_dma source(%arg19 : memref<80xf32, #tpu.memory_space<vmem>>) target(%dma_start3A_102 : memref<10240xf32, #tpu.memory_space<vmem_shared>>) offsets(%arg8 : memref<80xi32, #tpu.memory_space<vmem>>) semaphore(%arg29 : memref<!tpu.dma_semaphore, #tpu.memory_space<semaphore_mem>>) {add = true}
    %dma_wait3A_103 = arith.constant 0 : i32
    %dma_wait3A_104 = arith.constant 0 : i32
    %dma_wait3A_105 = tpu.memref_slice %arg21[%dma_wait3A_103, %dma_wait3A_104] : memref<10240x128xf32, #tpu.memory_space<vmem_shared>> -> memref<10240x128xf32, #tpu.memory_space<vmem_shared>>
    tpu.wait_indirect_dma semaphore(%arg29 : memref<!tpu.dma_semaphore, #tpu.memory_space<semaphore_mem>>) src(%arg15 : memref<80x128xf32, #tpu.memory_space<vmem>>) dst(%dma_wait3A_105 : memref<10240x128xf32, #tpu.memory_space<vmem_shared>>)
    %dma_wait3A_106 = arith.constant 0 : i32
    %dma_wait3A_107 = tpu.memref_slice %arg22[%dma_wait3A_106] : memref<10240xf32, #tpu.memory_space<vmem_shared>> -> memref<10240xf32, #tpu.memory_space<vmem_shared>>
    tpu.wait_indirect_dma semaphore(%arg29 : memref<!tpu.dma_semaphore, #tpu.memory_space<semaphore_mem>>) src(%arg19 : memref<80xf32, #tpu.memory_space<vmem>>) dst(%dma_wait3A_107 : memref<10240xf32, #tpu.memory_space<vmem_shared>>)
    %barrier3A_108 = arith.constant 0 : index
    tpu.barrier barrier_id(%barrier3A_108)
    %mul3A_109 = arith.constant 640 : i32
    %mul3A_110 = arith.muli %arg1, %mul3A_109 : i32
    %mul3A_111 = arith.constant 640 : i32
    %mul3A_112 = arith.muli %arg1, %mul3A_111 : i32
    "tpu.region"() ({
      %run_scoped3A = tpu.sem_alloc : memref<!tpu.dma_semaphore, #tpu.memory_space<semaphore_mem>>
      %dma_start3A_120 = arith.constant 0 : i32
      %dma_start3A_121 = tpu.memref_slice %arg5[%arg0, %mul3A_112, %dma_start3A_120] : memref<2x10240x128xf32, #tpu.memory_space<hbm>> -> memref<1x640x128xf32, #tpu.memory_space<hbm>>
      %dma_start3A_122 = tpu.memref_squeeze %dma_start3A_121 : memref<1x640x128xf32, #tpu.memory_space<hbm>> -> memref<640x128xf32, #tpu.memory_space<hbm>>
      %dma_start3A_123 = arith.constant 0 : i32
      %dma_start3A_124 = tpu.memref_slice %arg21[%mul3A_110, %dma_start3A_123] : memref<10240x128xf32, #tpu.memory_space<vmem_shared>> -> memref<640x128xf32, #tpu.memory_space<vmem_shared>>
      tpu.enqueue_dma source(%dma_start3A_124 : memref<640x128xf32, #tpu.memory_space<vmem_shared>>) target(%dma_start3A_122 : memref<640x128xf32, #tpu.memory_space<hbm>>) target_semaphore(%run_scoped3A : memref<!tpu.dma_semaphore, #tpu.memory_space<semaphore_mem>>)
      %dma_wait3A_125 = arith.constant 0 : i32
      %dma_wait3A_126 = tpu.memref_slice %arg5[%arg0, %mul3A_112, %dma_wait3A_125] : memref<2x10240x128xf32, #tpu.memory_space<hbm>> -> memref<1x640x128xf32, #tpu.memory_space<hbm>>
      %dma_wait3A_127 = tpu.memref_squeeze %dma_wait3A_126 : memref<1x640x128xf32, #tpu.memory_space<hbm>> -> memref<640x128xf32, #tpu.memory_space<hbm>>
      %dma_wait3A_128 = arith.constant 0 : i32
      %dma_wait3A_129 = tpu.memref_slice %arg21[%mul3A_110, %dma_wait3A_128] : memref<10240x128xf32, #tpu.memory_space<vmem_shared>> -> memref<640x128xf32, #tpu.memory_space<vmem_shared>>
      tpu.wait_dma2 semaphore(%run_scoped3A : memref<!tpu.dma_semaphore, #tpu.memory_space<semaphore_mem>>) src(%dma_wait3A_129 : memref<640x128xf32, #tpu.memory_space<vmem_shared>>) dst(%dma_wait3A_127 : memref<640x128xf32, #tpu.memory_space<hbm>>)
      tpu.yield
    }) : () -> ()
    %mul3A_113 = arith.constant 640 : i32
    %mul3A_114 = arith.muli %arg1, %mul3A_113 : i32
    %mul3A_115 = arith.constant 10240 : i32
    %mul3A_116 = arith.muli %arg0, %mul3A_115 : i32
    %mul3A_117 = arith.constant 640 : i32
    %mul3A_118 = arith.muli %arg1, %mul3A_117 : i32
    %add3A_119 = arith.addi %mul3A_116, %mul3A_118 : i32
    "tpu.region"() ({
      %run_scoped3A = tpu.sem_alloc : memref<!tpu.dma_semaphore, #tpu.memory_space<semaphore_mem>>
      %dma_start3A_120 = tpu.memref_slice %arg6[%add3A_119] : memref<20480xf32, #tpu.memory_space<hbm>> -> memref<640xf32, #tpu.memory_space<hbm>>
      %dma_start3A_121 = tpu.memref_slice %arg22[%mul3A_114] : memref<10240xf32, #tpu.memory_space<vmem_shared>> -> memref<640xf32, #tpu.memory_space<vmem_shared>>
      tpu.enqueue_dma source(%dma_start3A_121 : memref<640xf32, #tpu.memory_space<vmem_shared>>) target(%dma_start3A_120 : memref<640xf32, #tpu.memory_space<hbm>>) target_semaphore(%run_scoped3A : memref<!tpu.dma_semaphore, #tpu.memory_space<semaphore_mem>>)
      %dma_wait3A_122 = tpu.memref_slice %arg6[%add3A_119] : memref<20480xf32, #tpu.memory_space<hbm>> -> memref<640xf32, #tpu.memory_space<hbm>>
      %dma_wait3A_123 = tpu.memref_slice %arg22[%mul3A_114] : memref<10240xf32, #tpu.memory_space<vmem_shared>> -> memref<640xf32, #tpu.memory_space<vmem_shared>>
      tpu.wait_dma2 semaphore(%run_scoped3A : memref<!tpu.dma_semaphore, #tpu.memory_space<semaphore_mem>>) src(%dma_wait3A_123 : memref<640xf32, #tpu.memory_space<vmem_shared>>) dst(%dma_wait3A_122 : memref<640xf32, #tpu.memory_space<hbm>>)
      tpu.yield
    }) : () -> ()
    return
  }
}

module attributes {stable_mosaic.version = 14 : i64} {
  func.func @_fin_body(%arg0: i32, %arg1: memref<2x1024x128xf32, #tpu.memory_space<vmem>>, %arg2: memref<2x1024xf32, #tpu.memory_space<vmem>>, %arg3: memref<1x1xf32, #tpu.memory_space<vmem>>, %arg4: memref<1024x128xf32, #tpu.memory_space<vmem>>) attributes {dimension_semantics = [#tpu.dimension_semantics<arbitrary>], iteration_bounds = array<i64: 10>, scalar_prefetch = 0 : i64, scratch_operands = 0 : i64, tpu.core_type = #tpu.core_type<tc>, window_params = [{transform_indices = @transform_0, window_bounds = array<i64: 2, 1024, 128>}, {transform_indices = @transform_1, window_bounds = array<i64: 2, 1024>}, {pipeline_mode = #tpu.pipeline_mode<synchronous>, transform_indices = @transform_2, window_bounds = array<i64: 1, 1>}, {transform_indices = @transform_3, window_bounds = array<i64: 1024, 128>}]} {
    %get3A = arith.constant 0 : index
    %get3A_0 = arith.constant 0 : index
    %get3A_1 = arith.constant 0 : index
    %get3A_2 = vector.load %arg1[%get3A, %get3A_0, %get3A_1] : memref<2x1024x128xf32, #tpu.memory_space<vmem>>, vector<1x1024x128xf32>
    %get3A_3 = vector.shape_cast %get3A_2 : vector<1x1024x128xf32> to vector<1024x128xf32>
    %get3A_4 = arith.constant 1 : index
    %get3A_5 = arith.constant 0 : index
    %get3A_6 = arith.constant 0 : index
    %get3A_7 = vector.load %arg1[%get3A_4, %get3A_5, %get3A_6] : memref<2x1024x128xf32, #tpu.memory_space<vmem>>, vector<1x1024x128xf32>
    %get3A_8 = vector.shape_cast %get3A_7 : vector<1x1024x128xf32> to vector<1024x128xf32>
    %add3A = arith.addf %get3A_3, %get3A_8 : vector<1024x128xf32>
    %get3A_9 = arith.constant 0 : index
    %get3A_10 = arith.constant 0 : index
    %get3A_11 = vector.load %arg2[%get3A_9, %get3A_10] : memref<2x1024xf32, #tpu.memory_space<vmem>>, vector<1x1024xf32>
    %get3A_12 = vector.shape_cast %get3A_11 : vector<1x1024xf32> to vector<1024xf32>
    %get3A_13 = arith.constant 1 : index
    %get3A_14 = arith.constant 0 : index
    %get3A_15 = vector.load %arg2[%get3A_13, %get3A_14] : memref<2x1024xf32, #tpu.memory_space<vmem>>, vector<1x1024xf32>
    %get3A_16 = vector.shape_cast %get3A_15 : vector<1x1024xf32> to vector<1024xf32>
    %add3A_17 = arith.addf %get3A_12, %get3A_16 : vector<1024xf32>
    %max3A = arith.constant 1.000000e+00 : f32
    %max3A_18 = vector.broadcast %max3A : f32 to vector<1024xf32>
    %max3A_19 = arith.maximumf %add3A_17, %max3A_18 : vector<1024xf32>
    %reshape3A = vector.shape_cast %max3A_19 : vector<1024xf32> to vector<1x1024xf32>
    %transpose3A = tpu.transpose %reshape3A, [1, 0] : vector<1x1024xf32> -> vector<1024x1xf32>
    %get3A_20 = arith.constant 0 : index
    %get3A_21 = arith.constant 0 : index
    %get3A_22 = vector.load %arg3[%get3A_20, %get3A_21] : memref<1x1xf32, #tpu.memory_space<vmem>>, vector<1x1xf32>
    %get3A_23 = vector.extract %get3A_22[0, 0] : f32 from vector<1x1xf32>
    %mul3A = vector.broadcast %get3A_23 : f32 to vector<1024x128xf32>
    %mul3A_24 = arith.mulf %mul3A, %add3A : vector<1024x128xf32>
    %div3A = vector.broadcast %transpose3A : vector<1024x1xf32> to vector<1024x128xf32>
    %div3A_25 = arith.divf %mul3A_24, %div3A : vector<1024x128xf32>
    %swap3A = arith.constant 0 : index
    %swap3A_26 = arith.constant 0 : index
    %swap3A_27 = vector.load %arg4[%swap3A, %swap3A_26] : memref<1024x128xf32, #tpu.memory_space<vmem>>, vector<1024x128xf32>
    tpu.vector_store %arg4[%swap3A, %swap3A_26], %div3A_25 {strides = array<i32>} : memref<1024x128xf32, #tpu.memory_space<vmem>>, vector<1024x128xf32>,
    return
  }
  func.func @transform_0(%arg0: i32) -> (i32, i32, i32) {
    %c0_i32 = arith.constant 0 : i32
    %c0_i32_0 = arith.constant 0 : i32
    %c0_i32_1 = arith.constant 0 : i32
    return %c0_i32, %arg0, %c0_i32_0 : i32, i32, i32
  }
  func.func @transform_1(%arg0: i32) -> (i32, i32) {
    %c0_i32 = arith.constant 0 : i32
    %c0_i32_0 = arith.constant 0 : i32
    return %c0_i32, %arg0 : i32, i32
  }
  func.func @transform_2(%arg0: i32) -> (i32, i32) {
    %c0_i32 = arith.constant 0 : i32
    %c0_i32_0 = arith.constant 0 : i32
    %c0_i32_1 = arith.constant 0 : i32
    return %c0_i32, %c0_i32_0 : i32, i32
  }
  func.func @transform_3(%arg0: i32) -> (i32, i32) {
    %c0_i32 = arith.constant 0 : i32
    %c0_i32_0 = arith.constant 0 : i32
    return %arg0, %c0_i32 : i32, i32
  }
}

</mosaic_0001>

<sc_bundles>
// kernel: kernel.4.cloned.1.call-start
scs
__scs_entry_jumppad:
0x0: {  	(pc) =	sbr.rel $0x88, $3  }
0x1: {  	(tag) =	ssettag $0x0;
	lr =	simm.s32 $0x1  }
0x2: {  	[smem:$0x3F9E] =	sst lr;
	_ =	strace $0xD0000000  }
0x3: {  	_ = 	snop  }
0x4: {  	_ = 	snop  }
0x5: {  	_ = 	snop  }
0x6: {  	_ = 	snop  }
0x7: {  	_ = 	snop  }
__scs_overlays_trampoline_lowered:
0x8: {  	[smem:$0x3FAD] =	sst s0  }
0x9: {  	[smem:$0x3FAE] =	sst s1  }
0xa: {  	[smem:$0x3FAF] =	sst s2  }
0xb: {  	[smem:$0x3FB0] =	sst s3  }
0xc: {  	[smem:$0x3FB1] =	sst s4  }
0xd: {  	[smem:$0x3FB2] =	sst s5  }
0xe: {  	[smem:$0x3FB3] =	sst s6  }
0xf: {  	[smem:$0x3FB4] =	sst s7  }
0x10: {  	[smem:$0x3FB5] =	sst s8  }
0x11: {  	[smem:$0x3FB6] =	sst s9;
	s0 =	simm.s32 @!p0 $0x0  }
0x12: {  	s1 =	sld [smem:$0x3F9C];
	s0 =	simm.s32 @p0 $0x1  }
0x13: {  	[smem:$0x3FB7] =	sst s0;
	s0 =	simm.s32 @!p1 $0x0  }
0x14: {  	s2 =	sld [smem:$0x3F9B];
	s0 =	simm.s32 @p1 $0x1  }
0x15: {  	[smem:$0x3FB8] =	sst s0;
	s0 =	simm.s32 @!p2 $0x0  }
0x16: {  	s3 =	sld [smem:$0x3FDB];
	s0 =	simm.s32 @p2 $0x1  }
0x17: {  	s4 =	simm.s32 $0x1BF5;
	[smem:$0x3FBA] =	sst s0  }
0x18: {  	s0 =	sld [smem:$0x3F9D];
	_ =	swait.ge [sflag:s4], $0x0  }
0x19: {  	s7 =	sld [smem:$0x3F9E]  }
0x1a: {  	s8 =	sadd.s32 $0xFFFFE003, lr  }
0x1b: {  	s9 =	sadd.s32 $0xFFFFFEF7, lr;
	s5 =	simm.s32 $0xFFFFFFFF;
	p2 =	slt.u32 s8, $0xFFFFF086  }
0x1c: {  	p1 =	slt.u32 s9, $0xF7A;
	s5 =	simm.s32 @!p2 $0x0  }
0x1d: {  	s5 =	simm.s32 @p1 $0x1;
	p0 =	seq.s32 s7, s2  }
0x1e: {  	s7 =	smul.u32 @!p0 $0xF7A, s2;
	p2 =	seq.s32 @!p0 s5, $0x0  }
0x1f: {  	s9 =	smul.u32 $0xF7A, s1;
	s8 =	simm.s32 @!p0 $0x1BF5;
	p2 =	por !p2, p0  }
0x20: {  	[sflag:s8] =	ssyncset.s32 @!p0 $0xFFFFF086;
	s6 =	sadd.s32 @!p0 s3, s7;
	s7 =	simm.s32 @!p0 $0x108  }
0x21: {  	s3 =	sadd.s32 s3, s9;
	s6 =	sadd.s32 @!p0 $0x88, s6;
	s7 =	simm.s32 @p2 $0x1082  }
0x22: {  	[simem:s7], [sflag:s8] =	dma.local @!p0 [hbm:s6], $0xF7A  }
0x23: {  	s9 =	sor.u32 $0xD0000000, s2;
	s6 =	simm.s32 $0x108;
	_ =	swait.ge @!p0 [sflag:s8], $0x0  }
0x24: {  	s3 =	sadd.s32 $0x88, s3;
	s6 =	simm.s32 @!p1 $0x1082;
	[sflag:s4] =	ssyncset.s32 $0xFFFFF086  }
0x25: {  	[simem:s6], [sflag:s4] =	dma.local [hbm:s3], $0xF7A  }
0x26: {  	[smem:$0x3F9E] =	sst s1;
	(tag) =	ssettag s2;
	_ =	strace s9  }
0x27: {  	s1 =	sld [smem:$0x3FAE]  }
0x28: {  	s2 =	sld [smem:$0x3FAF]  }
0x29: {  	s4 =	sld [smem:$0x3FB1]  }
0x2a: {  	p0 =	seq.s32 s5, $0x0;
	s5 =	sld [smem:$0x3FB2]  }
0x2b: {  	s6 =	sld [smem:$0x3FB3]  }
0x2c: {  	s7 =	sld [smem:$0x3FB4]  }
0x2d: {  	s3 =	simm.s32 $0x108;
	s8 =	sld [smem:$0x3FB5]  }
0x2e: {  	s3 =	simm.s32 @!p0 $0x1082;
	s9 =	sld [smem:$0x3FB6]  }
0x2f: {  	lr =	sadd.s32 s0, s3;
	s0 =	sld [smem:$0x3FAD]  }
0x30: {  	s3 =	sld [smem:$0x3FB0]  }
0x31: {  	[smem:$0x3FB9] =	sst s10  }
0x32: {  	s10 =	sld [smem:$0x3FB7];
	_ =	sdelay $0x3  }
0x33: {  	p0 =	seq.s32 s10, $0x1;
	s10 =	sld [smem:$0x3FB9];
	_ =	sdelay $0x3  }
0x34: {  	[smem:$0x3FB9] =	sst s10  }
0x35: {  	s10 =	sld [smem:$0x3FB8];
	_ =	sdelay $0x3  }
0x36: {  	p1 =	seq.s32 s10, $0x1;
	s10 =	sld [smem:$0x3FB9];
	_ =	sdelay $0x3  }
0x37: {  	[smem:$0x3FB9] =	sst s10  }
0x38: {  	s10 =	sld [smem:$0x3FBA]  }
0x39: {  	_ = 	snop;
	(pc) =	sbr.ind lr, $3  }
0x3a: {  	_ = 	snop  }
0x3b: {  	_ = 	snop  }
0x3c: {  	p2 =	seq.s32 s10, $0x1;
	s10 =	sld [smem:$0x3FB9]  }
0x3d: {  	_ =	shalt  }
0x3e: {  	_ =	shalt  }
0x3f: {  	_ =	shalt  }
0x40: {  	_ =	shalt  }
0x41: {  	_ =	shalt  }
0x42: {  	_ =	shalt  }
0x43: {  	_ =	shalt  }
0x44: {  	_ =	shalt  }
0x45: {  	_ =	shalt  }
0x46: {  	_ =	shalt  }
0x47: {  	_ =	shalt  }
0x48: {  	_ =	shalt  }
0x49: {  	_ =	shalt  }
0x4a: {  	_ =	shalt  }
0x4b: {  	_ =	shalt  }
0x4c: {  	_ =	shalt  }
0x4d: {  	_ =	shalt  }
0x4e: {  	_ =	shalt  }
0x4f: {  	_ =	shalt  }
0x50: {  	_ =	shalt  }
0x51: {  	_ =	shalt  }
0x52: {  	_ =	shalt  }
0x53: {  	_ =	shalt  }
0x54: {  	_ =	shalt  }
0x55: {  	_ =	shalt  }
0x56: {  	_ =	shalt  }
0x57: {  	_ =	shalt  }
0x58: {  	_ =	shalt  }
0x59: {  	_ =	shalt  }
0x5a: {  	_ =	shalt  }
0x5b: {  	_ =	shalt  }
0x5c: {  	_ =	shalt  }
0x5d: {  	_ =	shalt  }
0x5e: {  	_ =	shalt  }
0x5f: {  	_ =	shalt  }
0x60: {  	_ =	shalt  }
0x61: {  	_ =	shalt  }
0x62: {  	_ =	shalt  }
0x63: {  	_ =	shalt  }
0x64: {  	_ =	shalt  }
0x65: {  	_ =	shalt  }
0x66: {  	_ =	shalt  }
0x67: {  	_ =	shalt  }
0x68: {  	_ =	shalt  }
0x69: {  	_ =	shalt  }
0x6a: {  	_ =	shalt  }
0x6b: {  	_ =	shalt  }
0x6c: {  	_ =	shalt  }
0x6d: {  	_ =	shalt  }
0x6e: {  	_ =	shalt  }
0x6f: {  	_ =	shalt  }
0x70: {  	_ =	shalt  }
0x71: {  	_ =	shalt  }
0x72: {  	_ =	shalt  }
0x73: {  	_ =	shalt  }
0x74: {  	_ =	shalt  }
0x75: {  	_ =	shalt  }
0x76: {  	_ =	shalt  }
0x77: {  	_ =	shalt  }
0x78: {  	_ =	shalt  }
0x79: {  	_ =	shalt  }
0x7a: {  	_ =	shalt  }
0x7b: {  	_ =	shalt  }
0x7c: {  	_ =	shalt  }
0x7d: {  	_ =	shalt  }
0x7e: {  	_ =	shalt  }
0x7f: {  	_ =	shalt  }
0x80: {  	_ =	shalt  }
0x81: {  	_ =	shalt  }
0x82: {  	_ =	shalt  }
0x83: {  	_ =	shalt  }
0x84: {  	_ =	shalt  }
0x85: {  	_ =	shalt  }
0x86: {  	_ =	shalt  }
0x87: {  	_ =	shalt  }
.Lfunc_end0:
.L_simem_size_0:
called_computation_lowered:
.L_overlay_start_0:
0x88: {  	s2 =	sld [smem:$0x3FD9]  }
0x89: {  	s3 =	sld [smem:$0x3FFE];
	_ =	sdelay $0x1  }
0x8a: {  	s1 =	srdreg.scid  }
0x8b: {  	s0 =	sand.u32 $0x1, s1  }
0x8c: {  	s17 =	sshll.u32 s0, $0xA;
	s2 =	sadd.s32 s3, s2  }
0x8d: {  	s2 =	sadd.s32 s2, s17  }
0x8e: {  	[smem:$0x3FC5] =	sst s2  }
0x8f: {  	_ = 	snop  }
0x90: {  	s2 =	sld [smem:$0x3FC9]  }
0x91: {  	s18 =	sld [smem:$0x3FD0];
	(tm) =	ssettm $0x1  }
0x92: {  	s4 =	sld [smem:$0x3FFB];
	_ =	sdelay $0x3  }
0x93: {  	_ =	strace s4  }
0x94: {  	s4 =	sld [smem:$0x3FFC];
	_ =	sdelay $0x3  }
0x95: {  	_ =	strace s4  }
0x96: {  	s4 =	sld [smem:$0x3FFD];
	_ =	sdelay $0x3  }
0x97: {  	_ =	strace s4  }
0x98: {  	_ =	strace $0x8FFFFFFF  }
0x99: {  	s19 =	sld [smem:$0x3FDB];
	_ =	sdelay $0x1  }
0x9a: {  	s5 =	simm.s32 $_scs_section_size  }
0x9b: {  	s6 =	simm.s32 $_size__tile_overlayer_lowered;
	s7 =	simm.s32 $_tile_overlayer_lowered  }
0x9c: {  	s22 =	simm.s32 $0x1BFF;
	s21 =	sshll.u32 s7, $0x1;
	s4 =	sadd.s32 s5, s19  }
0x9d: {  	s8 =	simm.s32 $0x0;
	s20 =	sshll.u32 s6, $0x1;
	s6 =	sadd.s32 s21, s4  }
0x9e: {  	[timem:s8], [sflag:s22] =	dma.local [hbm:s6], s20  }
0x9f: {  	_ =	swait.ge [sflag:s22], s20  }
0xa0: {  	s5 =	ssub.s32 $0x0, s20;
	[sflag:s22] =	ssyncset.done $0x0  }
0xa1: {  	[sflag:s22] =	ssyncadd.s32 s5;
	_ =	sdelay $0x1  }
0xa2: {  	s23 =	simm.s32 $0x1B8B  }
0xa3: {  	_ =	swait.ge [sflag:s23], $0x1  }
0xa4: {  	[sflag:s23] =	ssyncset.done $0x0  }
0xa5: {  	s25 =	simm.s32 $0x1B8E;
	s24 =	sld [smem:$0x3FFE];
	[sflag:s23] =	ssyncadd.s32 $0xFFFFFFFF  }
0xa6: {  	s26 =	simm.s32 $execute0_lowered;
	[smem:$0x3FD2] =	sst s25  }
0xa7: {  	s6 =	sshll.u32 s26, $0x1;
	_ =	strace $0x80000046;
	[dreg:$0x1] =	wrdreg $0xFFFFFFFF  }
0xa8: {  	s28 =	simm.s32 $_size_execute0_lowered;
	s4 =	sadd.s32 s4, s6;
	[dreg:$0x0] =	wrdreg $0x0  }
0xa9: {  	s6 =	sshll.u32 s28, $0x1;
	[dreg:$0x2] =	wrdreg s4  }
0xaa: {  	[dreg:$0x3] =	wrdreg s6  }
0xab: {  	[dreg:$0x4] =	wrdreg $0xC0  }
0xac: {  	_ =	task [dreg:s8], $0x5FFFF  }
0xad: {  	[dreg:$0x1] =	wrdreg $0xFFFFFFFF  }
0xae: {  	[dreg:$0x0] =	wrdreg $0x60  }
0xaf: {  	[dreg:$0x2] =	wrdreg s2  }
0xb0: {  	[dreg:$0x3] =	wrdreg s24  }
0xb1: {  	[dreg:$0x4] =	wrdreg s18  }
0xb2: {  	[dreg:$0x5] =	wrdreg $0xA7000  }
0xb3: {  	[dreg:$0x6] =	wrdreg $0x1E7000  }
0xb4: {  	[dreg:$0x7] =	wrdreg $0x9  }
0xb5: {  	_ =	task.clear_ibuf [dreg:s8], $0x8FFFF;
	_ =	strace $0x90000046  }
0xb6: {  	s29 =	simm.s32 $0x9;
	_ =	strace $0x80000048  }
0xb7: {  	_ =	swait.ge [sflag:s29], $0x1  }
0xb8: {  	[sflag:s29] =	ssyncadd.s32 $0xFFFFFFFF  }
0xb9: {  	_ =	strace $0x90000048  }
0xba: {  	_ =	sfence  }
0xbb: {  	s30 =	sld [smem:$0x0];
	_ =	sdelay $0x2  }
0xbc: {  	s31 =	sshll.u32 s1, $0xD;
	s1 =	sshrl.u32 s1, $0x2  }
0xbd: {  	s3 =	sand.u32 $0x4000, s31;
	s1 =	sadd.s32 s1, s30  }
0xbe: {  	s0 =	sor.u32 s3, s0;
	s1 =	sshll.u32 s1, $0x11  }
0xbf: {  	s0 =	sor.u32 s1, s0  }
0xc0: {  	s0 =	sadd.s32 $0x8F2B, s0  }
0xc1: {  	[sflag:s0] =	ssyncadd.remote.s32 $0x1  }
0xc2: {  	_ =	sfence.sel $0xFFFF  }
0xc3: {  	[dreg:$0x0] =	wrdreg $0xFFFFFFFF;
	(pc) =	sbr.abs _section_cstart, $3  }
0xc4: {  	[dreg:$0x1] =	wrdreg $0xFFFFFFFF  }
0xc5: {  	_ =	task.clear_ibuf [dreg:s8], $0x2FFFF;
	_ =	strace $0x9FFFFFFF  }
0xc6: {  	(tm) =	ssettm $0x7FFFFFFF  }
0xc7: {  	_ =	shalt  }
tec
execute0_lowered:
.L_overlay_start_1:
0x0: {  	(tag) =	ssettag $0x1  }
0x1: {  	s0 =	rddreg [dreg:$0x0]  }
0x2: {  	s1 =	rddreg [dreg:$0x1]  }
0x3: {  	s2 =	rddreg [dreg:$0x2];
	s14 =	stileid.u32  }
0x4: {  	s3 =	srdreg.scid;
	s8 =	smul.u32 $0x14000, s14  }
0x5: {  	s4 =	rddreg [dreg:$0x3];
	s9 =	smul.u32 $0x280, s14  }
0x6: {  	s5 =	rddreg [dreg:$0x4];
	s6 =	simm.s32 $0x0;
	s11 =	smul.u32 $0x50000, s14  }
0x7: {  	s29 =	simm.s32 $0x400;
	s3 =	sand.u32 $0x1, s3;
	s22 =	smul.u32 $0x2710, s14  }
0x8: {  	s31 =	simm.s32 $0x3;
	s28 =	simm.s32 $0x300;
	s7 =	smul.u32 $0x140000, s3  }
0x9: {  	s30 =	simm.s32 $0x6;
	[smem:$0x7FF] =	sst s6;
	s10 =	smul.u32 $0x2800, s3  }
0xa: {  	_ =	strace $0x80000047;
	s12 =	ssub.s32 $0x2, s3;
	s3 =	smul.u32 $0x27100, s3  }
0xb: {  	s11 =	sshrl.u32 s11, $0x2;
	s13 =	sshrl.u32 s12, $0x1;
	s19 =	sadd.s32 s9, s5  }
0xc: {  	s7 =	sadd.s32 s8, s7;
	s10 =	sadd.s32 s9, s10;
	s17 =	sadd.s32 s11, s4  }
0xd: {  	s23 =	ssub.s32 s12, s13;
	s3 =	sadd.s32 s22, s3;
	[dreg:$0xc] =	wrdreg s19  }
0xe: {  	s8 =	sshrl.u32 s7, $0x3;
	s24 =	sadd.s32 $0x2800, s17;
	[dreg:$0x6] =	wrdreg s17  }
0xf: {  	s7 =	sadd.s32 $0x200, s1;
	s25 =	sadd.s32 $0x5000, s17;
	[dreg:$0x7] =	wrdreg s24  }
0x10: {  	s10 =	sshrl.u32 s10, $0x3;
	s26 =	sadd.s32 $0x7800, s17;
	[dreg:$0x8] =	wrdreg s25  }
0x11: {  	s12 =	sadd.s32 $0xA000, s17;
	s13 =	sadd.s32 $0xC800, s17;
	[dreg:$0x9] =	wrdreg s26  }
0x12: {  	s14 =	sshrl.u32 s3, $0x3;
	s20 =	sadd.s32 $0xA0, s3;
	[dreg:$0xa] =	wrdreg s12  }
0x13: {  	s21 =	sadd.s32 $0x140, s3;
	s22 =	sadd.s32 $0x190, s3;
	[dreg:$0xb] =	wrdreg s13  }
0x14: {  	s23 =	smax.u32 s23, $0x1;
	s8 =	sadd.s32 s8, s1;
	[dreg:$0x11] =	wrdreg s20  }
0x15: {  	s1 =	sadd.s32 s10, s1;
	s15 =	sadd.s32 s7, s14;
	[dreg:$0x12] =	wrdreg s21  }
0x16: {  	s16 =	sadd.s32 $0xA, s14;
	s11 =	sadd.s32 s2, s14;
	[dreg:$0x13] =	wrdreg s22  }
0x17: {  	[dreg:$0x16] =	wrdreg s23;
	s24 =	sadd.s32 $0xF0, s3;
	s25 =	sadd.s32 $0xF000, s17  }
0x18: {  	s26 =	sadd.s32 $0x11800, s17;
	s21 =	simm.s32 $0x9;
	[dreg:$0xd] =	wrdreg s15  }
0x19: {  	s3 =	simm.s32 $0x80;
	s12 =	simm.s32 $0x1;
	[dreg:$0xe] =	wrdreg s11  }
0x1a: {  	s13 =	simm.s32 $0x4;
	s22 =	simm.s32 $0xA400;
	[dreg:$0x17] =	wrdreg s24  }
0x1b: {  	s23 =	simm.s32 $0x2;
	s14 =	simm.s32 $0x380;
	[dreg:$0x18] =	wrdreg s25  }
0x1c: {  	s18 =	sadd.s32 s7, s16;
	s9 =	sadd.s32 s2, s16;
	[dreg:$0x19] =	wrdreg s26  }
0x1d: {  	s8 =	sadd.s32 $0xAA00, s8;
	s1 =	sadd.s32 $0xA000, s1;
	[dreg:$0xf] =	wrdreg s18  }
0x1e: {  	s11 =	simm.s32 $0x180;
	s15 =	simm.s32 $0x5400;
	[dreg:$0x10] =	wrdreg s9  }
0x1f: {  	s24 =	simm.s32 $0x7;
	s26 =	simm.s32 $0x5;
	[dreg:$0x14] =	wrdreg s8  }
0x20: {  	s16 =	simm.s32 $0x0;
	[dreg:$0x15] =	wrdreg s1;
	s1 =	simm.s32 $0x50  }
0x21: {  	v0 =	vimm.f32 $0.0e+00;
	v1 =	vimm.f32 $1.000000000e+00;
	s9 =	simm.s32 $0x2C00;
	s18 =	simm.s32 $0x280;
	s8 =	simm.s32 $0x8  }
.LBB2_1:
0x22: {  	[dreg:$0x1a] =	wrdreg s16;
	s10 =	simm.s32 $0x0;
	s16 =	simm.s32 $0x200  }
.LBB2_2:
0x23: {  	p0 =	sne.s32 s16, $0x9E00;
	[tilespmem:s10+$0x470] =	vst v0  }
0x24: {  	[tilespmem:s10+$0x400] =	vst v0  }
0x25: {  	[tilespmem:s10+$0x410] =	vst v0  }
.Ltmp0:
0x26: {  	[tilespmem:s10+$0x420] =	vst v0;
	(pc) =	sbr.rel @p0 .LBB2_2-.Ltmp0, $4  }
0x27: {  	[tilespmem:s10+$0x430] =	vst v0  }
0x28: {  	[tilespmem:s10+$0x440] =	vst v0  }
0x29: {  	[tilespmem:s10+$0x450] =	vst v0  }
0x2a: {  	[tilespmem:s10+$0x460] =	vst v0;
	s10 =	sshra.s32 s16, $0x2;
	s16 =	sadd.s32 $0x200, s16  }
0x2b: {  	[tilespmem:s10+$0x470] =	vst v0  }
0x2c: {  	[tilespmem:s10+$0x400] =	vst v0  }
0x2d: {  	[tilespmem:s10+$0x410] =	vst v0  }
0x2e: {  	[tilespmem:s10+$0x420] =	vst v0  }
0x2f: {  	[tilespmem:s10+$0x430] =	vst v0  }
0x30: {  	[tilespmem:s10+$0x440] =	vst v0  }
0x31: {  	[tilespmem:s10+$0x450] =	vst v0  }
0x32: {  	[tilespmem:s10+$0x460] =	vst v0  }
0x33: {  	[spmem:s17] =	stream.linear.scatter [tilespmem:s29], [sflag:$0x9], $0x2800, $0x38;
	[tilespmem:$0x1E980] =	vst v63  }
0x34: {  	_ =	swait.ge [sflag:s21], $0x2800  }
0x35: {  	[sflag:s21] =	ssyncset.done $0x0  }
0x36: {  	s20 =	rddreg [dreg:$0x7];
	[sflag:s21] =	ssyncadd.s32 $0xFFFFD800  }
0x37: {  	[spmem:s20] =	stream.linear.scatter [tilespmem:s29], [sflag:$0x9], $0x2800, $0x38;
	[tilespmem:$0x1E980] =	vst v63  }
0x38: {  	_ =	swait.ge [sflag:s21], $0x2800  }
0x39: {  	[sflag:s21] =	ssyncset.done $0x0  }
0x3a: {  	s25 =	rddreg [dreg:$0x8];
	[sflag:s21] =	ssyncadd.s32 $0xFFFFD800  }
0x3b: {  	[spmem:s25] =	stream.linear.scatter [tilespmem:s29], [sflag:$0x9], $0x2800, $0x38;
	[tilespmem:$0x1E980] =	vst v63  }
0x3c: {  	_ =	swait.ge [sflag:s21], $0x2800  }
0x3d: {  	[sflag:s21] =	ssyncset.done $0x0  }
0x3e: {  	s16 =	rddreg [dreg:$0x9];
	[sflag:s21] =	ssyncadd.s32 $0xFFFFD800  }
0x3f: {  	[spmem:s16] =	stream.linear.scatter [tilespmem:s29], [sflag:$0x9], $0x2800, $0x38;
	[tilespmem:$0x1E980] =	vst v63  }
0x40: {  	_ =	swait.ge [sflag:s21], $0x2800  }
0x41: {  	[sflag:s21] =	ssyncset.done $0x0  }
0x42: {  	s17 =	rddreg [dreg:$0xa];
	[sflag:s21] =	ssyncadd.s32 $0xFFFFD800  }
0x43: {  	[spmem:s17] =	stream.linear.scatter [tilespmem:s29], [sflag:$0x9], $0x2800, $0x38;
	[tilespmem:$0x1E980] =	vst v63  }
0x44: {  	_ =	swait.ge [sflag:s21], $0x2800  }
0x45: {  	[sflag:s21] =	ssyncset.done $0x0  }
0x46: {  	s20 =	rddreg [dreg:$0xb];
	[sflag:s21] =	ssyncadd.s32 $0xFFFFD800  }
0x47: {  	[spmem:s20] =	stream.linear.scatter [tilespmem:s29], [sflag:$0x9], $0x2800, $0x38;
	[tilespmem:$0x1E980] =	vst v63  }
0x48: {  	_ =	swait.ge [sflag:s21], $0x2800  }
0x49: {  	[sflag:s21] =	ssyncset.done $0x0  }
0x4a: {  	s25 =	rddreg [dreg:$0x18];
	[sflag:s21] =	ssyncadd.s32 $0xFFFFD800  }
0x4b: {  	[spmem:s25] =	stream.linear.scatter [tilespmem:s29], [sflag:$0x9], $0x2800, $0x38;
	[tilespmem:$0x1E980] =	vst v63  }
0x4c: {  	_ =	swait.ge [sflag:s21], $0x2800  }
0x4d: {  	[sflag:s21] =	ssyncset.done $0x0  }
0x4e: {  	s16 =	rddreg [dreg:$0x19];
	[sflag:s21] =	ssyncadd.s32 $0xFFFFD800  }
0x4f: {  	[spmem:s16] =	stream.linear.scatter [tilespmem:s29], [sflag:$0x9], $0x2800, $0x38;
	[tilespmem:$0x1E980] =	vst v63  }
0x50: {  	_ =	swait.ge [sflag:s21], $0x2800  }
0x51: {  	[sflag:s21] =	ssyncset.done $0x0  }
0x52: {  	[sflag:s21] =	ssyncadd.s32 $0xFFFFD800  }
0x53: {  	[tilespmem:$0xA400] =	vst v1  }
0x54: {  	[tilespmem:$0xA410] =	vst v1  }
0x55: {  	[tilespmem:$0xA420] =	vst v1  }
0x56: {  	[tilespmem:$0xA430] =	vst v1  }
0x57: {  	[tilespmem:$0xA440] =	vst v1  }
0x58: {  	[tilespmem:$0xA480] =	vst v0  }
0x59: {  	[tilespmem:$0xA490] =	vst v0  }
0x5a: {  	[tilespmem:$0xA4A0] =	vst v0  }
0x5b: {  	[tilespmem:$0xA4B0] =	vst v0  }
0x5c: {  	[tilespmem:$0xA4C0] =	vst v0  }
0x5d: {  	[tilespmem:$0xA4D0] =	vst v0  }
0x5e: {  	[tilespmem:$0xA4E0] =	vst v0  }
0x5f: {  	[tilespmem:$0xA4F0] =	vst v0  }
0x60: {  	[tilespmem:$0xA500] =	vst v0  }
0x61: {  	[tilespmem:$0xA510] =	vst v0  }
0x62: {  	[tilespmem:$0xA520] =	vst v0  }
0x63: {  	[tilespmem:$0xA530] =	vst v0  }
0x64: {  	[tilespmem:$0xA540] =	vst v0  }
0x65: {  	[tilespmem:$0xA550] =	vst v0  }
0x66: {  	[tilespmem:$0xA560] =	vst v0  }
0x67: {  	[tilespmem:$0xA570] =	vst v0  }
0x68: {  	[tilespmem:$0xA580] =	vst v0  }
0x69: {  	[tilespmem:$0xA590] =	vst v0  }
0x6a: {  	[tilespmem:$0xA5A0] =	vst v0  }
0x6b: {  	[tilespmem:$0xA5B0] =	vst v0  }
0x6c: {  	[tilespmem:$0xA5C0] =	vst v0  }
0x6d: {  	[tilespmem:$0xA5D0] =	vst v0  }
0x6e: {  	[tilespmem:$0xA5E0] =	vst v0  }
0x6f: {  	[tilespmem:$0xA5F0] =	vst v0  }
0x70: {  	[tilespmem:$0xA600] =	vst v0  }
0x71: {  	[tilespmem:$0xA610] =	vst v0  }
0x72: {  	[tilespmem:$0xA620] =	vst v0  }
0x73: {  	[tilespmem:$0xA630] =	vst v0  }
0x74: {  	[tilespmem:$0xA640] =	vst v0  }
0x75: {  	[tilespmem:$0xA650] =	vst v0  }
0x76: {  	[tilespmem:$0xA660] =	vst v0  }
0x77: {  	[tilespmem:$0xA670] =	vst v0  }
0x78: {  	[tilespmem:$0xA680] =	vst v0  }
0x79: {  	[tilespmem:$0xA690] =	vst v0  }
0x7a: {  	[tilespmem:$0xA6A0] =	vst v0  }
0x7b: {  	[tilespmem:$0xA6B0] =	vst v0  }
0x7c: {  	[tilespmem:$0xA6C0] =	vst v0  }
0x7d: {  	[tilespmem:$0xA6D0] =	vst v0  }
0x7e: {  	[tilespmem:$0xA6E0] =	vst v0  }
0x7f: {  	s17 =	simm.s32 $0xA480;
	[tilespmem:$0xA6F0] =	vst v0  }
0x80: {  	[spmem:s19] =	stream.linear.scatter [tilespmem:s17], [sflag:$0x9], $0x280, $0x38;
	[tilespmem:$0x1E980] =	vst v63  }
0x81: {  	_ =	swait.ge [sflag:s21], $0x280  }
0x82: {  	[sflag:s21] =	ssyncset.done $0x0  }
0x83: {  	[sflag:s21] =	ssyncadd.s32 $0xFFFFFD80  }
0x84: {  	[bflag:$0x0] =	sbarrier.arrive $0xFFFF  }
0x85: {  	s10 =	simm.s32 $0x0;
	s16 =	rddreg [dreg:$0xd]  }
0x86: {  	[tilespmem:s10], [sflag:$0x3] =	stream.linear.gather [hbm4b:s16+s10], $0x50, $0x38;
	[tilespmem:$0x1E980] =	vst v63  }
0x87: {  	s19 =	rddreg [dreg:$0xe]  }
0x88: {  	[tilespmem:s3], [sflag:$0x3] =	stream.linear.gather [hbm4b:s19+s10], $0x50, $0x38;
	[tilespmem:$0x1E980] =	vst v63  }
0x89: {  	_ =	swait.ge [sflag:s31], $0x50  }
0x8a: {  	[sflag:s31] =	ssyncset.done $0x0  }
0x8b: {  	[sflag:s31] =	ssyncadd.s32 $0xFFFFFFB0  }
0x8c: {  	_ =	swait.ge [sflag:s31], $0x50  }
0x8d: {  	[sflag:s31] =	ssyncset.done $0x0  }
0x8e: {  	[sflag:s31] =	ssyncadd.s32 $0xFFFFFFB0  }
0x8f: {  	[tilespmem:s29], [sflag:$0x1] =	stream.indirect.gather [hbm4b:s0+s1], $0x80, s10, s1, $0xb8;
	[tilespmem:$0x1E980] =	vst v63  }
0x90: {  	_ = 	snop  }
0x91: {  	[tilespmem:s9], [sflag:$0x1] =	stream.indirect.gather [hbm4b:s0+s1], $0x80, s3, s1, $0xb8;
	[tilespmem:$0x1E980] =	vst v63  }
0x92: {  	s21 =	simm.s32 $0x100;
	s20 =	rddreg [dreg:$0xf]  }
0x93: {  	[tilespmem:s21], [sflag:$0x4] =	stream.linear.gather [hbm4b:s20+s10], $0x50, $0x38;
	[tilespmem:$0x1E980] =	vst v63  }
0x94: {  	s25 =	rddreg [dreg:$0x10]  }
0x95: {  	[tilespmem:s11], [sflag:$0x4] =	stream.linear.gather [hbm4b:s25+s10], $0x50, $0x38;
	[tilespmem:$0x1E980] =	vst v63  }
.LBB2_4:
0x96: {  	_ =	swait.ge [sflag:s12], $0x2800  }
0x97: {  	[sflag:s12] =	ssyncset.done $0x0  }
0x98: {  	[sflag:s12] =	ssyncadd.s32 $0xFFFFD800  }
0x99: {  	_ =	swait.ge [sflag:s12], $0x2800  }
0x9a: {  	p0 =	seq.s32 s10, $0x0;
	[sflag:s12] =	ssyncset.done $0x0  }
0x9b: {  	s16 =	simm.s32 @!p0 $0x8;
	[sflag:s12] =	ssyncadd.s32 $0xFFFFD800  }
0x9c: {  	_ =	swait.ge @!p0 [sflag:s16], $0x2800  }
0x9d: {  	[sflag:s16] =	ssyncset.done @!p0 $0x0  }
0x9e: {  	[sflag:s16] =	ssyncadd.s32 @!p0 $0xFFFFD800  }
0x9f: {  	_ =	swait.ge @!p0 [sflag:s16], $0x50  }
0xa0: {  	[sflag:s16] =	ssyncset.done @!p0 $0x0  }
0xa1: {  	[sflag:s16] =	ssyncadd.s32 @!p0 $0xFFFFFFB0  }
0xa2: {  	_ =	swait.ge [sflag:s13], $0x50  }
0xa3: {  	[sflag:s13] =	ssyncset.done $0x0  }
0xa4: {  	[sflag:s13] =	ssyncadd.s32 $0xFFFFFFB0  }
0xa5: {  	_ =	swait.ge [sflag:s13], $0x50  }
0xa6: {  	[sflag:s13] =	ssyncset.done $0x0  }
0xa7: {  	s19 =	simm.s32 $0x100;
	[sflag:s13] =	ssyncadd.s32 $0xFFFFFFB0  }
0xa8: {  	[tilespmem:s15], [sflag:$0x2] =	stream.indirect.gather [hbm4b:s0+s1], $0x80, s19, s1, $0xb8;
	[tilespmem:$0x1E980] =	vst v63  }
0xa9: {  	s20 =	simm.s32 $0x7C00;
	s21 =	rddreg [dreg:$0x11];
	s19 =	smul.u32 $0x140, s10  }
0xaa: {  	[tilespmem:s20], [sflag:$0x2] =	stream.indirect.gather [hbm4b:s0+s1], $0x80, s11, s1, $0xb8;
	[tilespmem:$0x1E980] =	vst v63  }
0xab: {  	s16 =	sadd.s32 s19, s21  }
0xac: {  	s16 =	sshrl.u32 s16, $0x3  }
0xad: {  	s20 =	simm.s32 $0x200;
	s17 =	sadd.s32 s7, s16  }
0xae: {  	[tilespmem:s20], [sflag:$0x5] =	stream.linear.gather [hbm4b:s17+s6], $0x50, $0x38;
	[tilespmem:$0x1E980] =	vst v63  }
0xaf: {  	s16 =	sadd.s32 s2, s16;
	s20 =	simm.s32 $0x480  }
0xb0: {  	[tilespmem:s18], [sflag:$0x5] =	stream.linear.gather [hbm4b:s16+s6], $0x50, $0x38;
	[tilespmem:$0x1E980] =	vst v63  }
0xb1: {  	v2 =	vld [tilespmem:s20+$0x60]  }
0xb2: {  	s25 =	simm.s32 $0x2C80;
	v3 =	vld [tilespmem:s20+$0x0]  }
0xb3: {  	v4 =	vld [tilespmem:s25+$0x0]  }
0xb4: {  	v5 =	vld [tilespmem:s20+$0x10]  }
0xb5: {  	v6 =	vld [tilespmem:s25+$0x10]  }
0xb6: {  	v7 =	vld [tilespmem:s20+$0x20]  }
0xb7: {  	v8 =	vld [tilespmem:s25+$0x20]  }
0xb8: {  	v9 =	vld [tilespmem:s20+$0x30]  }
0xb9: {  	v10 =	vld [tilespmem:s25+$0x30]  }
0xba: {  	v11 =	vld [tilespmem:s20+$0x40];
	v17 =	vsub.f32 v3, v4;
	v18 =	vsub.f32 v5, v6  }
0xbb: {  	v12 =	vld [tilespmem:s25+$0x40]  }
0xbc: {  	v13 =	vld [tilespmem:s20+$0x50];
	v19 =	vsub.f32 v7, v8;
	v5 =	vmul.f32 v17, v17;
	v6 =	vmul.f32 v18, v18  }
0xbd: {  	v3 =	vld [tilespmem:s25+$0x50]  }
0xbe: {  	v4 =	vld [tilespmem:s25+$0x60];
	v20 =	vsub.f32 v9, v10;
	v5 =	vadd.f32 v6, v5;
	v6 =	vmul.f32 v19, v19  }
0xbf: {  	v7 =	vld [tilespmem:s25+$0xFFFFFF80]  }
0xc0: {  	v8 =	vld [tilespmem:s20+$0x70];
	v21 =	vsub.f32 v11, v12;
	v5 =	vadd.f32 v6, v5;
	v6 =	vmul.f32 v20, v20  }
0xc1: {  	v9 =	vld [tilespmem:s25+$0x70]  }
0xc2: {  	v10 =	vld [tilespmem:s20+$0xFFFFFF90];
	v22 =	vsub.f32 v13, v3;
	v3 =	vadd.f32 v6, v5;
	v5 =	vmul.f32 v21, v21  }
0xc3: {  	v11 =	vld [tilespmem:s25+$0xFFFFFF90]  }
0xc4: {  	v12 =	vld [tilespmem:s20+$0xFFFFFF80];
	v25 =	vsub.f32 v2, v4;
	v2 =	vadd.f32 v5, v3;
	v3 =	vmul.f32 v22, v22  }
0xc5: {  	v13 =	vld [tilespmem:s25+$0xFFFFFFA0]  }
0xc6: {  	v23 =	vsub.f32 v8, v9;
	v6 =	vld [tilespmem:s20+$0xFFFFFFA0];
	v5 =	vmul.f32 v25, v25;
	v3 =	vadd.f32 v3, v2  }
0xc7: {  	v14 =	vld [tilespmem:s25+$0xFFFFFFB0]  }
0xc8: {  	v4 =	vld [tilespmem:s20+$0xFFFFFFB0];
	v2 =	vsub.f32 v10, v11;
	v10 =	vmul.f32 v23, v23;
	v3 =	vadd.f32 v5, v3  }
0xc9: {  	v8 =	vld [tilespmem:s20+$0xFFFFFFC0];
	v5 =	vsub.f32 v12, v7  }
0xca: {  	v9 =	vld [tilespmem:s25+$0xFFFFFFC0];
	v10 =	vadd.f32 v10, v3  }
0xcb: {  	v7 =	vld [tilespmem:s20+$0xFFFFFFD0];
	v11 =	vmul.f32 v2, v2;
	v3 =	vsub.f32 v6, v13;
	v6 =	vmul.f32 v5, v5  }
0xcc: {  	v12 =	vld [tilespmem:s25+$0xFFFFFFD0];
	(xrf2) =	vadd.scan.msk.f32 $0xffff, v10  }
0xcd: {  	v15 =	vld [tilespmem:s25+$0xFFFFFFE0];
	v4 =	vsub.f32 v4, v14;
	v10 =	vadd.f32 v11, v6;
	v11 =	vmul.f32 v3, v3  }
0xce: {  	v13 =	vld [tilespmem:s20+$0xFFFFFFE0]  }
0xcf: {  	v16 =	vld [tilespmem:s25+$0xFFFFFFF0];
	v6 =	vsub.f32 v8, v9;
	v9 =	vmul.f32 v4, v4;
	v8 =	vadd.f32 v11, v10  }
0xd0: {  	s21 =	simm.s32 $0x580;
	v14 =	vld [tilespmem:s20+$0xFFFFFFF0]  }
0xd1: {  	v26 =	vld [tilespmem:s21+$0x10];
	v7 =	vsub.f32 v7, v12;
	v11 =	vmul.f32 v6, v6;
	v9 =	vadd.f32 v9, v8  }
0xd2: {  	v27 =	vld [tilespmem:s21+$0x20];
	s25 =	simm.s32 $0x2D80  }
0xd3: {  	v12 =	vld [tilespmem:s25+$0x0];
	v8 =	vsub.f32 v13, v15;
	v13 =	vmul.f32 v7, v7;
	v9 =	vadd.f32 v11, v9  }
0xd4: {  	v10 =	vld [tilespmem:s21+$0x0]  }
0xd5: {  	v15 =	vld [tilespmem:s25+$0x10];
	v11 =	vsub.f32 v14, v16;
	v9 =	vadd.f32 v13, v9;
	v13 =	vmul.f32 v8, v8  }
0xd6: {  	v28 =	vld [tilespmem:s21+$0x30];
	v14, _, _ =	vpop (xrf2)  }
0xd7: {  	v16 =	vld [tilespmem:s25+$0x20];
	v9 =	vadd.f32 v13, v9;
	v13 =	vmul.f32 v11, v11;
	v14 =	vbroadcast v14, $0xF  }
0xd8: {  	v30 =	vld [tilespmem:s21+$0x40]  }
0xd9: {  	v29 =	vld [tilespmem:s25+$0x30];
	v13 =	vadd.f32 v13, v9;
	(erf) = vrcp.f32 v14  }
0xda: {  	v31 =	vld [tilespmem:s25+$0x40];
	v9 =	vsub.f32 v10, v12;
	v14 =	vsub.f32 v26, v15  }
0xdb: {  	v15 =	vld [tilespmem:s21+$0x50]  }
0xdc: {  	v10 =	vsub.f32 v27, v16;
	v26 =	vld [tilespmem:s25+$0x50];
	(xrf2) =	vadd.scan.msk.f32 $0xffff, v13;
	v13 =	vmul.f32 v9, v9;
	v16 =	vmul.f32 v14, v14  }
0xdd: {  	v24 =	vld [tilespmem:s21+$0x60]  }
0xde: {  	v32 =	vld [tilespmem:s25+$0xFFFFFF80];
	v12 =	vsub.f32 v28, v29;
	v28 =	vmul.f32 v10, v10;
	v16 =	vadd.f32 v16, v13  }
0xdf: {  	v27 =	vld [tilespmem:s25+$0x60]  }
0xe0: {  	v33 =	vld [tilespmem:s25+$0x70];
	v13 =	vsub.f32 v30, v31;
	v16 =	vadd.f32 v28, v16;
	v28 =	vmul.f32 v12, v12  }
0xe1: {  	v29 =	vld [tilespmem:s21+$0x70];
	v15 =	vsub.f32 v15, v26  }
0xe2: {  	v30 =	vld [tilespmem:s21+$0xFFFFFF90];
	v26 =	vmul.f32 v13, v13;
	v16 =	vadd.f32 v28, v16;
	v34 =	vpop (erf)  }
0xe3: {  	v31 =	vld [tilespmem:s25+$0xFFFFFF90];
	v36 =	vmul.f32 v15, v15;
	v34 =	vxor.u32 $0x80000000, v34  }
0xe4: {  	v28 =	vld [tilespmem:s21+$0xFFFFFF80];
	v26 =	vadd.f32 v26, v16;
	v16 =	vsub.f32 v24, v27;
	v23 =	vmul.f32 v34, v23  }
0xe5: {  	v35 =	vld [tilespmem:s21+$0xFFFFFFA0];
	v24 =	vmul.f32 v34, v17;
	v38 =	vmul.f32 v34, v18  }
0xe6: {  	v37 =	vld [tilespmem:s25+$0xFFFFFFA0];
	v17 =	vsub.f32 v29, v33;
	v18, _, _ =	vpop (xrf2);
	v26 =	vadd.f32 v36, v26;
	[tilespmem:s20+$0x70] =	vst v23;
	v23 =	vmul.f32 v16, v16  }
0xe7: {  	v27 =	vld [tilespmem:s21+$0xFFFFFFB0];
	v59 =	vbroadcast v18, $0xF  }
0xe8: {  	v29 =	vld [tilespmem:s25+$0xFFFFFFB0];
	v18 =	vsub.f32 v30, v31;
	v31 =	vmul.f32 v17, v17;
	v26 =	vadd.f32 v23, v26  }
0xe9: {  	v30 =	vld [tilespmem:s21+$0xFFFFFFC0];
	[tilespmem:s20+$0x0] =	vst v24;
	v24 =	vmul.f32 v34, v19;
	v19 =	vsub.f32 v28, v32;
	(erf) = vrcp.f32 v59  }
0xea: {  	v60 =	vmul.f32 v34, v20;
	v21 =	vmul.f32 v34, v21;
	v28 =	vld [tilespmem:s25+$0xFFFFFFC0];
	v26 =	vadd.f32 v31, v26  }
0xeb: {  	v20 =	vsub.f32 v35, v37;
	[tilespmem:s20+$0x10] =	vst v38;
	v61 =	vmul.f32 v18, v18;
	v23 =	vld [tilespmem:s21+$0xFFFFFFD0];
	v62 =	vmul.f32 v19, v19  }
0xec: {  	v22 =	vmul.f32 v34, v22;
	[tilespmem:s20+$0x20] =	vst v24;
	v24 =	vld [tilespmem:s25+$0xFFFFFFD0];
	(xrf2) =	vadd.scan.msk.f32 $0xffff, v26  }
0xed: {  	[tilespmem:s20+$0x40] =	vst v21;
	v63 =	vmul.f32 v20, v20;
	v21 =	vsub.f32 v27, v29;
	v27 =	vld [tilespmem:s25+$0xFFFFFFE0];
	v29 =	vadd.f32 v61, v62  }
0xee: {  	[tilespmem:s20+$0x30] =	vst v60;
	v31 =	vmul.f32 v34, v25;
	v25 =	vld [tilespmem:s21+$0xFFFFFFE0]  }
0xef: {  	[tilespmem:s20+$0x50] =	vst v22;
	v22 =	vsub.f32 v30, v28;
	v30 =	vmul.f32 v21, v21;
	v28 =	vld [tilespmem:s25+$0xFFFFFFF0];
	v29 =	vadd.f32 v63, v29  }
0xf0: {  	s17 =	simm.s32 $0x680;
	s16 =	simm.s32 $0x2;
	v26 =	vld [tilespmem:s21+$0xFFFFFFF0];
	[tilespmem:s20+$0x60] =	vst v31  }
.LBB2_5:
0xf1: {  	v31 =	vld [tilespmem:s17+$0x60];
	v23 =	vsub.f32 v23, v24;
	v24 =	vadd.f32 v30, v29;
	v29 =	vmul.f32 v22, v22  }
0xf2: {  	s25 =	sadd.s32 $0x100, s25;
	v30 =	vld [tilespmem:s17+$0x0];
	v32 =	vpop (erf)  }
0xf3: {  	v33 =	vld [tilespmem:s25+$0x0];
	v25 =	vsub.f32 v25, v27;
	v24 =	vadd.f32 v29, v24;
	v27 =	vmul.f32 v23, v23  }
0xf4: {  	v32 =	vxor.u32 $0x80000000, v32;
	v29 =	vld [tilespmem:s17+$0x10]  }
0xf5: {  	s16 =	sadd.s32 $0x2, s16;
	v34 =	vld [tilespmem:s25+$0x10];
	v26 =	vsub.f32 v26, v28;
	v24 =	vadd.f32 v27, v24;
	v27 =	vmul.f32 v25, v25  }
0xf6: {  	p0 =	slt.u32 s16, $0x4E;
	v36 =	vmul.f32 v32, v5;
	v37 =	vmul.f32 v32, v2;
	v2 =	vmov v18;
	v28 =	vld [tilespmem:s17+$0x20];
	v35, _, _ =	vpop (xrf2)  }
0xf7: {  	v5 =	vmovc v19;
	v18 =	vld [tilespmem:s25+$0x20];
	v24 =	vadd.f32 v27, v24;
	v27 =	vmul.f32 v26, v26;
	v35 =	vbroadcast v35, $0xF  }
0xf8: {  	v38 =	vmul.f32 v32, v4;
	v4 =	vmovc v21;
	v19 =	vld [tilespmem:s17+$0x30];
	[tilespmem:s20+$0xFFFFFF80] =	vst v36;
	v36 =	vmul.f32 v32, v3;
	v3 =	vmov v20  }
0xf9: {  	v20 =	vld [tilespmem:s25+$0x30];
	v21 =	vadd.f32 v27, v24;
	(erf) = vrcp.f32 v35;
	[tilespmem:s20+$0xFFFFFF90] =	vst v37;
	v24 =	vmul.f32 v32, v6;
	v6 =	vmovc v22  }
0xfa: {  	v22 =	vsub.f32 v30, v33;
	v30 =	vmul.f32 v32, v7;
	v27 =	vsub.f32 v29, v34;
	v29 =	vld [tilespmem:s17+$0x40];
	[tilespmem:s20+$0xFFFFFFA0] =	vst v36  }
0xfb: {  	v7 =	vmovc v23;
	v33 =	vld [tilespmem:s25+$0x40];
	(xrf2) =	vadd.scan.msk.f32 $0xffff, v21;
	[tilespmem:s20+$0xFFFFFFB0] =	vst v38;
	v21 =	vmul.f32 v32, v8;
	v32 =	vmul.f32 v32, v11  }
0xfc: {  	v18 =	vsub.f32 v28, v18;
	v23 =	vld [tilespmem:s17+$0x50];
	v28 =	vmul.f32 v22, v22;
	v34 =	vmul.f32 v27, v27;
	[tilespmem:s20+$0xFFFFFFC0] =	vst v24  }
0xfd: {  	v8 =	vmov v25;
	v11 =	vmov v26;
	v24 =	vld [tilespmem:s25+$0x50];
	[tilespmem:s20+$0xFFFFFFD0] =	vst v30  }
0xfe: {  	v20 =	vsub.f32 v19, v20;
	v19 =	vld [tilespmem:s25+$0x60];
	v25 =	vadd.f32 v34, v28;
	v26 =	vmul.f32 v18, v18;
	[tilespmem:s20+$0xFFFFFFE0] =	vst v21  }
0xff: {  	v21 =	vld [tilespmem:s25+$0xFFFFFF80];
	[tilespmem:s20+$0xFFFFFFF0] =	vst v32;
	s20 =	smov.u32 s21;
	s21 =	smov.u32 s17  }
0x100: {  	v28 =	vsub.f32 v29, v33;
	v29 =	vld [tilespmem:s17+$0x70];
	v34 =	vadd.f32 v26, v25;
	v26 =	vmul.f32 v20, v20  }
0x101: {  	v30 =	vld [tilespmem:s25+$0x70]  }
0x102: {  	v32 =	vld [tilespmem:s17+$0xFFFFFF90];
	v33 =	vsub.f32 v23, v24;
	v23 =	vadd.f32 v26, v34;
	v24 =	vmul.f32 v28, v28;
	v25 =	vpop (erf)  }
0x103: {  	v26 =	vld [tilespmem:s25+$0xFFFFFF90];
	v31 =	vsub.f32 v31, v19;
	v25 =	vxor.u32 $0x80000000, v25  }
0x104: {  	v19 =	vld [tilespmem:s17+$0xFFFFFF80];
	v23 =	vadd.f32 v24, v23;
	v24 =	vmul.f32 v33, v33;
	v34 =	vmul.f32 v25, v17  }
0x105: {  	v36 =	vmul.f32 v25, v9;
	v37 =	vmul.f32 v25, v14;
	v9 =	vmov v22;
	v35 =	vld [tilespmem:s17+$0xFFFFFFA0];
	v14, _, _ =	vpop (xrf2)  }
0x106: {  	v22 =	vld [tilespmem:s25+$0xFFFFFFA0];
	v17 =	vsub.f32 v29, v30;
	v23 =	vadd.f32 v24, v23;
	v24 =	vmul.f32 v31, v31;
	[tilespmem:s20+$0x70] =	vst v34  }
0x107: {  	v30 =	vbroadcast v14, $0xF;
	v34 =	vmul.f32 v25, v10;
	v14 =	vmovc v27;
	v10 =	vmov v18;
	v29 =	vld [tilespmem:s17+$0xFFFFFFB0];
	[tilespmem:s20+$0x0] =	vst v36  }
0x108: {  	v18 =	vsub.f32 v32, v26;
	v26 =	vld [tilespmem:s25+$0xFFFFFFB0];
	v23 =	vadd.f32 v24, v23;
	v24 =	vmul.f32 v17, v17;
	[tilespmem:s20+$0x10] =	vst v37  }
0x109: {  	v19 =	vsub.f32 v19, v21;
	v32 =	vld [tilespmem:s17+$0xFFFFFFC0];
	[tilespmem:s20+$0x20] =	vst v34;
	v21 =	vmul.f32 v25, v12;
	(erf) = vrcp.f32 v30;
	v12 =	vmovc v20  }
0x10a: {  	v36 =	vmul.f32 v25, v13;
	v13 =	vmovc v28;
	v30 =	vld [tilespmem:s25+$0xFFFFFFC0];
	v27 =	vmul.f32 v18, v18;
	v34 =	vadd.f32 v24, v23  }
0x10b: {  	v28 =	vmul.f32 v25, v15;
	v20 =	vsub.f32 v35, v22;
	v23 =	vld [tilespmem:s17+$0xFFFFFFD0];
	v22 =	vmul.f32 v19, v19;
	[tilespmem:s20+$0x30] =	vst v21  }
.Ltmp1:
0x10c: {  	v15 =	vmovc v33;
	v24 =	vld [tilespmem:s25+$0xFFFFFFD0];
	(xrf2) =	vadd.scan.msk.f32 $0xffff, v34;
	[tilespmem:s20+$0x40] =	vst v36;
	v34 =	vmul.f32 v25, v16;
	v16 =	vmov v31;
	(pc) =	sbr.rel @p0 .LBB2_5-.Ltmp1, $4  }
0x10d: {  	v21 =	vsub.f32 v29, v26;
	v25 =	vld [tilespmem:s17+$0xFFFFFFE0];
	v29 =	vadd.f32 v27, v22;
	v31 =	vmul.f32 v20, v20;
	[tilespmem:s20+$0x50] =	vst v28  }
0x10e: {  	v27 =	vld [tilespmem:s25+$0xFFFFFFE0];
	[tilespmem:s20+$0x60] =	vst v34  }
0x10f: {  	v22 =	vsub.f32 v32, v30;
	v26 =	vld [tilespmem:s17+$0xFFFFFFF0];
	v29 =	vadd.f32 v31, v29;
	v30 =	vmul.f32 v21, v21  }
0x110: {  	s17 =	sadd.s32 $0x100, s17;
	v28 =	vld [tilespmem:s25+$0xFFFFFFF0]  }
0x111: {  	v23 =	vsub.f32 v23, v24;
	v24 =	vadd.f32 v30, v29;
	v29 =	vmul.f32 v22, v22;
	_ =	sdelay $0x1  }
0x112: {  	v25 =	vsub.f32 v25, v27;
	v24 =	vadd.f32 v29, v24;
	v27 =	vmul.f32 v23, v23;
	_ =	sdelay $0x1  }
0x113: {  	v26 =	vsub.f32 v26, v28;
	v24 =	vadd.f32 v27, v24;
	v27 =	vmul.f32 v25, v25;
	_ =	sdelay $0x1  }
0x114: {  	v24 =	vadd.f32 v27, v24;
	v27 =	vmul.f32 v26, v26;
	_ =	sdelay $0x1  }
0x115: {  	v24 =	vadd.f32 v27, v24;
	_ =	sdelay $0x3  }
0x116: {  	(xrf2) =	vadd.scan.msk.f32 $0xffff, v24;
	v24, _, _ =	vpop (xrf2)  }
0x117: {  	v24 =	vbroadcast v24, $0xF;
	_ =	sdelay $0x3  }
0x118: {  	(erf) = vrcp.f32 v24;
	v24 =	vpop (erf)  }
0x119: {  	v24 =	vxor.u32 $0x80000000, v24  }
0x11a: {  	v5 =	vmul.f32 v24, v5;
	_ =	sdelay $0x2  }
0x11b: {  	v2 =	vmul.f32 v24, v2  }
0x11c: {  	[tilespmem:s20+$0xFFFFFF80] =	vst v5;
	v5, _, _ =	vpop (xrf2)  }
0x11d: {  	v3 =	vmul.f32 v24, v3;
	[tilespmem:s20+$0xFFFFFF90] =	vst v2;
	v2 =	vbroadcast v5, $0xF  }
0x11e: {  	v4 =	vmul.f32 v24, v4  }
0x11f: {  	[tilespmem:s20+$0xFFFFFFA0] =	vst v3;
	v3 =	vmul.f32 v24, v7  }
0x120: {  	[tilespmem:s20+$0xFFFFFFB0] =	vst v4;
	v5 =	vmul.f32 v24, v6;
	(erf) = vrcp.f32 v2  }
0x121: {  	v4 =	vmul.f32 v24, v8;
	[tilespmem:s20+$0xFFFFFFD0] =	vst v3;
	v2 =	vpop (erf)  }
0x122: {  	[tilespmem:s20+$0xFFFFFFC0] =	vst v5;
	v5 =	vmul.f32 v24, v11;
	v2 =	vxor.u32 $0x80000000, v2  }
0x123: {  	[tilespmem:s20+$0xFFFFFFE0] =	vst v4;
	v3 =	vmul.f32 v2, v17  }
0x124: {  	[tilespmem:s20+$0xFFFFFFF0] =	vst v5;
	v4 =	vmul.f32 v2, v9  }
0x125: {  	v5 =	vmul.f32 v2, v14;
	[tilespmem:s21+$0x70] =	vst v3  }
0x126: {  	[tilespmem:s21+$0x0] =	vst v4;
	v3 =	vmul.f32 v2, v10  }
0x127: {  	[tilespmem:s21+$0x10] =	vst v5;
	v4 =	vmul.f32 v2, v12  }
0x128: {  	[tilespmem:s21+$0x20] =	vst v3;
	v3 =	vmul.f32 v2, v13  }
0x129: {  	[tilespmem:s21+$0x30] =	vst v4;
	v4 =	vmul.f32 v2, v15;
	v5 =	vpop (erf)  }
0x12a: {  	v2 =	vmul.f32 v2, v16;
	[tilespmem:s21+$0x40] =	vst v3;
	v3 =	vxor.u32 $0x80000000, v5  }
0x12b: {  	[tilespmem:s21+$0x50] =	vst v4;
	v4 =	vmul.f32 v3, v19  }
0x12c: {  	[tilespmem:s21+$0x60] =	vst v2;
	v2 =	vmul.f32 v3, v18  }
0x12d: {  	v5 =	vmul.f32 v3, v21;
	[tilespmem:s21+$0xFFFFFF80] =	vst v4  }
0x12e: {  	v4 =	vmul.f32 v3, v20;
	[tilespmem:s21+$0xFFFFFF90] =	vst v2  }
0x12f: {  	v2 =	vmul.f32 v3, v22;
	[tilespmem:s21+$0xFFFFFFB0] =	vst v5  }
0x130: {  	v5 =	vmul.f32 v3, v25;
	[tilespmem:s21+$0xFFFFFFA0] =	vst v4  }
0x131: {  	v4 =	vmul.f32 v3, v23;
	[tilespmem:s21+$0xFFFFFFC0] =	vst v2  }
0x132: {  	v2 =	vmul.f32 v3, v26;
	[tilespmem:s21+$0xFFFFFFE0] =	vst v5  }
0x133: {  	[tilespmem:s21+$0xFFFFFFD0] =	vst v4  }
0x134: {  	[tilespmem:s21+$0xFFFFFFF0] =	vst v2  }
0x135: {  	[spmem:s4] =	stream.indirect.scatter.add.f32 [tilespmem:s29], [sflag:$0x7], $0x80, s3, s1, $0xb8;
	[tilespmem:$0x1E980] =	vst v63  }
0x136: {  	_ = 	snop  }
0x137: {  	[spmem:s5] =	stream.indirect.scatter.add.f32 [tilespmem:s22], [sflag:$0x7], $0x1, s3, s1, $0xb8;
	[tilespmem:$0x1E980] =	vst v63  }
0x138: {  	_ =	swait.ge [sflag:s23], $0x2800  }
0x139: {  	[sflag:s23] =	ssyncset.done $0x0  }
0x13a: {  	[sflag:s23] =	ssyncadd.s32 $0xFFFFD800  }
0x13b: {  	_ =	swait.ge [sflag:s23], $0x2800  }
0x13c: {  	[sflag:s23] =	ssyncset.done $0x0  }
0x13d: {  	[sflag:s23] =	ssyncadd.s32 $0xFFFFD800  }
0x13e: {  	_ =	swait.ge [sflag:s24], $0x2800  }
0x13f: {  	[sflag:s24] =	ssyncset.done $0x0  }
0x140: {  	[sflag:s24] =	ssyncadd.s32 $0xFFFFD800  }
0x141: {  	_ =	swait.ge [sflag:s24], $0x50  }
0x142: {  	[sflag:s24] =	ssyncset.done $0x0  }
0x143: {  	[sflag:s24] =	ssyncadd.s32 $0xFFFFFFB0  }
0x144: {  	_ =	swait.ge [sflag:s26], $0x50  }
0x145: {  	[sflag:s26] =	ssyncset.done $0x0  }
0x146: {  	[sflag:s26] =	ssyncadd.s32 $0xFFFFFFB0  }
0x147: {  	_ =	swait.ge [sflag:s26], $0x50  }
0x148: {  	[sflag:s26] =	ssyncset.done $0x0  }
0x149: {  	s16 =	simm.s32 $0x200;
	s21 =	rddreg [dreg:$0x17];
	[sflag:s26] =	ssyncadd.s32 $0xFFFFFFB0  }
0x14a: {  	[tilespmem:s29], [sflag:$0x1] =	stream.indirect.gather [hbm4b:s0+s1], $0x80, s16, s1, $0xb8;
	[tilespmem:$0x1E980] =	vst v63  }
0x14b: {  	s16 =	sadd.s32 s21, s19  }
0x14c: {  	s16 =	sshrl.u32 s16, $0x3  }
0x14d: {  	[tilespmem:s9], [sflag:$0x1] =	stream.indirect.gather [hbm4b:s0+s1], $0x80, s18, s1, $0xb8;
	[tilespmem:$0x1E980] =	vst v63  }
0x14e: {  	s17 =	sadd.s32 s7, s16  }
0x14f: {  	[tilespmem:s28], [sflag:$0x6] =	stream.linear.gather [hbm4b:s17+s6], $0x50, $0x38;
	[tilespmem:$0x1E980] =	vst v63  }
0x150: {  	s20 =	simm.s32 $0x5480;
	s16 =	sadd.s32 s2, s16  }
0x151: {  	[tilespmem:s14], [sflag:$0x6] =	stream.linear.gather [hbm4b:s16+s6], $0x50, $0x38;
	[tilespmem:$0x1E980] =	vst v63  }
0x152: {  	v2 =	vld [tilespmem:s20+$0x60]  }
0x153: {  	s25 =	simm.s32 $0x7C80;
	v3 =	vld [tilespmem:s20+$0x0]  }
0x154: {  	v4 =	vld [tilespmem:s25+$0x0]  }
0x155: {  	v5 =	vld [tilespmem:s20+$0x10]  }
0x156: {  	v6 =	vld [tilespmem:s25+$0x10]  }
0x157: {  	v7 =	vld [tilespmem:s20+$0x20]  }
0x158: {  	v8 =	vld [tilespmem:s25+$0x20]  }
0x159: {  	v9 =	vld [tilespmem:s20+$0x30]  }
0x15a: {  	v10 =	vld [tilespmem:s25+$0x30]  }
0x15b: {  	v11 =	vld [tilespmem:s20+$0x40];
	v17 =	vsub.f32 v3, v4;
	v18 =	vsub.f32 v5, v6  }
0x15c: {  	v12 =	vld [tilespmem:s25+$0x40]  }
0x15d: {  	v13 =	vld [tilespmem:s20+$0x50];
	v19 =	vsub.f32 v7, v8;
	v5 =	vmul.f32 v17, v17;
	v6 =	vmul.f32 v18, v18  }
0x15e: {  	v3 =	vld [tilespmem:s25+$0x50]  }
0x15f: {  	v4 =	vld [tilespmem:s25+$0x60];
	v20 =	vsub.f32 v9, v10;
	v5 =	vadd.f32 v6, v5;
	v6 =	vmul.f32 v19, v19  }
0x160: {  	v7 =	vld [tilespmem:s25+$0xFFFFFF80]  }
0x161: {  	v8 =	vld [tilespmem:s20+$0x70];
	v21 =	vsub.f32 v11, v12;
	v5 =	vadd.f32 v6, v5;
	v6 =	vmul.f32 v20, v20  }
0x162: {  	v9 =	vld [tilespmem:s25+$0x70]  }
0x163: {  	v10 =	vld [tilespmem:s20+$0xFFFFFF90];
	v22 =	vsub.f32 v13, v3;
	v3 =	vadd.f32 v6, v5;
	v5 =	vmul.f32 v21, v21  }
0x164: {  	v11 =	vld [tilespmem:s25+$0xFFFFFF90]  }
0x165: {  	v12 =	vld [tilespmem:s20+$0xFFFFFF80];
	v25 =	vsub.f32 v2, v4;
	v2 =	vadd.f32 v5, v3;
	v3 =	vmul.f32 v22, v22  }
0x166: {  	v13 =	vld [tilespmem:s25+$0xFFFFFFA0]  }
0x167: {  	v23 =	vsub.f32 v8, v9;
	v6 =	vld [tilespmem:s20+$0xFFFFFFA0];
	v5 =	vmul.f32 v25, v25;
	v3 =	vadd.f32 v3, v2  }
0x168: {  	v14 =	vld [tilespmem:s25+$0xFFFFFFB0]  }
0x169: {  	v4 =	vld [tilespmem:s20+$0xFFFFFFB0];
	v2 =	vsub.f32 v10, v11;
	v10 =	vmul.f32 v23, v23;
	v3 =	vadd.f32 v5, v3  }
0x16a: {  	v8 =	vld [tilespmem:s20+$0xFFFFFFC0];
	v5 =	vsub.f32 v12, v7  }
0x16b: {  	v9 =	vld [tilespmem:s25+$0xFFFFFFC0];
	v10 =	vadd.f32 v10, v3  }
0x16c: {  	v7 =	vld [tilespmem:s20+$0xFFFFFFD0];
	v11 =	vmul.f32 v2, v2;
	v3 =	vsub.f32 v6, v13;
	v6 =	vmul.f32 v5, v5  }
0x16d: {  	v12 =	vld [tilespmem:s25+$0xFFFFFFD0];
	(xrf2) =	vadd.scan.msk.f32 $0xffff, v10  }
0x16e: {  	v15 =	vld [tilespmem:s25+$0xFFFFFFE0];
	v4 =	vsub.f32 v4, v14;
	v10 =	vadd.f32 v11, v6;
	v11 =	vmul.f32 v3, v3  }
0x16f: {  	v13 =	vld [tilespmem:s20+$0xFFFFFFE0]  }
0x170: {  	v16 =	vld [tilespmem:s25+$0xFFFFFFF0];
	v6 =	vsub.f32 v8, v9;
	v9 =	vmul.f32 v4, v4;
	v8 =	vadd.f32 v11, v10  }
0x171: {  	s21 =	simm.s32 $0x5580;
	v14 =	vld [tilespmem:s20+$0xFFFFFFF0]  }
0x172: {  	v26 =	vld [tilespmem:s21+$0x10];
	v7 =	vsub.f32 v7, v12;
	v11 =	vmul.f32 v6, v6;
	v9 =	vadd.f32 v9, v8  }
0x173: {  	v27 =	vld [tilespmem:s21+$0x20];
	s25 =	simm.s32 $0x7D80  }
0x174: {  	v12 =	vld [tilespmem:s25+$0x0];
	v8 =	vsub.f32 v13, v15;
	v13 =	vmul.f32 v7, v7;
	v9 =	vadd.f32 v11, v9  }
0x175: {  	v10 =	vld [tilespmem:s21+$0x0]  }
0x176: {  	v15 =	vld [tilespmem:s25+$0x10];
	v11 =	vsub.f32 v14, v16;
	v9 =	vadd.f32 v13, v9;
	v13 =	vmul.f32 v8, v8  }
0x177: {  	v28 =	vld [tilespmem:s21+$0x30];
	v14, _, _ =	vpop (xrf2)  }
0x178: {  	v16 =	vld [tilespmem:s25+$0x20];
	v9 =	vadd.f32 v13, v9;
	v13 =	vmul.f32 v11, v11;
	v14 =	vbroadcast v14, $0xF  }
0x179: {  	v30 =	vld [tilespmem:s21+$0x40]  }
0x17a: {  	v29 =	vld [tilespmem:s25+$0x30];
	v13 =	vadd.f32 v13, v9;
	(erf) = vrcp.f32 v14  }
0x17b: {  	v31 =	vld [tilespmem:s25+$0x40];
	v9 =	vsub.f32 v10, v12;
	v14 =	vsub.f32 v26, v15  }
0x17c: {  	v15 =	vld [tilespmem:s21+$0x50]  }
0x17d: {  	v10 =	vsub.f32 v27, v16;
	v26 =	vld [tilespmem:s25+$0x50];
	(xrf2) =	vadd.scan.msk.f32 $0xffff, v13;
	v13 =	vmul.f32 v9, v9;
	v16 =	vmul.f32 v14, v14  }
0x17e: {  	v24 =	vld [tilespmem:s21+$0x60]  }
0x17f: {  	v32 =	vld [tilespmem:s25+$0xFFFFFF80];
	v12 =	vsub.f32 v28, v29;
	v28 =	vmul.f32 v10, v10;
	v16 =	vadd.f32 v16, v13  }
0x180: {  	v27 =	vld [tilespmem:s25+$0x60]  }
0x181: {  	v33 =	vld [tilespmem:s25+$0x70];
	v13 =	vsub.f32 v30, v31;
	v16 =	vadd.f32 v28, v16;
	v28 =	vmul.f32 v12, v12  }
0x182: {  	v29 =	vld [tilespmem:s21+$0x70];
	v15 =	vsub.f32 v15, v26  }
0x183: {  	v30 =	vld [tilespmem:s21+$0xFFFFFF90];
	v26 =	vmul.f32 v13, v13;
	v16 =	vadd.f32 v28, v16;
	v34 =	vpop (erf)  }
0x184: {  	v31 =	vld [tilespmem:s25+$0xFFFFFF90];
	v36 =	vmul.f32 v15, v15;
	v34 =	vxor.u32 $0x80000000, v34  }
0x185: {  	v28 =	vld [tilespmem:s21+$0xFFFFFF80];
	v26 =	vadd.f32 v26, v16;
	v16 =	vsub.f32 v24, v27;
	v23 =	vmul.f32 v34, v23  }
0x186: {  	v35 =	vld [tilespmem:s21+$0xFFFFFFA0];
	v24 =	vmul.f32 v34, v17;
	v38 =	vmul.f32 v34, v18  }
0x187: {  	v37 =	vld [tilespmem:s25+$0xFFFFFFA0];
	v17 =	vsub.f32 v29, v33;
	v18, _, _ =	vpop (xrf2);
	v26 =	vadd.f32 v36, v26;
	[tilespmem:s20+$0x70] =	vst v23;
	v23 =	vmul.f32 v16, v16  }
0x188: {  	v27 =	vld [tilespmem:s21+$0xFFFFFFB0];
	v59 =	vbroadcast v18, $0xF  }
0x189: {  	v29 =	vld [tilespmem:s25+$0xFFFFFFB0];
	v18 =	vsub.f32 v30, v31;
	v31 =	vmul.f32 v17, v17;
	v26 =	vadd.f32 v23, v26  }
0x18a: {  	v30 =	vld [tilespmem:s21+$0xFFFFFFC0];
	[tilespmem:s20+$0x0] =	vst v24;
	v24 =	vmul.f32 v34, v19;
	v19 =	vsub.f32 v28, v32;
	(erf) = vrcp.f32 v59  }
0x18b: {  	v60 =	vmul.f32 v34, v20;
	v21 =	vmul.f32 v34, v21;
	v28 =	vld [tilespmem:s25+$0xFFFFFFC0];
	v26 =	vadd.f32 v31, v26  }
0x18c: {  	v20 =	vsub.f32 v35, v37;
	[tilespmem:s20+$0x10] =	vst v38;
	v61 =	vmul.f32 v18, v18;
	v23 =	vld [tilespmem:s21+$0xFFFFFFD0];
	v62 =	vmul.f32 v19, v19  }
0x18d: {  	v22 =	vmul.f32 v34, v22;
	[tilespmem:s20+$0x20] =	vst v24;
	v24 =	vld [tilespmem:s25+$0xFFFFFFD0];
	(xrf2) =	vadd.scan.msk.f32 $0xffff, v26  }
0x18e: {  	[tilespmem:s20+$0x40] =	vst v21;
	v63 =	vmul.f32 v20, v20;
	v21 =	vsub.f32 v27, v29;
	v27 =	vld [tilespmem:s25+$0xFFFFFFE0];
	v29 =	vadd.f32 v61, v62  }
0x18f: {  	[tilespmem:s20+$0x30] =	vst v60;
	v31 =	vmul.f32 v34, v25;
	v25 =	vld [tilespmem:s21+$0xFFFFFFE0]  }
0x190: {  	[tilespmem:s20+$0x50] =	vst v22;
	v22 =	vsub.f32 v30, v28;
	v30 =	vmul.f32 v21, v21;
	v28 =	vld [tilespmem:s25+$0xFFFFFFF0];
	v29 =	vadd.f32 v63, v29  }
0x191: {  	s17 =	simm.s32 $0x5680;
	s16 =	simm.s32 $0x2;
	v26 =	vld [tilespmem:s21+$0xFFFFFFF0];
	[tilespmem:s20+$0x60] =	vst v31  }
.LBB2_7:
0x192: {  	v31 =	vld [tilespmem:s17+$0x60];
	v23 =	vsub.f32 v23, v24;
	v24 =	vadd.f32 v30, v29;
	v29 =	vmul.f32 v22, v22  }
0x193: {  	s25 =	sadd.s32 $0x100, s25;
	v30 =	vld [tilespmem:s17+$0x0];
	v32 =	vpop (erf)  }
0x194: {  	v33 =	vld [tilespmem:s25+$0x0];
	v25 =	vsub.f32 v25, v27;
	v24 =	vadd.f32 v29, v24;
	v27 =	vmul.f32 v23, v23  }
0x195: {  	v32 =	vxor.u32 $0x80000000, v32;
	v29 =	vld [tilespmem:s17+$0x10]  }
0x196: {  	s16 =	sadd.s32 $0x2, s16;
	v34 =	vld [tilespmem:s25+$0x10];
	v26 =	vsub.f32 v26, v28;
	v24 =	vadd.f32 v27, v24;
	v27 =	vmul.f32 v25, v25  }
0x197: {  	p0 =	slt.u32 s16, $0x4E;
	v36 =	vmul.f32 v32, v5;
	v37 =	vmul.f32 v32, v2;
	v2 =	vmov v18;
	v28 =	vld [tilespmem:s17+$0x20];
	v35, _, _ =	vpop (xrf2)  }
0x198: {  	v5 =	vmovc v19;
	v18 =	vld [tilespmem:s25+$0x20];
	v24 =	vadd.f32 v27, v24;
	v27 =	vmul.f32 v26, v26;
	v35 =	vbroadcast v35, $0xF  }
0x199: {  	v38 =	vmul.f32 v32, v4;
	v4 =	vmovc v21;
	v19 =	vld [tilespmem:s17+$0x30];
	[tilespmem:s20+$0xFFFFFF80] =	vst v36;
	v36 =	vmul.f32 v32, v3;
	v3 =	vmov v20  }
0x19a: {  	v20 =	vld [tilespmem:s25+$0x30];
	v21 =	vadd.f32 v27, v24;
	(erf) = vrcp.f32 v35;
	[tilespmem:s20+$0xFFFFFF90] =	vst v37;
	v24 =	vmul.f32 v32, v6;
	v6 =	vmovc v22  }
0x19b: {  	v22 =	vsub.f32 v30, v33;
	v30 =	vmul.f32 v32, v7;
	v27 =	vsub.f32 v29, v34;
	v29 =	vld [tilespmem:s17+$0x40];
	[tilespmem:s20+$0xFFFFFFA0] =	vst v36  }
0x19c: {  	v7 =	vmovc v23;
	v33 =	vld [tilespmem:s25+$0x40];
	(xrf2) =	vadd.scan.msk.f32 $0xffff, v21;
	[tilespmem:s20+$0xFFFFFFB0] =	vst v38;
	v21 =	vmul.f32 v32, v8;
	v32 =	vmul.f32 v32, v11  }
0x19d: {  	v18 =	vsub.f32 v28, v18;
	v23 =	vld [tilespmem:s17+$0x50];
	v28 =	vmul.f32 v22, v22;
	v34 =	vmul.f32 v27, v27;
	[tilespmem:s20+$0xFFFFFFC0] =	vst v24  }
0x19e: {  	v8 =	vmov v25;
	v11 =	vmov v26;
	v24 =	vld [tilespmem:s25+$0x50];
	[tilespmem:s20+$0xFFFFFFD0] =	vst v30  }
0x19f: {  	v20 =	vsub.f32 v19, v20;
	v19 =	vld [tilespmem:s25+$0x60];
	v25 =	vadd.f32 v34, v28;
	v26 =	vmul.f32 v18, v18;
	[tilespmem:s20+$0xFFFFFFE0] =	vst v21  }
0x1a0: {  	v21 =	vld [tilespmem:s25+$0xFFFFFF80];
	[tilespmem:s20+$0xFFFFFFF0] =	vst v32;
	s20 =	smov.u32 s21;
	s21 =	smov.u32 s17  }
0x1a1: {  	v28 =	vsub.f32 v29, v33;
	v29 =	vld [tilespmem:s17+$0x70];
	v34 =	vadd.f32 v26, v25;
	v26 =	vmul.f32 v20, v20  }
0x1a2: {  	v30 =	vld [tilespmem:s25+$0x70]  }
0x1a3: {  	v32 =	vld [tilespmem:s17+$0xFFFFFF90];
	v33 =	vsub.f32 v23, v24;
	v23 =	vadd.f32 v26, v34;
	v24 =	vmul.f32 v28, v28;
	v25 =	vpop (erf)  }
0x1a4: {  	v26 =	vld [tilespmem:s25+$0xFFFFFF90];
	v31 =	vsub.f32 v31, v19;
	v25 =	vxor.u32 $0x80000000, v25  }
0x1a5: {  	v19 =	vld [tilespmem:s17+$0xFFFFFF80];
	v23 =	vadd.f32 v24, v23;
	v24 =	vmul.f32 v33, v33;
	v34 =	vmul.f32 v25, v17  }
0x1a6: {  	v36 =	vmul.f32 v25, v9;
	v37 =	vmul.f32 v25, v14;
	v9 =	vmov v22;
	v35 =	vld [tilespmem:s17+$0xFFFFFFA0];
	v14, _, _ =	vpop (xrf2)  }
0x1a7: {  	v22 =	vld [tilespmem:s25+$0xFFFFFFA0];
	v17 =	vsub.f32 v29, v30;
	v23 =	vadd.f32 v24, v23;
	v24 =	vmul.f32 v31, v31;
	[tilespmem:s20+$0x70] =	vst v34  }
0x1a8: {  	v30 =	vbroadcast v14, $0xF;
	v34 =	vmul.f32 v25, v10;
	v14 =	vmovc v27;
	v10 =	vmov v18;
	v29 =	vld [tilespmem:s17+$0xFFFFFFB0];
	[tilespmem:s20+$0x0] =	vst v36  }
0x1a9: {  	v18 =	vsub.f32 v32, v26;
	v26 =	vld [tilespmem:s25+$0xFFFFFFB0];
	v23 =	vadd.f32 v24, v23;
	v24 =	vmul.f32 v17, v17;
	[tilespmem:s20+$0x10] =	vst v37  }
0x1aa: {  	v19 =	vsub.f32 v19, v21;
	v32 =	vld [tilespmem:s17+$0xFFFFFFC0];
	[tilespmem:s20+$0x20] =	vst v34;
	v21 =	vmul.f32 v25, v12;
	(erf) = vrcp.f32 v30;
	v12 =	vmovc v20  }
0x1ab: {  	v36 =	vmul.f32 v25, v13;
	v13 =	vmovc v28;
	v30 =	vld [tilespmem:s25+$0xFFFFFFC0];
	v27 =	vmul.f32 v18, v18;
	v34 =	vadd.f32 v24, v23  }
0x1ac: {  	v28 =	vmul.f32 v25, v15;
	v20 =	vsub.f32 v35, v22;
	v23 =	vld [tilespmem:s17+$0xFFFFFFD0];
	v22 =	vmul.f32 v19, v19;
	[tilespmem:s20+$0x30] =	vst v21  }
.Ltmp2:
0x1ad: {  	v15 =	vmovc v33;
	v24 =	vld [tilespmem:s25+$0xFFFFFFD0];
	(xrf2) =	vadd.scan.msk.f32 $0xffff, v34;
	[tilespmem:s20+$0x40] =	vst v36;
	v34 =	vmul.f32 v25, v16;
	v16 =	vmov v31;
	(pc) =	sbr.rel @p0 .LBB2_7-.Ltmp2, $4  }
0x1ae: {  	v21 =	vsub.f32 v29, v26;
	v25 =	vld [tilespmem:s17+$0xFFFFFFE0];
	v29 =	vadd.f32 v27, v22;
	v31 =	vmul.f32 v20, v20;
	[tilespmem:s20+$0x50] =	vst v28  }
0x1af: {  	v27 =	vld [tilespmem:s25+$0xFFFFFFE0];
	[tilespmem:s20+$0x60] =	vst v34  }
0x1b0: {  	v22 =	vsub.f32 v32, v30;
	v26 =	vld [tilespmem:s17+$0xFFFFFFF0];
	v29 =	vadd.f32 v31, v29;
	v30 =	vmul.f32 v21, v21  }
0x1b1: {  	s17 =	sadd.s32 $0x100, s17;
	v28 =	vld [tilespmem:s25+$0xFFFFFFF0]  }
0x1b2: {  	v23 =	vsub.f32 v23, v24;
	v24 =	vadd.f32 v30, v29;
	v29 =	vmul.f32 v22, v22;
	_ =	sdelay $0x1  }
0x1b3: {  	v25 =	vsub.f32 v25, v27;
	v24 =	vadd.f32 v29, v24;
	v27 =	vmul.f32 v23, v23;
	_ =	sdelay $0x1  }
0x1b4: {  	v26 =	vsub.f32 v26, v28;
	v24 =	vadd.f32 v27, v24;
	v27 =	vmul.f32 v25, v25;
	_ =	sdelay $0x1  }
0x1b5: {  	v24 =	vadd.f32 v27, v24;
	v27 =	vmul.f32 v26, v26;
	_ =	sdelay $0x1  }
0x1b6: {  	v24 =	vadd.f32 v27, v24;
	_ =	sdelay $0x3  }
0x1b7: {  	(xrf2) =	vadd.scan.msk.f32 $0xffff, v24;
	v24, _, _ =	vpop (xrf2)  }
0x1b8: {  	v24 =	vbroadcast v24, $0xF;
	_ =	sdelay $0x3  }
0x1b9: {  	(erf) = vrcp.f32 v24;
	v24 =	vpop (erf)  }
0x1ba: {  	v24 =	vxor.u32 $0x80000000, v24  }
0x1bb: {  	v5 =	vmul.f32 v24, v5;
	_ =	sdelay $0x2  }
0x1bc: {  	v2 =	vmul.f32 v24, v2  }
0x1bd: {  	[tilespmem:s20+$0xFFFFFF80] =	vst v5;
	v5, _, _ =	vpop (xrf2)  }
0x1be: {  	v3 =	vmul.f32 v24, v3;
	[tilespmem:s20+$0xFFFFFF90] =	vst v2;
	v2 =	vbroadcast v5, $0xF  }
0x1bf: {  	v4 =	vmul.f32 v24, v4  }
0x1c0: {  	[tilespmem:s20+$0xFFFFFFA0] =	vst v3;
	v3 =	vmul.f32 v24, v7  }
0x1c1: {  	[tilespmem:s20+$0xFFFFFFB0] =	vst v4;
	v5 =	vmul.f32 v24, v6;
	(erf) = vrcp.f32 v2  }
0x1c2: {  	v4 =	vmul.f32 v24, v8;
	[tilespmem:s20+$0xFFFFFFD0] =	vst v3;
	v2 =	vpop (erf)  }
0x1c3: {  	[tilespmem:s20+$0xFFFFFFC0] =	vst v5;
	v5 =	vmul.f32 v24, v11;
	v2 =	vxor.u32 $0x80000000, v2  }
0x1c4: {  	[tilespmem:s20+$0xFFFFFFE0] =	vst v4;
	v3 =	vmul.f32 v2, v17  }
0x1c5: {  	[tilespmem:s20+$0xFFFFFFF0] =	vst v5;
	v4 =	vmul.f32 v2, v9  }
0x1c6: {  	v5 =	vmul.f32 v2, v14;
	[tilespmem:s21+$0x70] =	vst v3  }
0x1c7: {  	[tilespmem:s21+$0x0] =	vst v4;
	v3 =	vmul.f32 v2, v10  }
0x1c8: {  	[tilespmem:s21+$0x10] =	vst v5;
	v4 =	vmul.f32 v2, v12  }
0x1c9: {  	[tilespmem:s21+$0x20] =	vst v3;
	v3 =	vmul.f32 v2, v13  }
0x1ca: {  	[tilespmem:s21+$0x30] =	vst v4;
	v4 =	vmul.f32 v2, v15;
	v5 =	vpop (erf)  }
0x1cb: {  	v2 =	vmul.f32 v2, v16;
	[tilespmem:s21+$0x40] =	vst v3;
	v3 =	vxor.u32 $0x80000000, v5  }
0x1cc: {  	[tilespmem:s21+$0x50] =	vst v4;
	v4 =	vmul.f32 v3, v19  }
0x1cd: {  	[tilespmem:s21+$0x60] =	vst v2;
	v2 =	vmul.f32 v3, v18  }
0x1ce: {  	v5 =	vmul.f32 v3, v21;
	[tilespmem:s21+$0xFFFFFF80] =	vst v4  }
0x1cf: {  	v4 =	vmul.f32 v3, v20;
	[tilespmem:s21+$0xFFFFFF90] =	vst v2  }
0x1d0: {  	v2 =	vmul.f32 v3, v22;
	[tilespmem:s21+$0xFFFFFFB0] =	vst v5  }
0x1d1: {  	v5 =	vmul.f32 v3, v25;
	[tilespmem:s21+$0xFFFFFFA0] =	vst v4  }
0x1d2: {  	v4 =	vmul.f32 v3, v23;
	[tilespmem:s21+$0xFFFFFFC0] =	vst v2  }
0x1d3: {  	v2 =	vmul.f32 v3, v26;
	[tilespmem:s21+$0xFFFFFFE0] =	vst v5  }
0x1d4: {  	[tilespmem:s21+$0xFFFFFFD0] =	vst v4  }
0x1d5: {  	[tilespmem:s21+$0xFFFFFFF0] =	vst v2  }
0x1d6: {  	[spmem:s4] =	stream.indirect.scatter.add.f32 [tilespmem:s15], [sflag:$0x8], $0x80, s11, s1, $0xb8;
	[tilespmem:$0x1E980] =	vst v63  }
0x1d7: {  	_ = 	snop  }
0x1d8: {  	[spmem:s5] =	stream.indirect.scatter.add.f32 [tilespmem:s22], [sflag:$0x8], $0x1, s11, s1, $0xb8;
	[tilespmem:$0x1E980] =	vst v63  }
0x1d9: {  	_ =	swait.ge [sflag:s12], $0x2800  }
0x1da: {  	[sflag:s12] =	ssyncset.done $0x0  }
0x1db: {  	[sflag:s12] =	ssyncadd.s32 $0xFFFFD800  }
0x1dc: {  	_ =	swait.ge [sflag:s12], $0x2800  }
0x1dd: {  	[sflag:s12] =	ssyncset.done $0x0  }
0x1de: {  	[sflag:s12] =	ssyncadd.s32 $0xFFFFD800  }
0x1df: {  	_ =	swait.ge [sflag:s8], $0x2800  }
0x1e0: {  	[sflag:s8] =	ssyncset.done $0x0  }
0x1e1: {  	[sflag:s8] =	ssyncadd.s32 $0xFFFFD800  }
0x1e2: {  	_ =	swait.ge [sflag:s8], $0x50  }
0x1e3: {  	[sflag:s8] =	ssyncset.done $0x0  }
0x1e4: {  	[sflag:s8] =	ssyncadd.s32 $0xFFFFFFB0  }
0x1e5: {  	_ =	swait.ge [sflag:s30], $0x50  }
0x1e6: {  	[sflag:s30] =	ssyncset.done $0x0  }
0x1e7: {  	[sflag:s30] =	ssyncadd.s32 $0xFFFFFFB0  }
0x1e8: {  	_ =	swait.ge [sflag:s30], $0x50  }
0x1e9: {  	[sflag:s30] =	ssyncset.done $0x0  }
0x1ea: {  	[sflag:s30] =	ssyncadd.s32 $0xFFFFFFB0  }
0x1eb: {  	[tilespmem:s15], [sflag:$0x2] =	stream.indirect.gather [hbm4b:s0+s1], $0x80, s28, s1, $0xb8;
	[tilespmem:$0x1E980] =	vst v63  }
0x1ec: {  	s16 =	simm.s32 $0x7C00;
	s21 =	rddreg [dreg:$0x12]  }
0x1ed: {  	[tilespmem:s16], [sflag:$0x2] =	stream.indirect.gather [hbm4b:s0+s1], $0x80, s14, s1, $0xb8;
	[tilespmem:$0x1E980] =	vst v63  }
0x1ee: {  	s16 =	sadd.s32 s19, s21  }
0x1ef: {  	s16 =	sshrl.u32 s16, $0x3  }
0x1f0: {  	s17 =	sadd.s32 s7, s16  }
0x1f1: {  	[tilespmem:s6], [sflag:$0x3] =	stream.linear.gather [hbm4b:s17+s6], $0x50, $0x38;
	[tilespmem:$0x1E980] =	vst v63  }
0x1f2: {  	s20 =	simm.s32 $0x480;
	s16 =	sadd.s32 s2, s16  }
0x1f3: {  	[tilespmem:s3], [sflag:$0x3] =	stream.linear.gather [hbm4b:s16+s6], $0x50, $0x38;
	[tilespmem:$0x1E980] =	vst v63  }
0x1f4: {  	v2 =	vld [tilespmem:s20+$0x60]  }
0x1f5: {  	s25 =	simm.s32 $0x2C80;
	v3 =	vld [tilespmem:s20+$0x0]  }
0x1f6: {  	v4 =	vld [tilespmem:s25+$0x0]  }
0x1f7: {  	v5 =	vld [tilespmem:s20+$0x10]  }
0x1f8: {  	v6 =	vld [tilespmem:s25+$0x10]  }
0x1f9: {  	v7 =	vld [tilespmem:s20+$0x20]  }
0x1fa: {  	v8 =	vld [tilespmem:s25+$0x20]  }
0x1fb: {  	v9 =	vld [tilespmem:s20+$0x30]  }
0x1fc: {  	v10 =	vld [tilespmem:s25+$0x30]  }
0x1fd: {  	v11 =	vld [tilespmem:s20+$0x40];
	v17 =	vsub.f32 v3, v4;
	v18 =	vsub.f32 v5, v6  }
0x1fe: {  	v12 =	vld [tilespmem:s25+$0x40]  }
0x1ff: {  	v13 =	vld [tilespmem:s20+$0x50];
	v19 =	vsub.f32 v7, v8;
	v5 =	vmul.f32 v17, v17;
	v6 =	vmul.f32 v18, v18  }
0x200: {  	v3 =	vld [tilespmem:s25+$0x50]  }
0x201: {  	v4 =	vld [tilespmem:s25+$0x60];
	v20 =	vsub.f32 v9, v10;
	v5 =	vadd.f32 v6, v5;
	v6 =	vmul.f32 v19, v19  }
0x202: {  	v7 =	vld [tilespmem:s25+$0xFFFFFF80]  }
0x203: {  	v8 =	vld [tilespmem:s20+$0x70];
	v21 =	vsub.f32 v11, v12;
	v5 =	vadd.f32 v6, v5;
	v6 =	vmul.f32 v20, v20  }
0x204: {  	v9 =	vld [tilespmem:s25+$0x70]  }
0x205: {  	v10 =	vld [tilespmem:s20+$0xFFFFFF90];
	v22 =	vsub.f32 v13, v3;
	v3 =	vadd.f32 v6, v5;
	v5 =	vmul.f32 v21, v21  }
0x206: {  	v11 =	vld [tilespmem:s25+$0xFFFFFF90]  }
0x207: {  	v12 =	vld [tilespmem:s20+$0xFFFFFF80];
	v25 =	vsub.f32 v2, v4;
	v2 =	vadd.f32 v5, v3;
	v3 =	vmul.f32 v22, v22  }
0x208: {  	v13 =	vld [tilespmem:s25+$0xFFFFFFA0]  }
0x209: {  	v23 =	vsub.f32 v8, v9;
	v6 =	vld [tilespmem:s20+$0xFFFFFFA0];
	v5 =	vmul.f32 v25, v25;
	v3 =	vadd.f32 v3, v2  }
0x20a: {  	v14 =	vld [tilespmem:s25+$0xFFFFFFB0]  }
0x20b: {  	v4 =	vld [tilespmem:s20+$0xFFFFFFB0];
	v2 =	vsub.f32 v10, v11;
	v10 =	vmul.f32 v23, v23;
	v3 =	vadd.f32 v5, v3  }
0x20c: {  	v8 =	vld [tilespmem:s20+$0xFFFFFFC0];
	v5 =	vsub.f32 v12, v7  }
0x20d: {  	v9 =	vld [tilespmem:s25+$0xFFFFFFC0];
	v10 =	vadd.f32 v10, v3  }
0x20e: {  	v7 =	vld [tilespmem:s20+$0xFFFFFFD0];
	v11 =	vmul.f32 v2, v2;
	v3 =	vsub.f32 v6, v13;
	v6 =	vmul.f32 v5, v5  }
0x20f: {  	v12 =	vld [tilespmem:s25+$0xFFFFFFD0];
	(xrf2) =	vadd.scan.msk.f32 $0xffff, v10  }
0x210: {  	v15 =	vld [tilespmem:s25+$0xFFFFFFE0];
	v4 =	vsub.f32 v4, v14;
	v10 =	vadd.f32 v11, v6;
	v11 =	vmul.f32 v3, v3  }
0x211: {  	v13 =	vld [tilespmem:s20+$0xFFFFFFE0]  }
0x212: {  	v16 =	vld [tilespmem:s25+$0xFFFFFFF0];
	v6 =	vsub.f32 v8, v9;
	v9 =	vmul.f32 v4, v4;
	v8 =	vadd.f32 v11, v10  }
0x213: {  	s21 =	simm.s32 $0x580;
	v14 =	vld [tilespmem:s20+$0xFFFFFFF0]  }
0x214: {  	v26 =	vld [tilespmem:s21+$0x10];
	v7 =	vsub.f32 v7, v12;
	v11 =	vmul.f32 v6, v6;
	v9 =	vadd.f32 v9, v8  }
0x215: {  	v27 =	vld [tilespmem:s21+$0x20];
	s25 =	simm.s32 $0x2D80  }
0x216: {  	v12 =	vld [tilespmem:s25+$0x0];
	v8 =	vsub.f32 v13, v15;
	v13 =	vmul.f32 v7, v7;
	v9 =	vadd.f32 v11, v9  }
0x217: {  	v10 =	vld [tilespmem:s21+$0x0]  }
0x218: {  	v15 =	vld [tilespmem:s25+$0x10];
	v11 =	vsub.f32 v14, v16;
	v9 =	vadd.f32 v13, v9;
	v13 =	vmul.f32 v8, v8  }
0x219: {  	v28 =	vld [tilespmem:s21+$0x30];
	v14, _, _ =	vpop (xrf2)  }
0x21a: {  	v16 =	vld [tilespmem:s25+$0x20];
	v9 =	vadd.f32 v13, v9;
	v13 =	vmul.f32 v11, v11;
	v14 =	vbroadcast v14, $0xF  }
0x21b: {  	v30 =	vld [tilespmem:s21+$0x40]  }
0x21c: {  	v29 =	vld [tilespmem:s25+$0x30];
	v13 =	vadd.f32 v13, v9;
	(erf) = vrcp.f32 v14  }
0x21d: {  	v31 =	vld [tilespmem:s25+$0x40];
	v9 =	vsub.f32 v10, v12;
	v14 =	vsub.f32 v26, v15  }
0x21e: {  	v15 =	vld [tilespmem:s21+$0x50]  }
0x21f: {  	v10 =	vsub.f32 v27, v16;
	v26 =	vld [tilespmem:s25+$0x50];
	(xrf2) =	vadd.scan.msk.f32 $0xffff, v13;
	v13 =	vmul.f32 v9, v9;
	v16 =	vmul.f32 v14, v14  }
0x220: {  	v24 =	vld [tilespmem:s21+$0x60]  }
0x221: {  	v32 =	vld [tilespmem:s25+$0xFFFFFF80];
	v12 =	vsub.f32 v28, v29;
	v28 =	vmul.f32 v10, v10;
	v16 =	vadd.f32 v16, v13  }
0x222: {  	v27 =	vld [tilespmem:s25+$0x60]  }
0x223: {  	v33 =	vld [tilespmem:s25+$0x70];
	v13 =	vsub.f32 v30, v31;
	v16 =	vadd.f32 v28, v16;
	v28 =	vmul.f32 v12, v12  }
0x224: {  	v29 =	vld [tilespmem:s21+$0x70];
	v15 =	vsub.f32 v15, v26  }
0x225: {  	v30 =	vld [tilespmem:s21+$0xFFFFFF90];
	v26 =	vmul.f32 v13, v13;
	v16 =	vadd.f32 v28, v16;
	v34 =	vpop (erf)  }
0x226: {  	v31 =	vld [tilespmem:s25+$0xFFFFFF90];
	v36 =	vmul.f32 v15, v15;
	v34 =	vxor.u32 $0x80000000, v34  }
0x227: {  	v28 =	vld [tilespmem:s21+$0xFFFFFF80];
	v26 =	vadd.f32 v26, v16;
	v16 =	vsub.f32 v24, v27;
	v23 =	vmul.f32 v34, v23  }
0x228: {  	v35 =	vld [tilespmem:s21+$0xFFFFFFA0];
	v24 =	vmul.f32 v34, v17;
	v38 =	vmul.f32 v34, v18  }
0x229: {  	v37 =	vld [tilespmem:s25+$0xFFFFFFA0];
	v17 =	vsub.f32 v29, v33;
	v18, _, _ =	vpop (xrf2);
	v26 =	vadd.f32 v36, v26;
	[tilespmem:s20+$0x70] =	vst v23;
	v23 =	vmul.f32 v16, v16  }
0x22a: {  	v27 =	vld [tilespmem:s21+$0xFFFFFFB0];
	v59 =	vbroadcast v18, $0xF  }
0x22b: {  	v29 =	vld [tilespmem:s25+$0xFFFFFFB0];
	v18 =	vsub.f32 v30, v31;
	v31 =	vmul.f32 v17, v17;
	v26 =	vadd.f32 v23, v26  }
0x22c: {  	v30 =	vld [tilespmem:s21+$0xFFFFFFC0];
	[tilespmem:s20+$0x0] =	vst v24;
	v24 =	vmul.f32 v34, v19;
	v19 =	vsub.f32 v28, v32;
	(erf) = vrcp.f32 v59  }
0x22d: {  	v60 =	vmul.f32 v34, v20;
	v21 =	vmul.f32 v34, v21;
	v28 =	vld [tilespmem:s25+$0xFFFFFFC0];
	v26 =	vadd.f32 v31, v26  }
0x22e: {  	v20 =	vsub.f32 v35, v37;
	[tilespmem:s20+$0x10] =	vst v38;
	v61 =	vmul.f32 v18, v18;
	v23 =	vld [tilespmem:s21+$0xFFFFFFD0];
	v62 =	vmul.f32 v19, v19  }
0x22f: {  	v22 =	vmul.f32 v34, v22;
	[tilespmem:s20+$0x20] =	vst v24;
	v24 =	vld [tilespmem:s25+$0xFFFFFFD0];
	(xrf2) =	vadd.scan.msk.f32 $0xffff, v26  }
0x230: {  	[tilespmem:s20+$0x40] =	vst v21;
	v63 =	vmul.f32 v20, v20;
	v21 =	vsub.f32 v27, v29;
	v27 =	vld [tilespmem:s25+$0xFFFFFFE0];
	v29 =	vadd.f32 v61, v62  }
0x231: {  	[tilespmem:s20+$0x30] =	vst v60;
	v31 =	vmul.f32 v34, v25;
	v25 =	vld [tilespmem:s21+$0xFFFFFFE0]  }
0x232: {  	[tilespmem:s20+$0x50] =	vst v22;
	v22 =	vsub.f32 v30, v28;
	v30 =	vmul.f32 v21, v21;
	v28 =	vld [tilespmem:s25+$0xFFFFFFF0];
	v29 =	vadd.f32 v63, v29  }
0x233: {  	s17 =	simm.s32 $0x680;
	s16 =	simm.s32 $0x2;
	v26 =	vld [tilespmem:s21+$0xFFFFFFF0];
	[tilespmem:s20+$0x60] =	vst v31  }
.LBB2_9:
0x234: {  	v31 =	vld [tilespmem:s17+$0x60];
	v23 =	vsub.f32 v23, v24;
	v24 =	vadd.f32 v30, v29;
	v29 =	vmul.f32 v22, v22  }
0x235: {  	s25 =	sadd.s32 $0x100, s25;
	v30 =	vld [tilespmem:s17+$0x0];
	v32 =	vpop (erf)  }
0x236: {  	v33 =	vld [tilespmem:s25+$0x0];
	v25 =	vsub.f32 v25, v27;
	v24 =	vadd.f32 v29, v24;
	v27 =	vmul.f32 v23, v23  }
0x237: {  	v32 =	vxor.u32 $0x80000000, v32;
	v29 =	vld [tilespmem:s17+$0x10]  }
0x238: {  	s16 =	sadd.s32 $0x2, s16;
	v34 =	vld [tilespmem:s25+$0x10];
	v26 =	vsub.f32 v26, v28;
	v24 =	vadd.f32 v27, v24;
	v27 =	vmul.f32 v25, v25  }
0x239: {  	p0 =	slt.u32 s16, $0x4E;
	v36 =	vmul.f32 v32, v5;
	v37 =	vmul.f32 v32, v2;
	v2 =	vmov v18;
	v28 =	vld [tilespmem:s17+$0x20];
	v35, _, _ =	vpop (xrf2)  }
0x23a: {  	v5 =	vmovc v19;
	v18 =	vld [tilespmem:s25+$0x20];
	v24 =	vadd.f32 v27, v24;
	v27 =	vmul.f32 v26, v26;
	v35 =	vbroadcast v35, $0xF  }
0x23b: {  	v38 =	vmul.f32 v32, v4;
	v4 =	vmovc v21;
	v19 =	vld [tilespmem:s17+$0x30];
	[tilespmem:s20+$0xFFFFFF80] =	vst v36;
	v36 =	vmul.f32 v32, v3;
	v3 =	vmov v20  }
0x23c: {  	v20 =	vld [tilespmem:s25+$0x30];
	v21 =	vadd.f32 v27, v24;
	(erf) = vrcp.f32 v35;
	[tilespmem:s20+$0xFFFFFF90] =	vst v37;
	v24 =	vmul.f32 v32, v6;
	v6 =	vmovc v22  }
0x23d: {  	v22 =	vsub.f32 v30, v33;
	v30 =	vmul.f32 v32, v7;
	v27 =	vsub.f32 v29, v34;
	v29 =	vld [tilespmem:s17+$0x40];
	[tilespmem:s20+$0xFFFFFFA0] =	vst v36  }
0x23e: {  	v7 =	vmovc v23;
	v33 =	vld [tilespmem:s25+$0x40];
	(xrf2) =	vadd.scan.msk.f32 $0xffff, v21;
	[tilespmem:s20+$0xFFFFFFB0] =	vst v38;
	v21 =	vmul.f32 v32, v8;
	v32 =	vmul.f32 v32, v11  }
0x23f: {  	v18 =	vsub.f32 v28, v18;
	v23 =	vld [tilespmem:s17+$0x50];
	v28 =	vmul.f32 v22, v22;
	v34 =	vmul.f32 v27, v27;
	[tilespmem:s20+$0xFFFFFFC0] =	vst v24  }
0x240: {  	v8 =	vmov v25;
	v11 =	vmov v26;
	v24 =	vld [tilespmem:s25+$0x50];
	[tilespmem:s20+$0xFFFFFFD0] =	vst v30  }
0x241: {  	v20 =	vsub.f32 v19, v20;
	v19 =	vld [tilespmem:s25+$0x60];
	v25 =	vadd.f32 v34, v28;
	v26 =	vmul.f32 v18, v18;
	[tilespmem:s20+$0xFFFFFFE0] =	vst v21  }
0x242: {  	v21 =	vld [tilespmem:s25+$0xFFFFFF80];
	[tilespmem:s20+$0xFFFFFFF0] =	vst v32;
	s20 =	smov.u32 s21;
	s21 =	smov.u32 s17  }
0x243: {  	v28 =	vsub.f32 v29, v33;
	v29 =	vld [tilespmem:s17+$0x70];
	v34 =	vadd.f32 v26, v25;
	v26 =	vmul.f32 v20, v20  }
0x244: {  	v30 =	vld [tilespmem:s25+$0x70]  }
0x245: {  	v32 =	vld [tilespmem:s17+$0xFFFFFF90];
	v33 =	vsub.f32 v23, v24;
	v23 =	vadd.f32 v26, v34;
	v24 =	vmul.f32 v28, v28;
	v25 =	vpop (erf)  }
0x246: {  	v26 =	vld [tilespmem:s25+$0xFFFFFF90];
	v31 =	vsub.f32 v31, v19;
	v25 =	vxor.u32 $0x80000000, v25  }
0x247: {  	v19 =	vld [tilespmem:s17+$0xFFFFFF80];
	v23 =	vadd.f32 v24, v23;
	v24 =	vmul.f32 v33, v33;
	v34 =	vmul.f32 v25, v17  }
0x248: {  	v36 =	vmul.f32 v25, v9;
	v37 =	vmul.f32 v25, v14;
	v9 =	vmov v22;
	v35 =	vld [tilespmem:s17+$0xFFFFFFA0];
	v14, _, _ =	vpop (xrf2)  }
0x249: {  	v22 =	vld [tilespmem:s25+$0xFFFFFFA0];
	v17 =	vsub.f32 v29, v30;
	v23 =	vadd.f32 v24, v23;
	v24 =	vmul.f32 v31, v31;
	[tilespmem:s20+$0x70] =	vst v34  }
0x24a: {  	v30 =	vbroadcast v14, $0xF;
	v34 =	vmul.f32 v25, v10;
	v14 =	vmovc v27;
	v10 =	vmov v18;
	v29 =	vld [tilespmem:s17+$0xFFFFFFB0];
	[tilespmem:s20+$0x0] =	vst v36  }
0x24b: {  	v18 =	vsub.f32 v32, v26;
	v26 =	vld [tilespmem:s25+$0xFFFFFFB0];
	v23 =	vadd.f32 v24, v23;
	v24 =	vmul.f32 v17, v17;
	[tilespmem:s20+$0x10] =	vst v37  }
0x24c: {  	v19 =	vsub.f32 v19, v21;
	v32 =	vld [tilespmem:s17+$0xFFFFFFC0];
	[tilespmem:s20+$0x20] =	vst v34;
	v21 =	vmul.f32 v25, v12;
	(erf) = vrcp.f32 v30;
	v12 =	vmovc v20  }
0x24d: {  	v36 =	vmul.f32 v25, v13;
	v13 =	vmovc v28;
	v30 =	vld [tilespmem:s25+$0xFFFFFFC0];
	v27 =	vmul.f32 v18, v18;
	v34 =	vadd.f32 v24, v23  }
0x24e: {  	v28 =	vmul.f32 v25, v15;
	v20 =	vsub.f32 v35, v22;
	v23 =	vld [tilespmem:s17+$0xFFFFFFD0];
	v22 =	vmul.f32 v19, v19;
	[tilespmem:s20+$0x30] =	vst v21  }
.Ltmp3:
0x24f: {  	v15 =	vmovc v33;
	v24 =	vld [tilespmem:s25+$0xFFFFFFD0];
	(xrf2) =	vadd.scan.msk.f32 $0xffff, v34;
	[tilespmem:s20+$0x40] =	vst v36;
	v34 =	vmul.f32 v25, v16;
	v16 =	vmov v31;
	(pc) =	sbr.rel @p0 .LBB2_9-.Ltmp3, $4  }
0x250: {  	v21 =	vsub.f32 v29, v26;
	v25 =	vld [tilespmem:s17+$0xFFFFFFE0];
	v29 =	vadd.f32 v27, v22;
	v31 =	vmul.f32 v20, v20;
	[tilespmem:s20+$0x50] =	vst v28  }
0x251: {  	v27 =	vld [tilespmem:s25+$0xFFFFFFE0];
	[tilespmem:s20+$0x60] =	vst v34  }
0x252: {  	v22 =	vsub.f32 v32, v30;
	v26 =	vld [tilespmem:s17+$0xFFFFFFF0];
	v29 =	vadd.f32 v31, v29;
	v30 =	vmul.f32 v21, v21  }
0x253: {  	s17 =	sadd.s32 $0x100, s17;
	v28 =	vld [tilespmem:s25+$0xFFFFFFF0]  }
0x254: {  	v23 =	vsub.f32 v23, v24;
	v24 =	vadd.f32 v30, v29;
	v29 =	vmul.f32 v22, v22;
	_ =	sdelay $0x1  }
0x255: {  	v25 =	vsub.f32 v25, v27;
	v24 =	vadd.f32 v29, v24;
	v27 =	vmul.f32 v23, v23;
	_ =	sdelay $0x1  }
0x256: {  	v26 =	vsub.f32 v26, v28;
	v24 =	vadd.f32 v27, v24;
	v27 =	vmul.f32 v25, v25;
	_ =	sdelay $0x1  }
0x257: {  	v24 =	vadd.f32 v27, v24;
	v27 =	vmul.f32 v26, v26;
	_ =	sdelay $0x1  }
0x258: {  	v24 =	vadd.f32 v27, v24;
	_ =	sdelay $0x3  }
0x259: {  	(xrf2) =	vadd.scan.msk.f32 $0xffff, v24;
	v24, _, _ =	vpop (xrf2)  }
0x25a: {  	v24 =	vbroadcast v24, $0xF;
	_ =	sdelay $0x3  }
0x25b: {  	(erf) = vrcp.f32 v24;
	v24 =	vpop (erf)  }
0x25c: {  	v24 =	vxor.u32 $0x80000000, v24  }
0x25d: {  	v5 =	vmul.f32 v24, v5;
	_ =	sdelay $0x2  }
0x25e: {  	v2 =	vmul.f32 v24, v2  }
0x25f: {  	[tilespmem:s20+$0xFFFFFF80] =	vst v5;
	v5, _, _ =	vpop (xrf2)  }
0x260: {  	v3 =	vmul.f32 v24, v3;
	[tilespmem:s20+$0xFFFFFF90] =	vst v2;
	v2 =	vbroadcast v5, $0xF  }
0x261: {  	v4 =	vmul.f32 v24, v4  }
0x262: {  	[tilespmem:s20+$0xFFFFFFA0] =	vst v3;
	v3 =	vmul.f32 v24, v7  }
0x263: {  	[tilespmem:s20+$0xFFFFFFB0] =	vst v4;
	v5 =	vmul.f32 v24, v6;
	(erf) = vrcp.f32 v2  }
0x264: {  	v4 =	vmul.f32 v24, v8;
	[tilespmem:s20+$0xFFFFFFD0] =	vst v3;
	v2 =	vpop (erf)  }
0x265: {  	[tilespmem:s20+$0xFFFFFFC0] =	vst v5;
	v5 =	vmul.f32 v24, v11;
	v2 =	vxor.u32 $0x80000000, v2  }
0x266: {  	[tilespmem:s20+$0xFFFFFFE0] =	vst v4;
	v3 =	vmul.f32 v2, v17  }
0x267: {  	[tilespmem:s20+$0xFFFFFFF0] =	vst v5;
	v4 =	vmul.f32 v2, v9  }
0x268: {  	v5 =	vmul.f32 v2, v14;
	[tilespmem:s21+$0x70] =	vst v3  }
0x269: {  	[tilespmem:s21+$0x0] =	vst v4;
	v3 =	vmul.f32 v2, v10  }
0x26a: {  	[tilespmem:s21+$0x10] =	vst v5;
	v4 =	vmul.f32 v2, v12  }
0x26b: {  	[tilespmem:s21+$0x20] =	vst v3;
	v3 =	vmul.f32 v2, v13  }
0x26c: {  	[tilespmem:s21+$0x30] =	vst v4;
	v4 =	vmul.f32 v2, v15;
	v5 =	vpop (erf)  }
0x26d: {  	v2 =	vmul.f32 v2, v16;
	[tilespmem:s21+$0x40] =	vst v3;
	v3 =	vxor.u32 $0x80000000, v5  }
0x26e: {  	[tilespmem:s21+$0x50] =	vst v4;
	v4 =	vmul.f32 v3, v19  }
0x26f: {  	[tilespmem:s21+$0x60] =	vst v2;
	v2 =	vmul.f32 v3, v18  }
0x270: {  	v5 =	vmul.f32 v3, v21;
	[tilespmem:s21+$0xFFFFFF80] =	vst v4  }
0x271: {  	v4 =	vmul.f32 v3, v20;
	[tilespmem:s21+$0xFFFFFF90] =	vst v2  }
0x272: {  	v2 =	vmul.f32 v3, v22;
	[tilespmem:s21+$0xFFFFFFB0] =	vst v5  }
0x273: {  	v5 =	vmul.f32 v3, v25;
	[tilespmem:s21+$0xFFFFFFA0] =	vst v4  }
0x274: {  	v4 =	vmul.f32 v3, v23;
	[tilespmem:s21+$0xFFFFFFC0] =	vst v2  }
0x275: {  	v2 =	vmul.f32 v3, v26;
	[tilespmem:s21+$0xFFFFFFE0] =	vst v5  }
0x276: {  	[tilespmem:s21+$0xFFFFFFD0] =	vst v4  }
0x277: {  	[tilespmem:s21+$0xFFFFFFF0] =	vst v2  }
0x278: {  	[spmem:s4] =	stream.indirect.scatter.add.f32 [tilespmem:s29], [sflag:$0x7], $0x80, s18, s1, $0xb8;
	[tilespmem:$0x1E980] =	vst v63  }
0x279: {  	_ = 	snop  }
0x27a: {  	[spmem:s5] =	stream.indirect.scatter.add.f32 [tilespmem:s22], [sflag:$0x7], $0x1, s18, s1, $0xb8;
	[tilespmem:$0x1E980] =	vst v63  }
0x27b: {  	_ =	swait.ge [sflag:s23], $0x2800  }
0x27c: {  	[sflag:s23] =	ssyncset.done $0x0  }
0x27d: {  	[sflag:s23] =	ssyncadd.s32 $0xFFFFD800  }
0x27e: {  	_ =	swait.ge [sflag:s23], $0x2800  }
0x27f: {  	[sflag:s23] =	ssyncset.done $0x0  }
0x280: {  	[sflag:s23] =	ssyncadd.s32 $0xFFFFD800  }
0x281: {  	_ =	swait.ge [sflag:s24], $0x2800  }
0x282: {  	[sflag:s24] =	ssyncset.done $0x0  }
0x283: {  	[sflag:s24] =	ssyncadd.s32 $0xFFFFD800  }
0x284: {  	_ =	swait.ge [sflag:s24], $0x50  }
0x285: {  	[sflag:s24] =	ssyncset.done $0x0  }
0x286: {  	[sflag:s24] =	ssyncadd.s32 $0xFFFFFFB0  }
0x287: {  	_ =	swait.ge [sflag:s31], $0x50  }
0x288: {  	[sflag:s31] =	ssyncset.done $0x0  }
0x289: {  	[sflag:s31] =	ssyncadd.s32 $0xFFFFFFB0  }
0x28a: {  	_ =	swait.ge [sflag:s31], $0x50  }
0x28b: {  	p0 =	seq.s32 s10, $0x1E;
	[sflag:s31] =	ssyncset.done $0x0;
	s16 =	rddreg [dreg:$0x13]  }
0x28c: {  	[sflag:s31] =	ssyncadd.s32 $0xFFFFFFB0;
	s16 =	sadd.s32 @!p0 s19, s16  }
0x28d: {  	[tilespmem:s29], [sflag:$0x1] =	stream.indirect.gather [hbm4b:s0+s1], $0x80, s6, s1, $0xb8;
	[tilespmem:$0x1E980] =	vst v63  }
0x28e: {  	s16 =	sshrl.u32 @!p0 s16, $0x3  }
0x28f: {  	[tilespmem:s9], [sflag:$0x1] =	stream.indirect.gather [hbm4b:s0+s1], $0x80, s3, s1, $0xb8;
	[tilespmem:$0x1E980] =	vst v63  }
0x290: {  	s20 =	simm.s32 @!p0 $0x100;
	s19 =	simm.s32 @!p0 $0x0;
	s17 =	sadd.s32 @!p0 s7, s16  }
0x291: {  	[tilespmem:s20], [sflag:$0x4] =	stream.linear.gather @!p0 [hbm4b:s17+s19], $0x50, $0x38;
	[tilespmem:$0x1E980] =	vst v63  }
0x292: {  	s16 =	sadd.s32 @!p0 s2, s16;
	s17 =	simm.s32 @!p0 $0x180  }
0x293: {  	[tilespmem:s17], [sflag:$0x4] =	stream.linear.gather @!p0 [hbm4b:s16+s19], $0x50, $0x38;
	[tilespmem:$0x1E980] =	vst v63  }
0x294: {  	s19 =	simm.s32 $0x5480  }
0x295: {  	v2 =	vld [tilespmem:s19+$0x60]  }
0x296: {  	s25 =	simm.s32 $0x7C80;
	v3 =	vld [tilespmem:s19+$0x0]  }
0x297: {  	v4 =	vld [tilespmem:s25+$0x0]  }
0x298: {  	v5 =	vld [tilespmem:s19+$0x10]  }
0x299: {  	v6 =	vld [tilespmem:s25+$0x10]  }
0x29a: {  	v7 =	vld [tilespmem:s19+$0x20]  }
0x29b: {  	v8 =	vld [tilespmem:s25+$0x20]  }
0x29c: {  	v9 =	vld [tilespmem:s19+$0x30]  }
0x29d: {  	v10 =	vld [tilespmem:s25+$0x30]  }
0x29e: {  	v11 =	vld [tilespmem:s19+$0x40];
	v17 =	vsub.f32 v3, v4;
	v18 =	vsub.f32 v5, v6  }
0x29f: {  	v12 =	vld [tilespmem:s25+$0x40]  }
0x2a0: {  	v13 =	vld [tilespmem:s19+$0x50];
	v19 =	vsub.f32 v7, v8;
	v5 =	vmul.f32 v17, v17;
	v6 =	vmul.f32 v18, v18  }
0x2a1: {  	v3 =	vld [tilespmem:s25+$0x50]  }
0x2a2: {  	v4 =	vld [tilespmem:s25+$0x60];
	v20 =	vsub.f32 v9, v10;
	v5 =	vadd.f32 v6, v5;
	v6 =	vmul.f32 v19, v19  }
0x2a3: {  	v7 =	vld [tilespmem:s25+$0xFFFFFF80]  }
0x2a4: {  	v8 =	vld [tilespmem:s19+$0x70];
	v21 =	vsub.f32 v11, v12;
	v5 =	vadd.f32 v6, v5;
	v6 =	vmul.f32 v20, v20  }
0x2a5: {  	v9 =	vld [tilespmem:s25+$0x70]  }
0x2a6: {  	v10 =	vld [tilespmem:s19+$0xFFFFFF90];
	v22 =	vsub.f32 v13, v3;
	v3 =	vadd.f32 v6, v5;
	v5 =	vmul.f32 v21, v21  }
0x2a7: {  	v11 =	vld [tilespmem:s25+$0xFFFFFF90]  }
0x2a8: {  	v12 =	vld [tilespmem:s19+$0xFFFFFF80];
	v25 =	vsub.f32 v2, v4;
	v2 =	vadd.f32 v5, v3;
	v3 =	vmul.f32 v22, v22  }
0x2a9: {  	v13 =	vld [tilespmem:s25+$0xFFFFFFA0]  }
0x2aa: {  	v23 =	vsub.f32 v8, v9;
	v6 =	vld [tilespmem:s19+$0xFFFFFFA0];
	v5 =	vmul.f32 v25, v25;
	v3 =	vadd.f32 v3, v2  }
0x2ab: {  	v14 =	vld [tilespmem:s25+$0xFFFFFFB0]  }
0x2ac: {  	v4 =	vld [tilespmem:s19+$0xFFFFFFB0];
	v2 =	vsub.f32 v10, v11;
	v10 =	vmul.f32 v23, v23;
	v3 =	vadd.f32 v5, v3  }
0x2ad: {  	v8 =	vld [tilespmem:s19+$0xFFFFFFC0];
	v5 =	vsub.f32 v12, v7  }
0x2ae: {  	v9 =	vld [tilespmem:s25+$0xFFFFFFC0];
	v10 =	vadd.f32 v10, v3  }
0x2af: {  	v7 =	vld [tilespmem:s19+$0xFFFFFFD0];
	v11 =	vmul.f32 v2, v2;
	v3 =	vsub.f32 v6, v13;
	v6 =	vmul.f32 v5, v5  }
0x2b0: {  	v12 =	vld [tilespmem:s25+$0xFFFFFFD0];
	(xrf2) =	vadd.scan.msk.f32 $0xffff, v10  }
0x2b1: {  	v15 =	vld [tilespmem:s25+$0xFFFFFFE0];
	v4 =	vsub.f32 v4, v14;
	v10 =	vadd.f32 v11, v6;
	v11 =	vmul.f32 v3, v3  }
0x2b2: {  	v13 =	vld [tilespmem:s19+$0xFFFFFFE0]  }
0x2b3: {  	v16 =	vld [tilespmem:s25+$0xFFFFFFF0];
	v6 =	vsub.f32 v8, v9;
	v9 =	vmul.f32 v4, v4;
	v8 =	vadd.f32 v11, v10  }
0x2b4: {  	s20 =	simm.s32 $0x5580;
	v14 =	vld [tilespmem:s19+$0xFFFFFFF0]  }
0x2b5: {  	v26 =	vld [tilespmem:s20+$0x10];
	v7 =	vsub.f32 v7, v12;
	v11 =	vmul.f32 v6, v6;
	v9 =	vadd.f32 v9, v8  }
0x2b6: {  	s21 =	simm.s32 $0x7D80;
	v27 =	vld [tilespmem:s20+$0x20]  }
0x2b7: {  	v12 =	vld [tilespmem:s21+$0x0];
	v8 =	vsub.f32 v13, v15;
	v13 =	vmul.f32 v7, v7;
	v9 =	vadd.f32 v11, v9  }
0x2b8: {  	v10 =	vld [tilespmem:s20+$0x0]  }
0x2b9: {  	v15 =	vld [tilespmem:s21+$0x10];
	v11 =	vsub.f32 v14, v16;
	v9 =	vadd.f32 v13, v9;
	v13 =	vmul.f32 v8, v8  }
0x2ba: {  	v28 =	vld [tilespmem:s20+$0x30];
	v14, _, _ =	vpop (xrf2)  }
0x2bb: {  	v16 =	vld [tilespmem:s21+$0x20];
	v9 =	vadd.f32 v13, v9;
	v13 =	vmul.f32 v11, v11;
	v14 =	vbroadcast v14, $0xF  }
0x2bc: {  	v29 =	vld [tilespmem:s21+$0x30]  }
0x2bd: {  	v30 =	vld [tilespmem:s20+$0x40];
	v13 =	vadd.f32 v13, v9;
	(erf) = vrcp.f32 v14  }
0x2be: {  	v31 =	vld [tilespmem:s21+$0x40];
	v9 =	vsub.f32 v10, v12;
	v14 =	vsub.f32 v26, v15  }
0x2bf: {  	v15 =	vld [tilespmem:s20+$0x50]  }
0x2c0: {  	v10 =	vsub.f32 v27, v16;
	v26 =	vld [tilespmem:s21+$0x50];
	(xrf2) =	vadd.scan.msk.f32 $0xffff, v13;
	v13 =	vmul.f32 v9, v9;
	v16 =	vmul.f32 v14, v14  }
0x2c1: {  	v24 =	vld [tilespmem:s20+$0x60]  }
0x2c2: {  	v32 =	vld [tilespmem:s21+$0xFFFFFF80];
	v12 =	vsub.f32 v28, v29;
	v28 =	vmul.f32 v10, v10;
	v16 =	vadd.f32 v16, v13  }
0x2c3: {  	v27 =	vld [tilespmem:s21+$0x60]  }
0x2c4: {  	v33 =	vld [tilespmem:s21+$0x70];
	v13 =	vsub.f32 v30, v31;
	v16 =	vadd.f32 v28, v16;
	v28 =	vmul.f32 v12, v12  }
0x2c5: {  	v29 =	vld [tilespmem:s20+$0x70];
	v15 =	vsub.f32 v15, v26  }
0x2c6: {  	v30 =	vld [tilespmem:s20+$0xFFFFFF90];
	v26 =	vmul.f32 v13, v13;
	v16 =	vadd.f32 v28, v16;
	v34 =	vpop (erf)  }
0x2c7: {  	v31 =	vld [tilespmem:s21+$0xFFFFFF90];
	v36 =	vmul.f32 v15, v15;
	v34 =	vxor.u32 $0x80000000, v34  }
0x2c8: {  	v28 =	vld [tilespmem:s20+$0xFFFFFF80];
	v26 =	vadd.f32 v26, v16;
	v16 =	vsub.f32 v24, v27;
	v23 =	vmul.f32 v34, v23  }
0x2c9: {  	v35 =	vld [tilespmem:s20+$0xFFFFFFA0];
	v24 =	vmul.f32 v34, v17;
	v38 =	vmul.f32 v34, v18  }
0x2ca: {  	v37 =	vld [tilespmem:s21+$0xFFFFFFA0];
	v17 =	vsub.f32 v29, v33;
	v18, _, _ =	vpop (xrf2);
	v26 =	vadd.f32 v36, v26;
	[tilespmem:s19+$0x70] =	vst v23;
	v23 =	vmul.f32 v16, v16  }
0x2cb: {  	v27 =	vld [tilespmem:s20+$0xFFFFFFB0];
	v59 =	vbroadcast v18, $0xF  }
0x2cc: {  	v29 =	vld [tilespmem:s21+$0xFFFFFFB0];
	v18 =	vsub.f32 v30, v31;
	v31 =	vmul.f32 v17, v17;
	v26 =	vadd.f32 v23, v26  }
0x2cd: {  	v30 =	vld [tilespmem:s20+$0xFFFFFFC0];
	[tilespmem:s19+$0x0] =	vst v24;
	v24 =	vmul.f32 v34, v19;
	v19 =	vsub.f32 v28, v32;
	(erf) = vrcp.f32 v59  }
0x2ce: {  	v60 =	vmul.f32 v34, v20;
	v21 =	vmul.f32 v34, v21;
	v28 =	vld [tilespmem:s21+$0xFFFFFFC0];
	v26 =	vadd.f32 v31, v26  }
0x2cf: {  	v20 =	vsub.f32 v35, v37;
	[tilespmem:s19+$0x10] =	vst v38;
	v61 =	vmul.f32 v18, v18;
	v23 =	vld [tilespmem:s20+$0xFFFFFFD0];
	v62 =	vmul.f32 v19, v19  }
0x2d0: {  	v22 =	vmul.f32 v34, v22;
	[tilespmem:s19+$0x20] =	vst v24;
	v24 =	vld [tilespmem:s21+$0xFFFFFFD0];
	(xrf2) =	vadd.scan.msk.f32 $0xffff, v26  }
0x2d1: {  	[tilespmem:s19+$0x40] =	vst v21;
	v63 =	vmul.f32 v20, v20;
	v21 =	vsub.f32 v27, v29;
	v27 =	vld [tilespmem:s21+$0xFFFFFFE0];
	v29 =	vadd.f32 v61, v62  }
0x2d2: {  	[tilespmem:s19+$0x30] =	vst v60;
	v31 =	vmul.f32 v34, v25;
	v25 =	vld [tilespmem:s20+$0xFFFFFFE0]  }
0x2d3: {  	[tilespmem:s19+$0x50] =	vst v22;
	v22 =	vsub.f32 v30, v28;
	v30 =	vmul.f32 v21, v21;
	v28 =	vld [tilespmem:s21+$0xFFFFFFF0];
	v29 =	vadd.f32 v63, v29  }
0x2d4: {  	s16 =	simm.s32 $0x2;
	s17 =	simm.s32 $0x5680;
	v26 =	vld [tilespmem:s20+$0xFFFFFFF0];
	[tilespmem:s19+$0x60] =	vst v31  }
.LBB2_11:
0x2d5: {  	v31 =	vld [tilespmem:s17+$0x60];
	v23 =	vsub.f32 v23, v24;
	v24 =	vadd.f32 v30, v29;
	v29 =	vmul.f32 v22, v22  }
0x2d6: {  	s21 =	sadd.s32 $0x100, s21;
	v30 =	vld [tilespmem:s17+$0x0];
	v32 =	vpop (erf)  }
0x2d7: {  	v33 =	vld [tilespmem:s21+$0x0];
	v25 =	vsub.f32 v25, v27;
	v24 =	vadd.f32 v29, v24;
	v27 =	vmul.f32 v23, v23  }
0x2d8: {  	v32 =	vxor.u32 $0x80000000, v32;
	v29 =	vld [tilespmem:s17+$0x10]  }
0x2d9: {  	s16 =	sadd.s32 $0x2, s16;
	v34 =	vld [tilespmem:s21+$0x10];
	v26 =	vsub.f32 v26, v28;
	v24 =	vadd.f32 v27, v24;
	v27 =	vmul.f32 v25, v25  }
0x2da: {  	p0 =	slt.u32 s16, $0x4E;
	v36 =	vmul.f32 v32, v5;
	v37 =	vmul.f32 v32, v2;
	v2 =	vmov v18;
	v28 =	vld [tilespmem:s17+$0x20];
	v35, _, _ =	vpop (xrf2)  }
0x2db: {  	v5 =	vmovc v19;
	v18 =	vld [tilespmem:s21+$0x20];
	v24 =	vadd.f32 v27, v24;
	v27 =	vmul.f32 v26, v26;
	v35 =	vbroadcast v35, $0xF  }
0x2dc: {  	v38 =	vmul.f32 v32, v4;
	v4 =	vmovc v21;
	v19 =	vld [tilespmem:s17+$0x30];
	[tilespmem:s19+$0xFFFFFF80] =	vst v36;
	v36 =	vmul.f32 v32, v3;
	v3 =	vmov v20  }
0x2dd: {  	v20 =	vld [tilespmem:s21+$0x30];
	v21 =	vadd.f32 v27, v24;
	(erf) = vrcp.f32 v35;
	[tilespmem:s19+$0xFFFFFF90] =	vst v37;
	v24 =	vmul.f32 v32, v6;
	v6 =	vmovc v22  }
0x2de: {  	v22 =	vsub.f32 v30, v33;
	v30 =	vmul.f32 v32, v7;
	v27 =	vsub.f32 v29, v34;
	v29 =	vld [tilespmem:s17+$0x40];
	[tilespmem:s19+$0xFFFFFFA0] =	vst v36  }
0x2df: {  	v7 =	vmovc v23;
	v33 =	vld [tilespmem:s21+$0x40];
	(xrf2) =	vadd.scan.msk.f32 $0xffff, v21;
	[tilespmem:s19+$0xFFFFFFB0] =	vst v38;
	v21 =	vmul.f32 v32, v8;
	v32 =	vmul.f32 v32, v11  }
0x2e0: {  	v18 =	vsub.f32 v28, v18;
	v23 =	vld [tilespmem:s17+$0x50];
	v28 =	vmul.f32 v22, v22;
	v34 =	vmul.f32 v27, v27;
	[tilespmem:s19+$0xFFFFFFC0] =	vst v24  }
0x2e1: {  	v8 =	vmov v25;
	v11 =	vmov v26;
	v24 =	vld [tilespmem:s21+$0x50];
	[tilespmem:s19+$0xFFFFFFD0] =	vst v30  }
0x2e2: {  	v20 =	vsub.f32 v19, v20;
	v19 =	vld [tilespmem:s21+$0x60];
	v25 =	vadd.f32 v34, v28;
	v26 =	vmul.f32 v18, v18;
	[tilespmem:s19+$0xFFFFFFE0] =	vst v21  }
0x2e3: {  	v21 =	vld [tilespmem:s21+$0xFFFFFF80];
	[tilespmem:s19+$0xFFFFFFF0] =	vst v32;
	s19 =	smov.u32 s20;
	s20 =	smov.u32 s17  }
0x2e4: {  	v28 =	vsub.f32 v29, v33;
	v29 =	vld [tilespmem:s17+$0x70];
	v34 =	vadd.f32 v26, v25;
	v26 =	vmul.f32 v20, v20  }
0x2e5: {  	v30 =	vld [tilespmem:s21+$0x70]  }
0x2e6: {  	v32 =	vld [tilespmem:s17+$0xFFFFFF90];
	v33 =	vsub.f32 v23, v24;
	v23 =	vadd.f32 v26, v34;
	v24 =	vmul.f32 v28, v28;
	v25 =	vpop (erf)  }
0x2e7: {  	v26 =	vld [tilespmem:s21+$0xFFFFFF90];
	v31 =	vsub.f32 v31, v19;
	v25 =	vxor.u32 $0x80000000, v25  }
0x2e8: {  	v19 =	vld [tilespmem:s17+$0xFFFFFF80];
	v23 =	vadd.f32 v24, v23;
	v24 =	vmul.f32 v33, v33;
	v34 =	vmul.f32 v25, v17  }
0x2e9: {  	v36 =	vmul.f32 v25, v9;
	v37 =	vmul.f32 v25, v14;
	v9 =	vmov v22;
	v35 =	vld [tilespmem:s17+$0xFFFFFFA0];
	v14, _, _ =	vpop (xrf2)  }
0x2ea: {  	v22 =	vld [tilespmem:s21+$0xFFFFFFA0];
	v17 =	vsub.f32 v29, v30;
	v23 =	vadd.f32 v24, v23;
	v24 =	vmul.f32 v31, v31;
	[tilespmem:s19+$0x70] =	vst v34  }
0x2eb: {  	v30 =	vbroadcast v14, $0xF;
	v34 =	vmul.f32 v25, v10;
	v14 =	vmovc v27;
	v10 =	vmov v18;
	v29 =	vld [tilespmem:s17+$0xFFFFFFB0];
	[tilespmem:s19+$0x0] =	vst v36  }
0x2ec: {  	v18 =	vsub.f32 v32, v26;
	v26 =	vld [tilespmem:s21+$0xFFFFFFB0];
	v23 =	vadd.f32 v24, v23;
	v24 =	vmul.f32 v17, v17;
	[tilespmem:s19+$0x10] =	vst v37  }
0x2ed: {  	v19 =	vsub.f32 v19, v21;
	v32 =	vld [tilespmem:s17+$0xFFFFFFC0];
	[tilespmem:s19+$0x20] =	vst v34;
	v21 =	vmul.f32 v25, v12;
	(erf) = vrcp.f32 v30;
	v12 =	vmovc v20  }
0x2ee: {  	v36 =	vmul.f32 v25, v13;
	v13 =	vmovc v28;
	v30 =	vld [tilespmem:s21+$0xFFFFFFC0];
	v27 =	vmul.f32 v18, v18;
	v34 =	vadd.f32 v24, v23  }
0x2ef: {  	v28 =	vmul.f32 v25, v15;
	v20 =	vsub.f32 v35, v22;
	v23 =	vld [tilespmem:s17+$0xFFFFFFD0];
	v22 =	vmul.f32 v19, v19;
	[tilespmem:s19+$0x30] =	vst v21  }
.Ltmp4:
0x2f0: {  	v15 =	vmovc v33;
	v24 =	vld [tilespmem:s21+$0xFFFFFFD0];
	(xrf2) =	vadd.scan.msk.f32 $0xffff, v34;
	[tilespmem:s19+$0x40] =	vst v36;
	v34 =	vmul.f32 v25, v16;
	v16 =	vmov v31;
	(pc) =	sbr.rel @p0 .LBB2_11-.Ltmp4, $4  }
0x2f1: {  	v21 =	vsub.f32 v29, v26;
	v25 =	vld [tilespmem:s17+$0xFFFFFFE0];
	v29 =	vadd.f32 v27, v22;
	v31 =	vmul.f32 v20, v20;
	[tilespmem:s19+$0x50] =	vst v28  }
0x2f2: {  	v27 =	vld [tilespmem:s21+$0xFFFFFFE0];
	[tilespmem:s19+$0x60] =	vst v34  }
0x2f3: {  	v22 =	vsub.f32 v32, v30;
	v26 =	vld [tilespmem:s17+$0xFFFFFFF0];
	v29 =	vadd.f32 v31, v29;
	v30 =	vmul.f32 v21, v21  }
0x2f4: {  	s17 =	sadd.s32 $0x100, s17;
	v28 =	vld [tilespmem:s21+$0xFFFFFFF0]  }
0x2f5: {  	v23 =	vsub.f32 v23, v24;
	v44 =	vadd.f32 v30, v29;
	v45 =	vmul.f32 v22, v22;
	_ =	sdelay $0x1  }
0x2f6: {  	v25 =	vsub.f32 v25, v27;
	v24 =	vadd.f32 v45, v44;
	v46 =	vmul.f32 v23, v23;
	_ =	sdelay $0x1  }
0x2f7: {  	v26 =	vsub.f32 v26, v28;
	v24 =	vadd.f32 v46, v24;
	v47 =	vmul.f32 v25, v25;
	_ =	sdelay $0x1  }
0x2f8: {  	v24 =	vadd.f32 v47, v24;
	v48 =	vmul.f32 v26, v26;
	_ =	sdelay $0x1  }
0x2f9: {  	v24 =	vadd.f32 v48, v24;
	_ =	sdelay $0x1  }
0x2fa: {  	(xrf2) =	vadd.scan.msk.f32 $0xffff, v24;
	_ =	sdelay $0x2  }
0x2fb: {  	v49, _, _ =	vpop (xrf2)  }
0x2fc: {  	v24 =	vbroadcast v49, $0xF;
	_ =	sdelay $0x1  }
0x2fd: {  	(erf) = vrcp.f32 v24  }
0x2fe: {  	v50 =	vpop (erf)  }
0x2ff: {  	v24 =	vxor.u32 $0x80000000, v50  }
0x300: {  	v2 =	vmul.f32 v24, v2  }
0x301: {  	v5 =	vmul.f32 v24, v5;
	v51, _, _ =	vpop (xrf2)  }
0x302: {  	v3 =	vmul.f32 v24, v3;
	[tilespmem:s19+$0xFFFFFF90] =	vst v2;
	v2 =	vbroadcast v51, $0xF  }
0x303: {  	v4 =	vmul.f32 v24, v4;
	[tilespmem:s19+$0xFFFFFF80] =	vst v5  }
0x304: {  	v52 =	vmul.f32 v24, v6;
	[tilespmem:s19+$0xFFFFFFA0] =	vst v3  }
0x305: {  	v53 =	vmul.f32 v24, v8;
	[tilespmem:s19+$0xFFFFFFB0] =	vst v4;
	(erf) = vrcp.f32 v2  }
0x306: {  	v3 =	vmul.f32 v24, v7;
	[tilespmem:s19+$0xFFFFFFC0] =	vst v52;
	v2 =	vpop (erf)  }
0x307: {  	v54 =	vmul.f32 v24, v11;
	[tilespmem:s19+$0xFFFFFFE0] =	vst v53;
	v2 =	vxor.u32 $0x80000000, v2  }
0x308: {  	[tilespmem:s19+$0xFFFFFFD0] =	vst v3;
	v3 =	vmul.f32 v2, v17  }
0x309: {  	[tilespmem:s19+$0xFFFFFFF0] =	vst v54;
	v55 =	vmul.f32 v2, v9  }
0x30a: {  	v56 =	vmul.f32 v2, v14;
	[tilespmem:s20+$0x70] =	vst v3  }
0x30b: {  	[tilespmem:s20+$0x0] =	vst v55;
	v3 =	vmul.f32 v2, v10  }
0x30c: {  	v57 =	vmul.f32 v2, v12;
	[tilespmem:s20+$0x10] =	vst v56  }
0x30d: {  	[tilespmem:s20+$0x20] =	vst v3;
	v3 =	vmul.f32 v2, v13  }
0x30e: {  	v58 =	vmul.f32 v2, v15;
	[tilespmem:s20+$0x30] =	vst v57;
	v59 =	vpop (erf)  }
0x30f: {  	v2 =	vmul.f32 v2, v16;
	[tilespmem:s20+$0x40] =	vst v3;
	v3 =	vxor.u32 $0x80000000, v59  }
0x310: {  	[tilespmem:s20+$0x50] =	vst v58;
	v60 =	vmul.f32 v3, v19  }
0x311: {  	[tilespmem:s20+$0x60] =	vst v2;
	v2 =	vmul.f32 v3, v18  }
0x312: {  	v61 =	vmul.f32 v3, v20;
	[tilespmem:s20+$0xFFFFFF80] =	vst v60  }
0x313: {  	v5 =	vmul.f32 v3, v21;
	[tilespmem:s20+$0xFFFFFF90] =	vst v2  }
0x314: {  	v62 =	vmul.f32 v3, v23;
	[tilespmem:s20+$0xFFFFFFA0] =	vst v61  }
0x315: {  	v2 =	vmul.f32 v3, v22;
	[tilespmem:s20+$0xFFFFFFB0] =	vst v5  }
0x316: {  	s10 =	sadd.s32 $0x1, s10;
	v63 =	vmul.f32 v3, v25;
	[tilespmem:s20+$0xFFFFFFD0] =	vst v62  }
0x317: {  	p0 =	sne.s32 s10, $0x1F;
	[tilespmem:s20+$0xFFFFFFC0] =	vst v2;
	v2 =	vmul.f32 v3, v26  }
.Ltmp5:
0x318: {  	[tilespmem:s20+$0xFFFFFFE0] =	vst v63;
	(pc) =	sbr.rel @p0 .LBB2_4-.Ltmp5, $4  }
0x319: {  	[tilespmem:s20+$0xFFFFFFF0] =	vst v2  }
0x31a: {  	[spmem:s4] =	stream.indirect.scatter.add.f32 [tilespmem:s15], [sflag:$0x8], $0x80, s14, s1, $0xb8;
	[tilespmem:$0x1E980] =	vst v63  }
0x31b: {  	_ = 	snop  }
0x31c: {  	[spmem:s5] =	stream.indirect.scatter.add.f32 [tilespmem:s22], [sflag:$0x8], $0x1, s14, s1, $0xb8;
	[tilespmem:$0x1E980] =	vst v63  }
0x31d: {  	_ =	swait.ge [sflag:s12], $0x2800  }
0x31e: {  	[sflag:s12] =	ssyncset.done $0x0  }
0x31f: {  	[sflag:s12] =	ssyncadd.s32 $0xFFFFD800  }
0x320: {  	_ =	swait.ge [sflag:s12], $0x2800  }
0x321: {  	[sflag:s12] =	ssyncset.done $0x0  }
0x322: {  	[sflag:s12] =	ssyncadd.s32 $0xFFFFD800  }
0x323: {  	_ =	swait.ge [sflag:s8], $0x2800  }
0x324: {  	[sflag:s8] =	ssyncset.done $0x0  }
0x325: {  	[sflag:s8] =	ssyncadd.s32 $0xFFFFD800  }
0x326: {  	_ =	swait.ge [sflag:s8], $0x50  }
0x327: {  	[sflag:s8] =	ssyncset.done $0x0  }
0x328: {  	s10 =	simm.s32 $0x480;
	[sflag:s8] =	ssyncadd.s32 $0xFFFFFFB0  }
0x329: {  	v2 =	vld [tilespmem:s10+$0x60]  }
0x32a: {  	s16 =	simm.s32 $0x2C80;
	v3 =	vld [tilespmem:s10+$0x0]  }
0x32b: {  	v4 =	vld [tilespmem:s16+$0x0]  }
0x32c: {  	v5 =	vld [tilespmem:s10+$0x10]  }
0x32d: {  	v6 =	vld [tilespmem:s16+$0x10]  }
0x32e: {  	v7 =	vld [tilespmem:s10+$0x20]  }
0x32f: {  	v8 =	vld [tilespmem:s16+$0x20]  }
0x330: {  	v9 =	vld [tilespmem:s10+$0x30]  }
0x331: {  	v10 =	vld [tilespmem:s16+$0x30]  }
0x332: {  	v11 =	vld [tilespmem:s10+$0x40];
	v17 =	vsub.f32 v3, v4;
	v18 =	vsub.f32 v5, v6  }
0x333: {  	v12 =	vld [tilespmem:s16+$0x40]  }
0x334: {  	v13 =	vld [tilespmem:s10+$0x50];
	v19 =	vsub.f32 v7, v8;
	v5 =	vmul.f32 v17, v17;
	v6 =	vmul.f32 v18, v18  }
0x335: {  	v3 =	vld [tilespmem:s16+$0x50]  }
0x336: {  	v4 =	vld [tilespmem:s16+$0x60];
	v20 =	vsub.f32 v9, v10;
	v5 =	vadd.f32 v6, v5;
	v6 =	vmul.f32 v19, v19  }
0x337: {  	v7 =	vld [tilespmem:s16+$0xFFFFFF80]  }
0x338: {  	v8 =	vld [tilespmem:s10+$0x70];
	v21 =	vsub.f32 v11, v12;
	v5 =	vadd.f32 v6, v5;
	v6 =	vmul.f32 v20, v20  }
0x339: {  	v9 =	vld [tilespmem:s16+$0x70]  }
0x33a: {  	v10 =	vld [tilespmem:s10+$0xFFFFFF90];
	v22 =	vsub.f32 v13, v3;
	v3 =	vadd.f32 v6, v5;
	v5 =	vmul.f32 v21, v21  }
0x33b: {  	v11 =	vld [tilespmem:s16+$0xFFFFFF90]  }
0x33c: {  	v12 =	vld [tilespmem:s10+$0xFFFFFF80];
	v25 =	vsub.f32 v2, v4;
	v2 =	vadd.f32 v5, v3;
	v3 =	vmul.f32 v22, v22  }
0x33d: {  	v13 =	vld [tilespmem:s16+$0xFFFFFFA0]  }
0x33e: {  	v23 =	vsub.f32 v8, v9;
	v6 =	vld [tilespmem:s10+$0xFFFFFFA0];
	v5 =	vmul.f32 v25, v25;
	v3 =	vadd.f32 v3, v2  }
0x33f: {  	v14 =	vld [tilespmem:s16+$0xFFFFFFB0]  }
0x340: {  	v4 =	vld [tilespmem:s10+$0xFFFFFFB0];
	v2 =	vsub.f32 v10, v11;
	v10 =	vmul.f32 v23, v23;
	v3 =	vadd.f32 v5, v3  }
0x341: {  	v8 =	vld [tilespmem:s10+$0xFFFFFFC0];
	v5 =	vsub.f32 v12, v7  }
0x342: {  	v9 =	vld [tilespmem:s16+$0xFFFFFFC0];
	v10 =	vadd.f32 v10, v3  }
0x343: {  	v7 =	vld [tilespmem:s10+$0xFFFFFFD0];
	v11 =	vmul.f32 v2, v2;
	v3 =	vsub.f32 v6, v13;
	v6 =	vmul.f32 v5, v5  }
0x344: {  	v12 =	vld [tilespmem:s16+$0xFFFFFFD0];
	(xrf2) =	vadd.scan.msk.f32 $0xffff, v10  }
0x345: {  	v15 =	vld [tilespmem:s16+$0xFFFFFFE0];
	v4 =	vsub.f32 v4, v14;
	v10 =	vadd.f32 v11, v6;
	v11 =	vmul.f32 v3, v3  }
0x346: {  	v13 =	vld [tilespmem:s10+$0xFFFFFFE0]  }
0x347: {  	v16 =	vld [tilespmem:s16+$0xFFFFFFF0];
	v6 =	vsub.f32 v8, v9;
	v9 =	vmul.f32 v4, v4;
	v8 =	vadd.f32 v11, v10  }
0x348: {  	s19 =	simm.s32 $0x580;
	v14 =	vld [tilespmem:s10+$0xFFFFFFF0]  }
0x349: {  	v26 =	vld [tilespmem:s19+$0x10];
	v7 =	vsub.f32 v7, v12;
	v11 =	vmul.f32 v6, v6;
	v9 =	vadd.f32 v9, v8  }
0x34a: {  	s20 =	simm.s32 $0x2D80;
	v27 =	vld [tilespmem:s19+$0x20]  }
0x34b: {  	v12 =	vld [tilespmem:s20+$0x0];
	v8 =	vsub.f32 v13, v15;
	v13 =	vmul.f32 v7, v7;
	v9 =	vadd.f32 v11, v9  }
0x34c: {  	v10 =	vld [tilespmem:s19+$0x0]  }
0x34d: {  	v15 =	vld [tilespmem:s20+$0x10];
	v11 =	vsub.f32 v14, v16;
	v9 =	vadd.f32 v13, v9;
	v13 =	vmul.f32 v8, v8  }
0x34e: {  	v28 =	vld [tilespmem:s19+$0x30];
	v14, _, _ =	vpop (xrf2)  }
0x34f: {  	v16 =	vld [tilespmem:s20+$0x20];
	v9 =	vadd.f32 v13, v9;
	v13 =	vmul.f32 v11, v11;
	v14 =	vbroadcast v14, $0xF  }
0x350: {  	v29 =	vld [tilespmem:s20+$0x30]  }
0x351: {  	v30 =	vld [tilespmem:s19+$0x40];
	v13 =	vadd.f32 v13, v9;
	(erf) = vrcp.f32 v14  }
0x352: {  	v31 =	vld [tilespmem:s20+$0x40];
	v9 =	vsub.f32 v10, v12;
	v14 =	vsub.f32 v26, v15  }
0x353: {  	v15 =	vld [tilespmem:s19+$0x50]  }
0x354: {  	v10 =	vsub.f32 v27, v16;
	v26 =	vld [tilespmem:s20+$0x50];
	(xrf2) =	vadd.scan.msk.f32 $0xffff, v13;
	v13 =	vmul.f32 v9, v9;
	v16 =	vmul.f32 v14, v14  }
0x355: {  	v24 =	vld [tilespmem:s19+$0x60]  }
0x356: {  	v32 =	vld [tilespmem:s20+$0xFFFFFF80];
	v12 =	vsub.f32 v28, v29;
	v28 =	vmul.f32 v10, v10;
	v16 =	vadd.f32 v16, v13  }
0x357: {  	v27 =	vld [tilespmem:s20+$0x60]  }
0x358: {  	v33 =	vld [tilespmem:s20+$0x70];
	v13 =	vsub.f32 v30, v31;
	v16 =	vadd.f32 v28, v16;
	v28 =	vmul.f32 v12, v12  }
0x359: {  	v29 =	vld [tilespmem:s19+$0x70];
	v15 =	vsub.f32 v15, v26  }
0x35a: {  	v30 =	vld [tilespmem:s19+$0xFFFFFF90];
	v26 =	vmul.f32 v13, v13;
	v16 =	vadd.f32 v28, v16;
	v34 =	vpop (erf)  }
0x35b: {  	v31 =	vld [tilespmem:s20+$0xFFFFFF90];
	v36 =	vmul.f32 v15, v15;
	v34 =	vxor.u32 $0x80000000, v34  }
0x35c: {  	v28 =	vld [tilespmem:s19+$0xFFFFFF80];
	v26 =	vadd.f32 v26, v16;
	v16 =	vsub.f32 v24, v27;
	v23 =	vmul.f32 v34, v23  }
0x35d: {  	v35 =	vld [tilespmem:s19+$0xFFFFFFA0];
	v24 =	vmul.f32 v34, v17;
	v38 =	vmul.f32 v34, v18  }
0x35e: {  	v37 =	vld [tilespmem:s20+$0xFFFFFFA0];
	v17 =	vsub.f32 v29, v33;
	v18, _, _ =	vpop (xrf2);
	v26 =	vadd.f32 v36, v26;
	[tilespmem:s10+$0x70] =	vst v23;
	v23 =	vmul.f32 v16, v16  }
0x35f: {  	v27 =	vld [tilespmem:s19+$0xFFFFFFB0];
	v59 =	vbroadcast v18, $0xF  }
0x360: {  	v29 =	vld [tilespmem:s20+$0xFFFFFFB0];
	v18 =	vsub.f32 v30, v31;
	v31 =	vmul.f32 v17, v17;
	v26 =	vadd.f32 v23, v26  }
0x361: {  	v30 =	vld [tilespmem:s19+$0xFFFFFFC0];
	[tilespmem:s10+$0x0] =	vst v24;
	v24 =	vmul.f32 v34, v19;
	v19 =	vsub.f32 v28, v32;
	(erf) = vrcp.f32 v59  }
0x362: {  	v60 =	vmul.f32 v34, v20;
	v21 =	vmul.f32 v34, v21;
	v28 =	vld [tilespmem:s20+$0xFFFFFFC0];
	v26 =	vadd.f32 v31, v26  }
0x363: {  	v20 =	vsub.f32 v35, v37;
	[tilespmem:s10+$0x10] =	vst v38;
	v61 =	vmul.f32 v18, v18;
	v23 =	vld [tilespmem:s19+$0xFFFFFFD0];
	v62 =	vmul.f32 v19, v19  }
0x364: {  	v22 =	vmul.f32 v34, v22;
	[tilespmem:s10+$0x20] =	vst v24;
	v24 =	vld [tilespmem:s20+$0xFFFFFFD0];
	(xrf2) =	vadd.scan.msk.f32 $0xffff, v26  }
0x365: {  	[tilespmem:s10+$0x40] =	vst v21;
	v63 =	vmul.f32 v20, v20;
	v21 =	vsub.f32 v27, v29;
	v27 =	vld [tilespmem:s20+$0xFFFFFFE0];
	v29 =	vadd.f32 v61, v62  }
0x366: {  	[tilespmem:s10+$0x30] =	vst v60;
	v31 =	vmul.f32 v34, v25;
	v25 =	vld [tilespmem:s19+$0xFFFFFFE0]  }
0x367: {  	[tilespmem:s10+$0x50] =	vst v22;
	v22 =	vsub.f32 v30, v28;
	v30 =	vmul.f32 v21, v21;
	v28 =	vld [tilespmem:s20+$0xFFFFFFF0];
	v29 =	vadd.f32 v63, v29  }
0x368: {  	s17 =	simm.s32 $0x680;
	s16 =	simm.s32 $0x2;
	v26 =	vld [tilespmem:s19+$0xFFFFFFF0];
	[tilespmem:s10+$0x60] =	vst v31  }
.LBB2_14:
0x369: {  	v31 =	vld [tilespmem:s17+$0x60];
	v23 =	vsub.f32 v23, v24;
	v24 =	vadd.f32 v30, v29;
	v29 =	vmul.f32 v22, v22  }
0x36a: {  	s20 =	sadd.s32 $0x100, s20;
	v30 =	vld [tilespmem:s17+$0x0];
	v32 =	vpop (erf)  }
0x36b: {  	v33 =	vld [tilespmem:s20+$0x0];
	v25 =	vsub.f32 v25, v27;
	v24 =	vadd.f32 v29, v24;
	v27 =	vmul.f32 v23, v23  }
0x36c: {  	v32 =	vxor.u32 $0x80000000, v32;
	v29 =	vld [tilespmem:s17+$0x10]  }
0x36d: {  	s16 =	sadd.s32 $0x2, s16;
	v34 =	vld [tilespmem:s20+$0x10];
	v26 =	vsub.f32 v26, v28;
	v24 =	vadd.f32 v27, v24;
	v27 =	vmul.f32 v25, v25  }
0x36e: {  	p0 =	slt.u32 s16, $0x4E;
	v36 =	vmul.f32 v32, v5;
	v37 =	vmul.f32 v32, v2;
	v2 =	vmov v18;
	v28 =	vld [tilespmem:s17+$0x20];
	v35, _, _ =	vpop (xrf2)  }
0x36f: {  	v5 =	vmovc v19;
	v18 =	vld [tilespmem:s20+$0x20];
	v24 =	vadd.f32 v27, v24;
	v27 =	vmul.f32 v26, v26;
	v35 =	vbroadcast v35, $0xF  }
0x370: {  	v38 =	vmul.f32 v32, v4;
	v4 =	vmovc v21;
	v19 =	vld [tilespmem:s17+$0x30];
	[tilespmem:s10+$0xFFFFFF80] =	vst v36;
	v36 =	vmul.f32 v32, v3;
	v3 =	vmov v20  }
0x371: {  	v20 =	vld [tilespmem:s20+$0x30];
	v21 =	vadd.f32 v27, v24;
	(erf) = vrcp.f32 v35;
	[tilespmem:s10+$0xFFFFFF90] =	vst v37;
	v24 =	vmul.f32 v32, v6;
	v6 =	vmovc v22  }
0x372: {  	v22 =	vsub.f32 v30, v33;
	v30 =	vmul.f32 v32, v7;
	v27 =	vsub.f32 v29, v34;
	v29 =	vld [tilespmem:s17+$0x40];
	[tilespmem:s10+$0xFFFFFFA0] =	vst v36  }
0x373: {  	v7 =	vmovc v23;
	v33 =	vld [tilespmem:s20+$0x40];
	(xrf2) =	vadd.scan.msk.f32 $0xffff, v21;
	[tilespmem:s10+$0xFFFFFFB0] =	vst v38;
	v21 =	vmul.f32 v32, v8;
	v32 =	vmul.f32 v32, v11  }
0x374: {  	v18 =	vsub.f32 v28, v18;
	v23 =	vld [tilespmem:s17+$0x50];
	v28 =	vmul.f32 v22, v22;
	v34 =	vmul.f32 v27, v27;
	[tilespmem:s10+$0xFFFFFFC0] =	vst v24  }
0x375: {  	v8 =	vmov v25;
	v11 =	vmov v26;
	v24 =	vld [tilespmem:s20+$0x50];
	[tilespmem:s10+$0xFFFFFFD0] =	vst v30  }
0x376: {  	v20 =	vsub.f32 v19, v20;
	v19 =	vld [tilespmem:s20+$0x60];
	v25 =	vadd.f32 v34, v28;
	v26 =	vmul.f32 v18, v18;
	[tilespmem:s10+$0xFFFFFFE0] =	vst v21  }
0x377: {  	v21 =	vld [tilespmem:s20+$0xFFFFFF80];
	[tilespmem:s10+$0xFFFFFFF0] =	vst v32;
	s10 =	smov.u32 s19;
	s19 =	smov.u32 s17  }
0x378: {  	v28 =	vsub.f32 v29, v33;
	v29 =	vld [tilespmem:s17+$0x70];
	v34 =	vadd.f32 v26, v25;
	v26 =	vmul.f32 v20, v20  }
0x379: {  	v30 =	vld [tilespmem:s20+$0x70]  }
0x37a: {  	v32 =	vld [tilespmem:s17+$0xFFFFFF90];
	v33 =	vsub.f32 v23, v24;
	v23 =	vadd.f32 v26, v34;
	v24 =	vmul.f32 v28, v28;
	v25 =	vpop (erf)  }
0x37b: {  	v26 =	vld [tilespmem:s20+$0xFFFFFF90];
	v31 =	vsub.f32 v31, v19;
	v25 =	vxor.u32 $0x80000000, v25  }
0x37c: {  	v19 =	vld [tilespmem:s17+$0xFFFFFF80];
	v23 =	vadd.f32 v24, v23;
	v24 =	vmul.f32 v33, v33;
	v34 =	vmul.f32 v25, v17  }
0x37d: {  	v36 =	vmul.f32 v25, v9;
	v37 =	vmul.f32 v25, v14;
	v9 =	vmov v22;
	v35 =	vld [tilespmem:s17+$0xFFFFFFA0];
	v14, _, _ =	vpop (xrf2)  }
0x37e: {  	v22 =	vld [tilespmem:s20+$0xFFFFFFA0];
	v17 =	vsub.f32 v29, v30;
	v23 =	vadd.f32 v24, v23;
	v24 =	vmul.f32 v31, v31;
	[tilespmem:s10+$0x70] =	vst v34  }
0x37f: {  	v30 =	vbroadcast v14, $0xF;
	v34 =	vmul.f32 v25, v10;
	v14 =	vmovc v27;
	v10 =	vmov v18;
	v29 =	vld [tilespmem:s17+$0xFFFFFFB0];
	[tilespmem:s10+$0x0] =	vst v36  }
0x380: {  	v18 =	vsub.f32 v32, v26;
	v26 =	vld [tilespmem:s20+$0xFFFFFFB0];
	v23 =	vadd.f32 v24, v23;
	v24 =	vmul.f32 v17, v17;
	[tilespmem:s10+$0x10] =	vst v37  }
0x381: {  	v19 =	vsub.f32 v19, v21;
	v32 =	vld [tilespmem:s17+$0xFFFFFFC0];
	[tilespmem:s10+$0x20] =	vst v34;
	v21 =	vmul.f32 v25, v12;
	(erf) = vrcp.f32 v30;
	v12 =	vmovc v20  }
0x382: {  	v36 =	vmul.f32 v25, v13;
	v13 =	vmovc v28;
	v30 =	vld [tilespmem:s20+$0xFFFFFFC0];
	v27 =	vmul.f32 v18, v18;
	v34 =	vadd.f32 v24, v23  }
0x383: {  	v28 =	vmul.f32 v25, v15;
	v20 =	vsub.f32 v35, v22;
	v23 =	vld [tilespmem:s17+$0xFFFFFFD0];
	v22 =	vmul.f32 v19, v19;
	[tilespmem:s10+$0x30] =	vst v21  }
.Ltmp6:
0x384: {  	v15 =	vmovc v33;
	v24 =	vld [tilespmem:s20+$0xFFFFFFD0];
	(xrf2) =	vadd.scan.msk.f32 $0xffff, v34;
	[tilespmem:s10+$0x40] =	vst v36;
	v34 =	vmul.f32 v25, v16;
	v16 =	vmov v31;
	(pc) =	sbr.rel @p0 .LBB2_14-.Ltmp6, $4  }
0x385: {  	v21 =	vsub.f32 v29, v26;
	v25 =	vld [tilespmem:s17+$0xFFFFFFE0];
	v29 =	vadd.f32 v27, v22;
	v31 =	vmul.f32 v20, v20;
	[tilespmem:s10+$0x50] =	vst v28  }
0x386: {  	v27 =	vld [tilespmem:s20+$0xFFFFFFE0];
	[tilespmem:s10+$0x60] =	vst v34  }
0x387: {  	v22 =	vsub.f32 v32, v30;
	v26 =	vld [tilespmem:s17+$0xFFFFFFF0];
	v29 =	vadd.f32 v31, v29;
	v30 =	vmul.f32 v21, v21  }
0x388: {  	s17 =	sadd.s32 $0x100, s17;
	v28 =	vld [tilespmem:s20+$0xFFFFFFF0]  }
0x389: {  	v23 =	vsub.f32 v23, v24;
	v44 =	vadd.f32 v30, v29;
	v45 =	vmul.f32 v22, v22;
	_ =	sdelay $0x1  }
0x38a: {  	v25 =	vsub.f32 v25, v27;
	v24 =	vadd.f32 v45, v44;
	v46 =	vmul.f32 v23, v23;
	_ =	sdelay $0x1  }
0x38b: {  	v26 =	vsub.f32 v26, v28;
	v24 =	vadd.f32 v46, v24;
	v47 =	vmul.f32 v25, v25;
	_ =	sdelay $0x1  }
0x38c: {  	v24 =	vadd.f32 v47, v24;
	v48 =	vmul.f32 v26, v26;
	_ =	sdelay $0x1  }
0x38d: {  	v24 =	vadd.f32 v48, v24;
	_ =	sdelay $0x1  }
0x38e: {  	(xrf2) =	vadd.scan.msk.f32 $0xffff, v24;
	_ =	sdelay $0x2  }
0x38f: {  	v49, _, _ =	vpop (xrf2)  }
0x390: {  	v24 =	vbroadcast v49, $0xF;
	_ =	sdelay $0x1  }
0x391: {  	(erf) = vrcp.f32 v24  }
0x392: {  	v50 =	vpop (erf)  }
0x393: {  	v24 =	vxor.u32 $0x80000000, v50  }
0x394: {  	v2 =	vmul.f32 v24, v2  }
0x395: {  	v5 =	vmul.f32 v24, v5;
	v51, _, _ =	vpop (xrf2)  }
0x396: {  	v3 =	vmul.f32 v24, v3;
	[tilespmem:s10+$0xFFFFFF90] =	vst v2;
	v2 =	vbroadcast v51, $0xF  }
0x397: {  	v4 =	vmul.f32 v24, v4;
	[tilespmem:s10+$0xFFFFFF80] =	vst v5  }
0x398: {  	v52 =	vmul.f32 v24, v6;
	[tilespmem:s10+$0xFFFFFFA0] =	vst v3  }
0x399: {  	v53 =	vmul.f32 v24, v8;
	[tilespmem:s10+$0xFFFFFFB0] =	vst v4;
	(erf) = vrcp.f32 v2  }
0x39a: {  	v3 =	vmul.f32 v24, v7;
	[tilespmem:s10+$0xFFFFFFC0] =	vst v52;
	v2 =	vpop (erf)  }
0x39b: {  	v54 =	vmul.f32 v24, v11;
	[tilespmem:s10+$0xFFFFFFE0] =	vst v53;
	v2 =	vxor.u32 $0x80000000, v2  }
0x39c: {  	[tilespmem:s10+$0xFFFFFFD0] =	vst v3;
	v3 =	vmul.f32 v2, v17  }
0x39d: {  	[tilespmem:s10+$0xFFFFFFF0] =	vst v54;
	v55 =	vmul.f32 v2, v9  }
0x39e: {  	v56 =	vmul.f32 v2, v14;
	[tilespmem:s19+$0x70] =	vst v3  }
0x39f: {  	[tilespmem:s19+$0x0] =	vst v55;
	v3 =	vmul.f32 v2, v10  }
0x3a0: {  	v57 =	vmul.f32 v2, v12;
	[tilespmem:s19+$0x10] =	vst v56  }
0x3a1: {  	[tilespmem:s19+$0x20] =	vst v3;
	v3 =	vmul.f32 v2, v13  }
0x3a2: {  	v58 =	vmul.f32 v2, v15;
	[tilespmem:s19+$0x30] =	vst v57;
	v59 =	vpop (erf)  }
0x3a3: {  	v2 =	vmul.f32 v2, v16;
	[tilespmem:s19+$0x40] =	vst v3;
	v3 =	vxor.u32 $0x80000000, v59  }
0x3a4: {  	[tilespmem:s19+$0x50] =	vst v58;
	v60 =	vmul.f32 v3, v19  }
0x3a5: {  	[tilespmem:s19+$0x60] =	vst v2;
	v2 =	vmul.f32 v3, v18  }
0x3a6: {  	v61 =	vmul.f32 v3, v20;
	[tilespmem:s19+$0xFFFFFF80] =	vst v60  }
0x3a7: {  	v5 =	vmul.f32 v3, v21;
	[tilespmem:s19+$0xFFFFFF90] =	vst v2  }
0x3a8: {  	v62 =	vmul.f32 v3, v23;
	[tilespmem:s19+$0xFFFFFFA0] =	vst v61  }
0x3a9: {  	v2 =	vmul.f32 v3, v22;
	[tilespmem:s19+$0xFFFFFFB0] =	vst v5  }
0x3aa: {  	v63 =	vmul.f32 v3, v25;
	[tilespmem:s19+$0xFFFFFFD0] =	vst v62  }
0x3ab: {  	[tilespmem:s19+$0xFFFFFFC0] =	vst v2;
	v2 =	vmul.f32 v3, v26  }
0x3ac: {  	[tilespmem:s19+$0xFFFFFFE0] =	vst v63  }
0x3ad: {  	[tilespmem:s19+$0xFFFFFFF0] =	vst v2  }
0x3ae: {  	[spmem:s4] =	stream.indirect.scatter.add.f32 [tilespmem:s29], [sflag:$0x7], $0x80, s3, s1, $0xb8;
	[tilespmem:$0x1E980] =	vst v63  }
0x3af: {  	_ = 	snop  }
0x3b0: {  	[spmem:s5] =	stream.indirect.scatter.add.f32 [tilespmem:s22], [sflag:$0x7], $0x1, s3, s1, $0xb8;
	[tilespmem:$0x1E980] =	vst v63  }
0x3b1: {  	_ =	swait.ge [sflag:s24], $0x2800  }
0x3b2: {  	[sflag:s24] =	ssyncset.done $0x0  }
0x3b3: {  	[sflag:s24] =	ssyncadd.s32 $0xFFFFD800  }
0x3b4: {  	_ =	swait.ge [sflag:s24], $0x50  }
0x3b5: {  	[sflag:s24] =	ssyncset.done $0x0  }
0x3b6: {  	[sflag:s24] =	ssyncadd.s32 $0xFFFFFFB0  }
0x3b7: {  	s20 =	stileid.u32;
	[bflag:$0x0] =	sbarrier.arrive $0xFFFF  }
0x3b8: {  	s10 =	sshll.u32 s20, $0x6;
	s17 =	rddreg [dreg:$0x6]  }
0x3b9: {  	s10 =	sor.u32 $0x1C09, s10;
	s21 =	rddreg [dreg:$0x14];
	s16 =	sshrl.u32 s17, $0x3  }
0x3ba: {  	[hbm:s21], [sflag:s10] =	dma.local [spmem:s16], $0x2800  }
0x3bb: {  	s21 =	simm.s32 $0x9  }
0x3bc: {  	_ =	swait.ge [sflag:s21], $0x2800  }
0x3bd: {  	[sflag:s21] =	ssyncset.done $0x0;
	s19 =	rddreg [dreg:$0xc]  }
0x3be: {  	s20 =	rddreg [dreg:$0x15];
	[sflag:s21] =	ssyncadd.s32 $0xFFFFD800;
	s25 =	sshrl.u32 s19, $0x3  }
0x3bf: {  	[hbm:s20], [sflag:s10] =	dma.local [spmem:s25], $0x50  }
0x3c0: {  	_ =	swait.ge [sflag:s21], $0x50  }
0x3c1: {  	s20 =	rddreg [dreg:$0x1a]  }
0x3c2: {  	s25 =	rddreg [dreg:$0x16];
	s16 =	sadd.s32 $0x1, s20  }
0x3c3: {  	p0 =	sne.s32 s16, s25  }
.Ltmp7:
0x3c4: {  	_ = 	snop;
	(pc) =	sbr.rel @p0 .LBB2_1-.Ltmp7, $3  }
0x3c5: {  	_ =	sdelay $0x1  }
0x3c6: {  	[sflag:s21] =	ssyncset.done $0x0  }
0x3c7: {  	[sflag:s21] =	ssyncadd.s32 $0xFFFFFFB0  }
0x3c8: {  	_ =	sfence.sel $0x180000  }
0x3c9: {  	[bflag:$0x0] =	sbarrier.arrive $0xFFFF  }
0x3ca: {  	_ =	strace $0x90000047  }
0x3cb: {  	s0 =	stileid.u32;
	[bflag:$0x2] =	sbarrier.arrive $0xFFFF  }
0x3cc: {  	p0 =	sne.s32 s0, $0x0;
	s0 =	rddreg [dreg:$0x5]  }
0x3cd: {  	s0 =	sadd.s32 @!p0 $0x100000, s0  }
0x3ce: {  	[sflag:s0] =	ssyncadd.tile.s32 @!p0 $0x1;
	_ =	shalt  }
.Lfunc_end2:
_tile_overlayer_lowered:
.L_overlay_start_2:
0x3cf: {  	(tag) =	ssettag $0x2  }
0x3d0: {  	s0 =	rddreg [dreg:$0x0];
	s2 =	stileid.u32  }
0x3d1: {  	s1 =	rddreg [dreg:$0x1];
	p0 =	sne.s32 s2, $0x0  }
0x3d2: {  	s3 =	rddreg [dreg:$0x2];
	[bflag:$0x3] =	sbarrier.arrive $0xFFFF;
	s2 =	simm.s32 @!p0 $0x1C09  }
0x3d3: {  	[timem:s3], [sflag:s2] =	dma.local @!p0 [hbm:s0], s1  }
0x3d4: {  	s0 =	simm.s32 @!p0 $0x9  }
0x3d5: {  	_ =	swait.ge @!p0 [sflag:s0], s1  }
0x3d6: {  	s1 =	ssub.s32 @!p0 $0x0, s1;
	[sflag:s0] =	ssyncset.done @!p0 $0x0  }
0x3d7: {  	[sflag:s0] =	ssyncadd.s32 @!p0 s1  }
0x3d8: {  	[bflag:$0x3] =	sbarrier.arrive $0xFFFF  }
0x3d9: {  	_ =	shalt  }

</sc_bundles>
